<compile_context>
chip_gen: v7x
topology: tpu7x:2x2x1
jax: 0.10.2.dev20260603
libtpu: 0.0.44.dev20260713+nightly
codegen_flags: <defaults>
</compile_context>

<pallas_src>
import functools

import jax
import jax.numpy as jnp
from jax import lax
from jax.experimental import pallas as pl
from jax.experimental.pallas import tpu as pltpu
from jax.experimental.pallas import tpu_sc as plsc

_NCLASS = 1000
_NCPAD = 1024
_D = 128
_B = 16384
_L = 16
_NC = 2
_NS = 16
_NW = _NC * _NS
_BPW = _B // _NW
_NCHUNK = 4
_CH = _BPW // _NCHUNK
_NVJ = _D // _L
_NBUF = 3
_UNROLL = 8


def _sc_center_loss(feat_r, y_r, negc):
  mesh = plsc.VectorSubcoreMesh(core_axis_name="c", subcore_axis_name="s")

  @functools.partial(
      pl.kernel,
      mesh=mesh,
      out_type=jax.ShapeDtypeStruct((_NW, _L), jnp.float32),
      scratch_types=[
          pltpu.VMEM((_NCHUNK, _CH), jnp.int32),
          pltpu.VMEM((_CH, _D), jnp.float32),
          pltpu.VMEM((_CH, _D), jnp.float32),
          pltpu.VMEM((_CH, _D), jnp.float32),
          pltpu.VMEM((_L,), jnp.float32),
          pltpu.VMEM_SHARED((_NCPAD, _D), jnp.float32),
          pltpu.SemaphoreType.DMA,
          pltpu.SemaphoreType.DMA,
          pltpu.SemaphoreType.DMA,
          pltpu.SemaphoreType.DMA,
          pltpu.SemaphoreType.DMA,
          pltpu.SemaphoreType.DMA,
          pltpu.SemaphoreType.DMA,
      ],
  )
  def body(feat_hbm, y_hbm, negc_hbm, out_hbm,
           idx_v, b0, b1, b2, acc_v, spm,
           f0, f1, f2, a0, a1, a2, ssem):
    wid = lax.axis_index("s") * _NC + lax.axis_index("c")
    sid = lax.axis_index("s")

    bufs = (b0, b1, b2)
    fsems = (f0, f1, f2)
    asems = (a0, a1, a2)

    feat_h = [None] * _NCHUNK
    add_h = [None] * _NCHUNK

    def fire_feat(c):
      feat_h[c] = pltpu.async_copy(
          feat_hbm.at[wid * _NCHUNK + c], bufs[c % _NBUF], fsems[c % _NBUF])

    def fire_add(c):
      feat_h[c].wait()
      add_h[c] = pltpu.async_copy(
          spm.at[idx_v.at[c]], bufs[c % _NBUF], asems[c % _NBUF],
          add=True)

    for c in range(_NBUF):
      fire_feat(c)
    rpt = _NCPAD // _NS
    stage_h = pltpu.async_copy(negc_hbm.at[pl.ds(sid * rpt, rpt)],
                               spm.at[pl.ds(sid * rpt, rpt)], ssem)
    pltpu.sync_copy(y_hbm.at[wid], idx_v)
    stage_h.wait()
    plsc.subcore_barrier()
    fire_add(0)

    accs = tuple(jnp.zeros((_L,), jnp.float32) for _ in range(_NVJ))
    for c in range(_NCHUNK):
      if c + 1 < _NCHUNK:
        fire_add(c + 1)
      add_h[c].wait()
      buf = bufs[c % _NBUF]

      def row_body(i, acc, buf=buf):
        new = list(acc)
        base = i * _UNROLL
        for r in range(_UNROLL):
          for j in range(_NVJ):
            d = buf[base + r, pl.ds(j * _L, _L)]
            new[j] = new[j] + d * d
        return tuple(new)

      accs = lax.fori_loop(0, _CH // _UNROLL, row_body, accs)
      if c + _NBUF < _NCHUNK:
        fire_feat(c + _NBUF)

    total = accs[0]
    for j in range(1, _NVJ):
      total = total + accs[j]
    acc_v[...] = total
    pltpu.sync_copy(acc_v, out_hbm.at[wid])

  return body(feat_r, y_r, negc)


def kernel(feat, logits, y, centers):
  del logits
  y_r = y.astype(jnp.int32).reshape(_NW, _NCHUNK, _CH)
  feat_r = feat.reshape(_NW * _NCHUNK, _CH, _D)
  negc = jnp.zeros((_NCPAD, _D), jnp.float32).at[:_NCLASS].set(-centers)
  partials = _sc_center_loss(feat_r, y_r, negc)
  return jnp.sum(partials) / 2.0 / _B

# --- scband reference (transcript-rebuilt; emitter-appended) ---
"""Pipeline reference for scband-center-loss-88948772700281 (READ-ONLY COPY).

The authoritative reference and input builder live on the scoring server;
editing this copy changes nothing except your own understanding.
"""

import jax, jax.numpy as jnp
import numpy as np

NCLASS = 1000
NFEAT = 128
BATCH = 16384


def setup_inputs(seed: int = 0) -> dict:
    key = jax.random.key(seed)
    k1, k2, k3, k4 = jax.random.split(key, 4)
    feat = jax.random.normal(k1, (BATCH, NFEAT), dtype=jnp.float32)
    logits = jax.random.normal(k2, (BATCH, NCLASS), dtype=jnp.float32)
    y = jax.random.randint(k3, (BATCH,), 0, NCLASS, dtype=jnp.int64)
    centers = jax.random.normal(k4, (NCLASS, NFEAT), dtype=jnp.float32)
    return {"feat": feat, "logits": logits, "y": y, "centers": centers}


def reference(feat, logits, y, centers):
    # CenterLoss.forward: gather centers by label, squared euclidean distance sum
    batch_size = feat.shape[0]
    feat = feat.reshape(batch_size, -1)
    centers_batch = jnp.take(centers, y, axis=0)  # index_select(0, y) -> gather
    sqdist_sum = jnp.sum((feat - centers_batch) ** 2)  # euclidean distance.sqdist_sum
    return sqdist_sum / 2.0 / batch_size

if __name__ == "__main__":
    import jax
    _d = setup_inputs()
    print(jax.jit(kernel)(*tuple(_d.values())))

</pallas_src>

<mosaic_0001>
#map = affine_map<(d0, d1) -> (0, 0, 0)>
#map1 = affine_map<(d0, d1) -> (0, 0)>
module attributes {stable_mosaic.version = 14 : i64} {
  func.func @body(%arg0: i32, %arg1: i32, %arg2: memref<128x128x128xf32, #tpu.memory_space<hbm>>, %arg3: memref<32x4x128xi32, #tpu.memory_space<hbm>>, %arg4: memref<1024x128xf32, #tpu.memory_space<hbm>>, %arg5: memref<32x16xf32, #tpu.memory_space<hbm>>, %arg6: memref<4x128xi32, #tpu.memory_space<vmem>>, %arg7: memref<128x128xf32, #tpu.memory_space<vmem>>, %arg8: memref<128x128xf32, #tpu.memory_space<vmem>>, %arg9: memref<128x128xf32, #tpu.memory_space<vmem>>, %arg10: memref<16xf32, #tpu.memory_space<vmem>>, %arg11: memref<1024x128xf32, #tpu.memory_space<vmem_shared>>, %arg12: memref<!tpu.dma_semaphore, #tpu.memory_space<semaphore_mem>>, %arg13: memref<!tpu.dma_semaphore, #tpu.memory_space<semaphore_mem>>, %arg14: memref<!tpu.dma_semaphore, #tpu.memory_space<semaphore_mem>>, %arg15: memref<!tpu.dma_semaphore, #tpu.memory_space<semaphore_mem>>, %arg16: memref<!tpu.dma_semaphore, #tpu.memory_space<semaphore_mem>>, %arg17: memref<!tpu.dma_semaphore, #tpu.memory_space<semaphore_mem>>, %arg18: memref<!tpu.dma_semaphore, #tpu.memory_space<semaphore_mem>>) attributes {dimension_semantics = [#tpu.dimension_semantics<core_parallel>, #tpu.dimension_semantics<subcore_parallel>], iteration_bounds = array<i64: 2, 16>, scalar_prefetch = 0 : i64, scratch_operands = 13 : i64, tpu.core_type = #tpu.core_type<sc_vector_subcore>, window_params = [{transform_indices = #map}, {transform_indices = #map}, {transform_indices = #map1}, {transform_indices = #map1}]} {
    %mul3A = arith.constant 2 : i32
    %mul3A_0 = arith.muli %arg1, %mul3A : i32
    %add3A = arith.addi %mul3A_0, %arg0 : i32
    %mul3A_1 = arith.constant 4 : i32
    %mul3A_2 = arith.muli %add3A, %mul3A_1 : i32
    %add3A_3 = arith.constant 0 : i32
    %add3A_4 = arith.addi %mul3A_2, %add3A_3 : i32
    %dma_start3A = arith.constant 0 : i32
    %dma_start3A_5 = arith.constant 0 : i32
    %dma_start3A_6 = tpu.memref_slice %arg2[%add3A_4, %dma_start3A, %dma_start3A_5] : memref<128x128x128xf32, #tpu.memory_space<hbm>> -> memref<1x128x128xf32, #tpu.memory_space<hbm>>
    %dma_start3A_7 = tpu.memref_squeeze %dma_start3A_6 : memref<1x128x128xf32, #tpu.memory_space<hbm>> -> memref<128x128xf32, #tpu.memory_space<hbm>>
    %dma_start3A_8 = arith.constant 0 : i32
    %dma_start3A_9 = arith.constant 0 : i32
    %dma_start3A_10 = tpu.memref_slice %arg2[%add3A_4, %dma_start3A_8, %dma_start3A_9] : memref<128x128x128xf32, #tpu.memory_space<hbm>> -> memref<1x128x128xf32, #tpu.memory_space<hbm>>
    %dma_start3A_11 = tpu.memref_squeeze %dma_start3A_10 : memref<1x128x128xf32, #tpu.memory_space<hbm>> -> memref<128x128xf32, #tpu.memory_space<hbm>>
    tpu.enqueue_dma source(%dma_start3A_11 : memref<128x128xf32, #tpu.memory_space<hbm>>) target(%arg7 : memref<128x128xf32, #tpu.memory_space<vmem>>) target_semaphore(%arg12 : memref<!tpu.dma_semaphore, #tpu.memory_space<semaphore_mem>>)
    %mul3A_12 = arith.constant 4 : i32
    %mul3A_13 = arith.muli %add3A, %mul3A_12 : i32
    %add3A_14 = arith.constant 1 : i32
    %add3A_15 = arith.addi %mul3A_13, %add3A_14 : i32
    %dma_start3A_16 = arith.constant 0 : i32
    %dma_start3A_17 = arith.constant 0 : i32
    %dma_start3A_18 = tpu.memref_slice %arg2[%add3A_15, %dma_start3A_16, %dma_start3A_17] : memref<128x128x128xf32, #tpu.memory_space<hbm>> -> memref<1x128x128xf32, #tpu.memory_space<hbm>>
    %dma_start3A_19 = tpu.memref_squeeze %dma_start3A_18 : memref<1x128x128xf32, #tpu.memory_space<hbm>> -> memref<128x128xf32, #tpu.memory_space<hbm>>
    %dma_start3A_20 = arith.constant 0 : i32
    %dma_start3A_21 = arith.constant 0 : i32
    %dma_start3A_22 = tpu.memref_slice %arg2[%add3A_15, %dma_start3A_20, %dma_start3A_21] : memref<128x128x128xf32, #tpu.memory_space<hbm>> -> memref<1x128x128xf32, #tpu.memory_space<hbm>>
    %dma_start3A_23 = tpu.memref_squeeze %dma_start3A_22 : memref<1x128x128xf32, #tpu.memory_space<hbm>> -> memref<128x128xf32, #tpu.memory_space<hbm>>
    tpu.enqueue_dma source(%dma_start3A_23 : memref<128x128xf32, #tpu.memory_space<hbm>>) target(%arg8 : memref<128x128xf32, #tpu.memory_space<vmem>>) target_semaphore(%arg13 : memref<!tpu.dma_semaphore, #tpu.memory_space<semaphore_mem>>)
    %mul3A_24 = arith.constant 4 : i32
    %mul3A_25 = arith.muli %add3A, %mul3A_24 : i32
    %add3A_26 = arith.constant 2 : i32
    %add3A_27 = arith.addi %mul3A_25, %add3A_26 : i32
    %dma_start3A_28 = arith.constant 0 : i32
    %dma_start3A_29 = arith.constant 0 : i32
    %dma_start3A_30 = tpu.memref_slice %arg2[%add3A_27, %dma_start3A_28, %dma_start3A_29] : memref<128x128x128xf32, #tpu.memory_space<hbm>> -> memref<1x128x128xf32, #tpu.memory_space<hbm>>
    %dma_start3A_31 = tpu.memref_squeeze %dma_start3A_30 : memref<1x128x128xf32, #tpu.memory_space<hbm>> -> memref<128x128xf32, #tpu.memory_space<hbm>>
    %dma_start3A_32 = arith.constant 0 : i32
    %dma_start3A_33 = arith.constant 0 : i32
    %dma_start3A_34 = tpu.memref_slice %arg2[%add3A_27, %dma_start3A_32, %dma_start3A_33] : memref<128x128x128xf32, #tpu.memory_space<hbm>> -> memref<1x128x128xf32, #tpu.memory_space<hbm>>
    %dma_start3A_35 = tpu.memref_squeeze %dma_start3A_34 : memref<1x128x128xf32, #tpu.memory_space<hbm>> -> memref<128x128xf32, #tpu.memory_space<hbm>>
    tpu.enqueue_dma source(%dma_start3A_35 : memref<128x128xf32, #tpu.memory_space<hbm>>) target(%arg9 : memref<128x128xf32, #tpu.memory_space<vmem>>) target_semaphore(%arg14 : memref<!tpu.dma_semaphore, #tpu.memory_space<semaphore_mem>>)
    %mul3A_36 = arith.constant 64 : i32
    %mul3A_37 = arith.muli %arg1, %mul3A_36 : i32
    %mul3A_38 = arith.constant 64 : i32
    %mul3A_39 = arith.muli %arg1, %mul3A_38 : i32
    %dma_start3A_40 = arith.constant 0 : i32
    %dma_start3A_41 = tpu.memref_slice %arg11[%mul3A_39, %dma_start3A_40] : memref<1024x128xf32, #tpu.memory_space<vmem_shared>> -> memref<64x128xf32, #tpu.memory_space<vmem_shared>>
    %dma_start3A_42 = arith.constant 0 : i32
    %dma_start3A_43 = tpu.memref_slice %arg4[%mul3A_37, %dma_start3A_42] : memref<1024x128xf32, #tpu.memory_space<hbm>> -> memref<64x128xf32, #tpu.memory_space<hbm>>
    tpu.enqueue_dma source(%dma_start3A_43 : memref<64x128xf32, #tpu.memory_space<hbm>>) target(%dma_start3A_41 : memref<64x128xf32, #tpu.memory_space<vmem_shared>>) target_semaphore(%arg18 : memref<!tpu.dma_semaphore, #tpu.memory_space<semaphore_mem>>)
    "tpu.region"() ({
      %run_scoped3A = tpu.sem_alloc : memref<!tpu.dma_semaphore, #tpu.memory_space<semaphore_mem>>
      %dma_start3A_195 = arith.constant 0 : i32
      %dma_start3A_196 = arith.constant 0 : i32
      %dma_start3A_197 = tpu.memref_slice %arg3[%add3A, %dma_start3A_195, %dma_start3A_196] : memref<32x4x128xi32, #tpu.memory_space<hbm>> -> memref<1x4x128xi32, #tpu.memory_space<hbm>>
      %dma_start3A_198 = tpu.memref_squeeze %dma_start3A_197 : memref<1x4x128xi32, #tpu.memory_space<hbm>> -> memref<4x128xi32, #tpu.memory_space<hbm>>
      %dma_start3A_199 = arith.constant 0 : i32
      %dma_start3A_200 = arith.constant 0 : i32
      %dma_start3A_201 = tpu.memref_slice %arg3[%add3A, %dma_start3A_199, %dma_start3A_200] : memref<32x4x128xi32, #tpu.memory_space<hbm>> -> memref<1x4x128xi32, #tpu.memory_space<hbm>>
      %dma_start3A_202 = tpu.memref_squeeze %dma_start3A_201 : memref<1x4x128xi32, #tpu.memory_space<hbm>> -> memref<4x128xi32, #tpu.memory_space<hbm>>
      tpu.enqueue_dma source(%dma_start3A_202 : memref<4x128xi32, #tpu.memory_space<hbm>>) target(%arg6 : memref<4x128xi32, #tpu.memory_space<vmem>>) target_semaphore(%run_scoped3A : memref<!tpu.dma_semaphore, #tpu.memory_space<semaphore_mem>>)
      %dma_wait3A_203 = arith.constant 0 : i32
      %dma_wait3A_204 = arith.constant 0 : i32
      %dma_wait3A_205 = tpu.memref_slice %arg3[%add3A, %dma_wait3A_203, %dma_wait3A_204] : memref<32x4x128xi32, #tpu.memory_space<hbm>> -> memref<1x4x128xi32, #tpu.memory_space<hbm>>
      %dma_wait3A_206 = tpu.memref_squeeze %dma_wait3A_205 : memref<1x4x128xi32, #tpu.memory_space<hbm>> -> memref<4x128xi32, #tpu.memory_space<hbm>>
      %dma_wait3A_207 = arith.constant 0 : i32
      %dma_wait3A_208 = arith.constant 0 : i32
      %dma_wait3A_209 = tpu.memref_slice %arg3[%add3A, %dma_wait3A_207, %dma_wait3A_208] : memref<32x4x128xi32, #tpu.memory_space<hbm>> -> memref<1x4x128xi32, #tpu.memory_space<hbm>>
      %dma_wait3A_210 = tpu.memref_squeeze %dma_wait3A_209 : memref<1x4x128xi32, #tpu.memory_space<hbm>> -> memref<4x128xi32, #tpu.memory_space<hbm>>
      tpu.wait_dma2 semaphore(%run_scoped3A : memref<!tpu.dma_semaphore, #tpu.memory_space<semaphore_mem>>) src(%dma_wait3A_210 : memref<4x128xi32, #tpu.memory_space<hbm>>) dst(%arg6 : memref<4x128xi32, #tpu.memory_space<vmem>>)
      tpu.yield
    }) : () -> ()
    %dma_wait3A = arith.constant 0 : i32
    %dma_wait3A_44 = tpu.memref_slice %arg11[%mul3A_39, %dma_wait3A] : memref<1024x128xf32, #tpu.memory_space<vmem_shared>> -> memref<64x128xf32, #tpu.memory_space<vmem_shared>>
    %dma_wait3A_45 = arith.constant 0 : i32
    %dma_wait3A_46 = tpu.memref_slice %arg4[%mul3A_37, %dma_wait3A_45] : memref<1024x128xf32, #tpu.memory_space<hbm>> -> memref<64x128xf32, #tpu.memory_space<hbm>>
    tpu.wait_dma2 semaphore(%arg18 : memref<!tpu.dma_semaphore, #tpu.memory_space<semaphore_mem>>) src(%dma_wait3A_46 : memref<64x128xf32, #tpu.memory_space<hbm>>) dst(%dma_wait3A_44 : memref<64x128xf32, #tpu.memory_space<vmem_shared>>)
    %barrier3A = arith.constant 0 : index
    tpu.barrier barrier_id(%barrier3A)
    %dma_wait3A_47 = arith.constant 0 : i32
    %dma_wait3A_48 = arith.constant 0 : i32
    %dma_wait3A_49 = tpu.memref_slice %arg2[%add3A_4, %dma_wait3A_47, %dma_wait3A_48] : memref<128x128x128xf32, #tpu.memory_space<hbm>> -> memref<1x128x128xf32, #tpu.memory_space<hbm>>
    %dma_wait3A_50 = tpu.memref_squeeze %dma_wait3A_49 : memref<1x128x128xf32, #tpu.memory_space<hbm>> -> memref<128x128xf32, #tpu.memory_space<hbm>>
    %dma_wait3A_51 = arith.constant 0 : i32
    %dma_wait3A_52 = arith.constant 0 : i32
    %dma_wait3A_53 = tpu.memref_slice %arg2[%add3A_4, %dma_wait3A_51, %dma_wait3A_52] : memref<128x128x128xf32, #tpu.memory_space<hbm>> -> memref<1x128x128xf32, #tpu.memory_space<hbm>>
    %dma_wait3A_54 = tpu.memref_squeeze %dma_wait3A_53 : memref<1x128x128xf32, #tpu.memory_space<hbm>> -> memref<128x128xf32, #tpu.memory_space<hbm>>
    tpu.wait_dma2 semaphore(%arg12 : memref<!tpu.dma_semaphore, #tpu.memory_space<semaphore_mem>>) src(%dma_wait3A_54 : memref<128x128xf32, #tpu.memory_space<hbm>>) dst(%arg7 : memref<128x128xf32, #tpu.memory_space<vmem>>)
    %dma_start3A_55 = arith.constant 0 : i32
    %dma_start3A_56 = arith.constant 0 : i32
    %dma_start3A_57 = tpu.memref_slice %arg6[%dma_start3A_55, %dma_start3A_56] : memref<4x128xi32, #tpu.memory_space<vmem>> -> memref<1x128xi32, #tpu.memory_space<vmem>>
    %dma_start3A_58 = tpu.memref_squeeze %dma_start3A_57 : memref<1x128xi32, #tpu.memory_space<vmem>> -> memref<128xi32, #tpu.memory_space<vmem>>
    %dma_start3A_59 = arith.constant 0 : i32
    %dma_start3A_60 = arith.constant 0 : i32
    %dma_start3A_61 = tpu.memref_slice %arg11[%dma_start3A_59, %dma_start3A_60] : memref<1024x128xf32, #tpu.memory_space<vmem_shared>> -> memref<1024x128xf32, #tpu.memory_space<vmem_shared>>
    tpu.enqueue_indirect_dma source(%dma_start3A_61 : memref<1024x128xf32, #tpu.memory_space<vmem_shared>>) target(%arg7 : memref<128x128xf32, #tpu.memory_space<vmem>>) offsets(%dma_start3A_58 : memref<128xi32, #tpu.memory_space<vmem>>) semaphore(%arg15 : memref<!tpu.dma_semaphore, #tpu.memory_space<semaphore_mem>>) {add = true}
    %broadcast_in_dim3A = arith.constant 0.000000e+00 : f32
    %broadcast_in_dim3A_62 = vector.broadcast %broadcast_in_dim3A : f32 to vector<16xf32>
    %broadcast_in_dim3A_63 = arith.constant 0.000000e+00 : f32
    %broadcast_in_dim3A_64 = vector.broadcast %broadcast_in_dim3A_63 : f32 to vector<16xf32>
    %broadcast_in_dim3A_65 = arith.constant 0.000000e+00 : f32
    %broadcast_in_dim3A_66 = vector.broadcast %broadcast_in_dim3A_65 : f32 to vector<16xf32>
    %broadcast_in_dim3A_67 = arith.constant 0.000000e+00 : f32
    %broadcast_in_dim3A_68 = vector.broadcast %broadcast_in_dim3A_67 : f32 to vector<16xf32>
    %broadcast_in_dim3A_69 = arith.constant 0.000000e+00 : f32
    %broadcast_in_dim3A_70 = vector.broadcast %broadcast_in_dim3A_69 : f32 to vector<16xf32>
    %broadcast_in_dim3A_71 = arith.constant 0.000000e+00 : f32
    %broadcast_in_dim3A_72 = vector.broadcast %broadcast_in_dim3A_71 : f32 to vector<16xf32>
    %broadcast_in_dim3A_73 = arith.constant 0.000000e+00 : f32
    %broadcast_in_dim3A_74 = vector.broadcast %broadcast_in_dim3A_73 : f32 to vector<16xf32>
    %broadcast_in_dim3A_75 = arith.constant 0.000000e+00 : f32
    %broadcast_in_dim3A_76 = vector.broadcast %broadcast_in_dim3A_75 : f32 to vector<16xf32>
    %dma_wait3A_77 = arith.constant 0 : i32
    %dma_wait3A_78 = arith.constant 0 : i32
    %dma_wait3A_79 = tpu.memref_slice %arg2[%add3A_15, %dma_wait3A_77, %dma_wait3A_78] : memref<128x128x128xf32, #tpu.memory_space<hbm>> -> memref<1x128x128xf32, #tpu.memory_space<hbm>>
    %dma_wait3A_80 = tpu.memref_squeeze %dma_wait3A_79 : memref<1x128x128xf32, #tpu.memory_space<hbm>> -> memref<128x128xf32, #tpu.memory_space<hbm>>
    %dma_wait3A_81 = arith.constant 0 : i32
    %dma_wait3A_82 = arith.constant 0 : i32
    %dma_wait3A_83 = tpu.memref_slice %arg2[%add3A_15, %dma_wait3A_81, %dma_wait3A_82] : memref<128x128x128xf32, #tpu.memory_space<hbm>> -> memref<1x128x128xf32, #tpu.memory_space<hbm>>
    %dma_wait3A_84 = tpu.memref_squeeze %dma_wait3A_83 : memref<1x128x128xf32, #tpu.memory_space<hbm>> -> memref<128x128xf32, #tpu.memory_space<hbm>>
    tpu.wait_dma2 semaphore(%arg13 : memref<!tpu.dma_semaphore, #tpu.memory_space<semaphore_mem>>) src(%dma_wait3A_84 : memref<128x128xf32, #tpu.memory_space<hbm>>) dst(%arg8 : memref<128x128xf32, #tpu.memory_space<vmem>>)
    %dma_start3A_85 = arith.constant 1 : i32
    %dma_start3A_86 = arith.constant 0 : i32
    %dma_start3A_87 = tpu.memref_slice %arg6[%dma_start3A_85, %dma_start3A_86] : memref<4x128xi32, #tpu.memory_space<vmem>> -> memref<1x128xi32, #tpu.memory_space<vmem>>
    %dma_start3A_88 = tpu.memref_squeeze %dma_start3A_87 : memref<1x128xi32, #tpu.memory_space<vmem>> -> memref<128xi32, #tpu.memory_space<vmem>>
    %dma_start3A_89 = arith.constant 0 : i32
    %dma_start3A_90 = arith.constant 0 : i32
    %dma_start3A_91 = tpu.memref_slice %arg11[%dma_start3A_89, %dma_start3A_90] : memref<1024x128xf32, #tpu.memory_space<vmem_shared>> -> memref<1024x128xf32, #tpu.memory_space<vmem_shared>>
    tpu.enqueue_indirect_dma source(%dma_start3A_91 : memref<1024x128xf32, #tpu.memory_space<vmem_shared>>) target(%arg8 : memref<128x128xf32, #tpu.memory_space<vmem>>) offsets(%dma_start3A_88 : memref<128xi32, #tpu.memory_space<vmem>>) semaphore(%arg16 : memref<!tpu.dma_semaphore, #tpu.memory_space<semaphore_mem>>) {add = true}
    %dma_wait3A_92 = arith.constant 0 : i32
    %dma_wait3A_93 = arith.constant 0 : i32
    %dma_wait3A_94 = tpu.memref_slice %arg6[%dma_wait3A_92, %dma_wait3A_93] : memref<4x128xi32, #tpu.memory_space<vmem>> -> memref<1x128xi32, #tpu.memory_space<vmem>>
    %dma_wait3A_95 = tpu.memref_squeeze %dma_wait3A_94 : memref<1x128xi32, #tpu.memory_space<vmem>> -> memref<128xi32, #tpu.memory_space<vmem>>
    %dma_wait3A_96 = arith.constant 0 : i32
    %dma_wait3A_97 = arith.constant 0 : i32
    %dma_wait3A_98 = tpu.memref_slice %arg11[%dma_wait3A_96, %dma_wait3A_97] : memref<1024x128xf32, #tpu.memory_space<vmem_shared>> -> memref<1024x128xf32, #tpu.memory_space<vmem_shared>>
    tpu.wait_indirect_dma semaphore(%arg15 : memref<!tpu.dma_semaphore, #tpu.memory_space<semaphore_mem>>) src(%dma_wait3A_98 : memref<1024x128xf32, #tpu.memory_space<vmem_shared>>) dst(%arg7 : memref<128x128xf32, #tpu.memory_space<vmem>>)
    %scan3A = arith.constant 0 : i32
    %scan3A_99 = arith.constant 16 : i32
    %scan3A_100 = arith.addi %scan3A, %scan3A_99 : i32
    %scan3A_101 = arith.constant 1 : i32
    %scan3A_102:8 = scf.for %scan3A_195 = %scan3A to %scan3A_100 step %scan3A_101 iter_args(%scan3A_196 = %broadcast_in_dim3A_62, %scan3A_197 = %broadcast_in_dim3A_64, %scan3A_198 = %broadcast_in_dim3A_66, %scan3A_199 = %broadcast_in_dim3A_68, %scan3A_200 = %broadcast_in_dim3A_70, %scan3A_201 = %broadcast_in_dim3A_72, %scan3A_202 = %broadcast_in_dim3A_74, %scan3A_203 = %broadcast_in_dim3A_76) -> (vector<16xf32>, vector<16xf32>, vector<16xf32>, vector<16xf32>, vector<16xf32>, vector<16xf32>, vector<16xf32>, vector<16xf32>)  : i32 {
      %mul3A_204 = arith.constant 8 : i32
      %mul3A_205 = arith.muli %scan3A_195, %mul3A_204 : i32
      %add3A_206 = arith.constant 0 : i32
      %add3A_207 = arith.addi %mul3A_205, %add3A_206 : i32
      %get3A = arith.index_cast %add3A_207 : i32 to index
      %get3A_208 = arith.constant 0 : index
      %get3A_209 = tpu.vector_load %arg7[%get3A, %get3A_208] {strides = array<i32>} : memref<128x128xf32, #tpu.memory_space<vmem>>, vector<1x16xf32>,
      %get3A_210 = vector.shape_cast %get3A_209 : vector<1x16xf32> to vector<16xf32>
      %mul3A_211 = arith.mulf %get3A_210, %get3A_210 : vector<16xf32>
      %add3A_212 = arith.addf %scan3A_196, %mul3A_211 : vector<16xf32>
      %add3A_213 = arith.constant 0 : i32
      %add3A_214 = arith.addi %mul3A_205, %add3A_213 : i32
      %get3A_215 = arith.index_cast %add3A_214 : i32 to index
      %get3A_216 = arith.constant 16 : index
      %get3A_217 = tpu.vector_load %arg7[%get3A_215, %get3A_216] {strides = array<i32>} : memref<128x128xf32, #tpu.memory_space<vmem>>, vector<1x16xf32>,
      %get3A_218 = vector.shape_cast %get3A_217 : vector<1x16xf32> to vector<16xf32>
      %mul3A_219 = arith.mulf %get3A_218, %get3A_218 : vector<16xf32>
      %add3A_220 = arith.addf %scan3A_197, %mul3A_219 : vector<16xf32>
      %add3A_221 = arith.constant 0 : i32
      %add3A_222 = arith.addi %mul3A_205, %add3A_221 : i32
      %get3A_223 = arith.index_cast %add3A_222 : i32 to index
      %get3A_224 = arith.constant 32 : index
      %get3A_225 = tpu.vector_load %arg7[%get3A_223, %get3A_224] {strides = array<i32>} : memref<128x128xf32, #tpu.memory_space<vmem>>, vector<1x16xf32>,
      %get3A_226 = vector.shape_cast %get3A_225 : vector<1x16xf32> to vector<16xf32>
      %mul3A_227 = arith.mulf %get3A_226, %get3A_226 : vector<16xf32>
      %add3A_228 = arith.addf %scan3A_198, %mul3A_227 : vector<16xf32>
      %add3A_229 = arith.constant 0 : i32
      %add3A_230 = arith.addi %mul3A_205, %add3A_229 : i32
      %get3A_231 = arith.index_cast %add3A_230 : i32 to index
      %get3A_232 = arith.constant 48 : index
      %get3A_233 = tpu.vector_load %arg7[%get3A_231, %get3A_232] {strides = array<i32>} : memref<128x128xf32, #tpu.memory_space<vmem>>, vector<1x16xf32>,
      %get3A_234 = vector.shape_cast %get3A_233 : vector<1x16xf32> to vector<16xf32>
      %mul3A_235 = arith.mulf %get3A_234, %get3A_234 : vector<16xf32>
      %add3A_236 = arith.addf %scan3A_199, %mul3A_235 : vector<16xf32>
      %add3A_237 = arith.constant 0 : i32
      %add3A_238 = arith.addi %mul3A_205, %add3A_237 : i32
      %get3A_239 = arith.index_cast %add3A_238 : i32 to index
      %get3A_240 = arith.constant 64 : index
      %get3A_241 = tpu.vector_load %arg7[%get3A_239, %get3A_240] {strides = array<i32>} : memref<128x128xf32, #tpu.memory_space<vmem>>, vector<1x16xf32>,
      %get3A_242 = vector.shape_cast %get3A_241 : vector<1x16xf32> to vector<16xf32>
      %mul3A_243 = arith.mulf %get3A_242, %get3A_242 : vector<16xf32>
      %add3A_244 = arith.addf %scan3A_200, %mul3A_243 : vector<16xf32>
      %add3A_245 = arith.constant 0 : i32
      %add3A_246 = arith.addi %mul3A_205, %add3A_245 : i32
      %get3A_247 = arith.index_cast %add3A_246 : i32 to index
      %get3A_248 = arith.constant 80 : index
      %get3A_249 = tpu.vector_load %arg7[%get3A_247, %get3A_248] {strides = array<i32>} : memref<128x128xf32, #tpu.memory_space<vmem>>, vector<1x16xf32>,
      %get3A_250 = vector.shape_cast %get3A_249 : vector<1x16xf32> to vector<16xf32>
      %mul3A_251 = arith.mulf %get3A_250, %get3A_250 : vector<16xf32>
      %add3A_252 = arith.addf %scan3A_201, %mul3A_251 : vector<16xf32>
      %add3A_253 = arith.constant 0 : i32
      %add3A_254 = arith.addi %mul3A_205, %add3A_253 : i32
      %get3A_255 = arith.index_cast %add3A_254 : i32 to index
      %get3A_256 = arith.constant 96 : index
      %get3A_257 = tpu.vector_load %arg7[%get3A_255, %get3A_256] {strides = array<i32>} : memref<128x128xf32, #tpu.memory_space<vmem>>, vector<1x16xf32>,
      %get3A_258 = vector.shape_cast %get3A_257 : vector<1x16xf32> to vector<16xf32>
      %mul3A_259 = arith.mulf %get3A_258, %get3A_258 : vector<16xf32>
      %add3A_260 = arith.addf %scan3A_202, %mul3A_259 : vector<16xf32>
      %add3A_261 = arith.constant 0 : i32
      %add3A_262 = arith.addi %mul3A_205, %add3A_261 : i32
      %get3A_263 = arith.index_cast %add3A_262 : i32 to index
      %get3A_264 = arith.constant 112 : index
      %get3A_265 = tpu.vector_load %arg7[%get3A_263, %get3A_264] {strides = array<i32>} : memref<128x128xf32, #tpu.memory_space<vmem>>, vector<1x16xf32>,
      %get3A_266 = vector.shape_cast %get3A_265 : vector<1x16xf32> to vector<16xf32>
      %mul3A_267 = arith.mulf %get3A_266, %get3A_266 : vector<16xf32>
      %add3A_268 = arith.addf %scan3A_203, %mul3A_267 : vector<16xf32>
      %add3A_269 = arith.constant 1 : i32
      %add3A_270 = arith.addi %mul3A_205, %add3A_269 : i32
      %get3A_271 = arith.index_cast %add3A_270 : i32 to index
      %get3A_272 = arith.constant 0 : index
      %get3A_273 = tpu.vector_load %arg7[%get3A_271, %get3A_272] {strides = array<i32>} : memref<128x128xf32, #tpu.memory_space<vmem>>, vector<1x16xf32>,
      %get3A_274 = vector.shape_cast %get3A_273 : vector<1x16xf32> to vector<16xf32>
      %mul3A_275 = arith.mulf %get3A_274, %get3A_274 : vector<16xf32>
      %add3A_276 = arith.addf %add3A_212, %mul3A_275 : vector<16xf32>
      %add3A_277 = arith.constant 1 : i32
      %add3A_278 = arith.addi %mul3A_205, %add3A_277 : i32
      %get3A_279 = arith.index_cast %add3A_278 : i32 to index
      %get3A_280 = arith.constant 16 : index
      %get3A_281 = tpu.vector_load %arg7[%get3A_279, %get3A_280] {strides = array<i32>} : memref<128x128xf32, #tpu.memory_space<vmem>>, vector<1x16xf32>,
      %get3A_282 = vector.shape_cast %get3A_281 : vector<1x16xf32> to vector<16xf32>
      %mul3A_283 = arith.mulf %get3A_282, %get3A_282 : vector<16xf32>
      %add3A_284 = arith.addf %add3A_220, %mul3A_283 : vector<16xf32>
      %add3A_285 = arith.constant 1 : i32
      %add3A_286 = arith.addi %mul3A_205, %add3A_285 : i32
      %get3A_287 = arith.index_cast %add3A_286 : i32 to index
      %get3A_288 = arith.constant 32 : index
      %get3A_289 = tpu.vector_load %arg7[%get3A_287, %get3A_288] {strides = array<i32>} : memref<128x128xf32, #tpu.memory_space<vmem>>, vector<1x16xf32>,
      %get3A_290 = vector.shape_cast %get3A_289 : vector<1x16xf32> to vector<16xf32>
      %mul3A_291 = arith.mulf %get3A_290, %get3A_290 : vector<16xf32>
      %add3A_292 = arith.addf %add3A_228, %mul3A_291 : vector<16xf32>
      %add3A_293 = arith.constant 1 : i32
      %add3A_294 = arith.addi %mul3A_205, %add3A_293 : i32
      %get3A_295 = arith.index_cast %add3A_294 : i32 to index
      %get3A_296 = arith.constant 48 : index
      %get3A_297 = tpu.vector_load %arg7[%get3A_295, %get3A_296] {strides = array<i32>} : memref<128x128xf32, #tpu.memory_space<vmem>>, vector<1x16xf32>,
      %get3A_298 = vector.shape_cast %get3A_297 : vector<1x16xf32> to vector<16xf32>
      %mul3A_299 = arith.mulf %get3A_298, %get3A_298 : vector<16xf32>
      %add3A_300 = arith.addf %add3A_236, %mul3A_299 : vector<16xf32>
      %add3A_301 = arith.constant 1 : i32
      %add3A_302 = arith.addi %mul3A_205, %add3A_301 : i32
      %get3A_303 = arith.index_cast %add3A_302 : i32 to index
      %get3A_304 = arith.constant 64 : index
      %get3A_305 = tpu.vector_load %arg7[%get3A_303, %get3A_304] {strides = array<i32>} : memref<128x128xf32, #tpu.memory_space<vmem>>, vector<1x16xf32>,
      %get3A_306 = vector.shape_cast %get3A_305 : vector<1x16xf32> to vector<16xf32>
      %mul3A_307 = arith.mulf %get3A_306, %get3A_306 : vector<16xf32>
      %add3A_308 = arith.addf %add3A_244, %mul3A_307 : vector<16xf32>
      %add3A_309 = arith.constant 1 : i32
      %add3A_310 = arith.addi %mul3A_205, %add3A_309 : i32
      %get3A_311 = arith.index_cast %add3A_310 : i32 to index
      %get3A_312 = arith.constant 80 : index
      %get3A_313 = tpu.vector_load %arg7[%get3A_311, %get3A_312] {strides = array<i32>} : memref<128x128xf32, #tpu.memory_space<vmem>>, vector<1x16xf32>,
      %get3A_314 = vector.shape_cast %get3A_313 : vector<1x16xf32> to vector<16xf32>
      %mul3A_315 = arith.mulf %get3A_314, %get3A_314 : vector<16xf32>
      %add3A_316 = arith.addf %add3A_252, %mul3A_315 : vector<16xf32>
      %add3A_317 = arith.constant 1 : i32
      %add3A_318 = arith.addi %mul3A_205, %add3A_317 : i32
      %get3A_319 = arith.index_cast %add3A_318 : i32 to index
      %get3A_320 = arith.constant 96 : index
      %get3A_321 = tpu.vector_load %arg7[%get3A_319, %get3A_320] {strides = array<i32>} : memref<128x128xf32, #tpu.memory_space<vmem>>, vector<1x16xf32>,
      %get3A_322 = vector.shape_cast %get3A_321 : vector<1x16xf32> to vector<16xf32>
      %mul3A_323 = arith.mulf %get3A_322, %get3A_322 : vector<16xf32>
      %add3A_324 = arith.addf %add3A_260, %mul3A_323 : vector<16xf32>
      %add3A_325 = arith.constant 1 : i32
      %add3A_326 = arith.addi %mul3A_205, %add3A_325 : i32
      %get3A_327 = arith.index_cast %add3A_326 : i32 to index
      %get3A_328 = arith.constant 112 : index
      %get3A_329 = tpu.vector_load %arg7[%get3A_327, %get3A_328] {strides = array<i32>} : memref<128x128xf32, #tpu.memory_space<vmem>>, vector<1x16xf32>,
      %get3A_330 = vector.shape_cast %get3A_329 : vector<1x16xf32> to vector<16xf32>
      %mul3A_331 = arith.mulf %get3A_330, %get3A_330 : vector<16xf32>
      %add3A_332 = arith.addf %add3A_268, %mul3A_331 : vector<16xf32>
      %add3A_333 = arith.constant 2 : i32
      %add3A_334 = arith.addi %mul3A_205, %add3A_333 : i32
      %get3A_335 = arith.index_cast %add3A_334 : i32 to index
      %get3A_336 = arith.constant 0 : index
      %get3A_337 = tpu.vector_load %arg7[%get3A_335, %get3A_336] {strides = array<i32>} : memref<128x128xf32, #tpu.memory_space<vmem>>, vector<1x16xf32>,
      %get3A_338 = vector.shape_cast %get3A_337 : vector<1x16xf32> to vector<16xf32>
      %mul3A_339 = arith.mulf %get3A_338, %get3A_338 : vector<16xf32>
      %add3A_340 = arith.addf %add3A_276, %mul3A_339 : vector<16xf32>
      %add3A_341 = arith.constant 2 : i32
      %add3A_342 = arith.addi %mul3A_205, %add3A_341 : i32
      %get3A_343 = arith.index_cast %add3A_342 : i32 to index
      %get3A_344 = arith.constant 16 : index
      %get3A_345 = tpu.vector_load %arg7[%get3A_343, %get3A_344] {strides = array<i32>} : memref<128x128xf32, #tpu.memory_space<vmem>>, vector<1x16xf32>,
      %get3A_346 = vector.shape_cast %get3A_345 : vector<1x16xf32> to vector<16xf32>
      %mul3A_347 = arith.mulf %get3A_346, %get3A_346 : vector<16xf32>
      %add3A_348 = arith.addf %add3A_284, %mul3A_347 : vector<16xf32>
      %add3A_349 = arith.constant 2 : i32
      %add3A_350 = arith.addi %mul3A_205, %add3A_349 : i32
      %get3A_351 = arith.index_cast %add3A_350 : i32 to index
      %get3A_352 = arith.constant 32 : index
      %get3A_353 = tpu.vector_load %arg7[%get3A_351, %get3A_352] {strides = array<i32>} : memref<128x128xf32, #tpu.memory_space<vmem>>, vector<1x16xf32>,
      %get3A_354 = vector.shape_cast %get3A_353 : vector<1x16xf32> to vector<16xf32>
      %mul3A_355 = arith.mulf %get3A_354, %get3A_354 : vector<16xf32>
      %add3A_356 = arith.addf %add3A_292, %mul3A_355 : vector<16xf32>
      %add3A_357 = arith.constant 2 : i32
      %add3A_358 = arith.addi %mul3A_205, %add3A_357 : i32
      %get3A_359 = arith.index_cast %add3A_358 : i32 to index
      %get3A_360 = arith.constant 48 : index
      %get3A_361 = tpu.vector_load %arg7[%get3A_359, %get3A_360] {strides = array<i32>} : memref<128x128xf32, #tpu.memory_space<vmem>>, vector<1x16xf32>,
      %get3A_362 = vector.shape_cast %get3A_361 : vector<1x16xf32> to vector<16xf32>
      %mul3A_363 = arith.mulf %get3A_362, %get3A_362 : vector<16xf32>
      %add3A_364 = arith.addf %add3A_300, %mul3A_363 : vector<16xf32>
      %add3A_365 = arith.constant 2 : i32
      %add3A_366 = arith.addi %mul3A_205, %add3A_365 : i32
      %get3A_367 = arith.index_cast %add3A_366 : i32 to index
      %get3A_368 = arith.constant 64 : index
      %get3A_369 = tpu.vector_load %arg7[%get3A_367, %get3A_368] {strides = array<i32>} : memref<128x128xf32, #tpu.memory_space<vmem>>, vector<1x16xf32>,
      %get3A_370 = vector.shape_cast %get3A_369 : vector<1x16xf32> to vector<16xf32>
      %mul3A_371 = arith.mulf %get3A_370, %get3A_370 : vector<16xf32>
      %add3A_372 = arith.addf %add3A_308, %mul3A_371 : vector<16xf32>
      %add3A_373 = arith.constant 2 : i32
      %add3A_374 = arith.addi %mul3A_205, %add3A_373 : i32
      %get3A_375 = arith.index_cast %add3A_374 : i32 to index
      %get3A_376 = arith.constant 80 : index
      %get3A_377 = tpu.vector_load %arg7[%get3A_375, %get3A_376] {strides = array<i32>} : memref<128x128xf32, #tpu.memory_space<vmem>>, vector<1x16xf32>,
      %get3A_378 = vector.shape_cast %get3A_377 : vector<1x16xf32> to vector<16xf32>
      %mul3A_379 = arith.mulf %get3A_378, %get3A_378 : vector<16xf32>
      %add3A_380 = arith.addf %add3A_316, %mul3A_379 : vector<16xf32>
      %add3A_381 = arith.constant 2 : i32
      %add3A_382 = arith.addi %mul3A_205, %add3A_381 : i32
      %get3A_383 = arith.index_cast %add3A_382 : i32 to index
      %get3A_384 = arith.constant 96 : index
      %get3A_385 = tpu.vector_load %arg7[%get3A_383, %get3A_384] {strides = array<i32>} : memref<128x128xf32, #tpu.memory_space<vmem>>, vector<1x16xf32>,
      %get3A_386 = vector.shape_cast %get3A_385 : vector<1x16xf32> to vector<16xf32>
      %mul3A_387 = arith.mulf %get3A_386, %get3A_386 : vector<16xf32>
      %add3A_388 = arith.addf %add3A_324, %mul3A_387 : vector<16xf32>
      %add3A_389 = arith.constant 2 : i32
      %add3A_390 = arith.addi %mul3A_205, %add3A_389 : i32
      %get3A_391 = arith.index_cast %add3A_390 : i32 to index
      %get3A_392 = arith.constant 112 : index
      %get3A_393 = tpu.vector_load %arg7[%get3A_391, %get3A_392] {strides = array<i32>} : memref<128x128xf32, #tpu.memory_space<vmem>>, vector<1x16xf32>,
      %get3A_394 = vector.shape_cast %get3A_393 : vector<1x16xf32> to vector<16xf32>
      %mul3A_395 = arith.mulf %get3A_394, %get3A_394 : vector<16xf32>
      %add3A_396 = arith.addf %add3A_332, %mul3A_395 : vector<16xf32>
      %add3A_397 = arith.constant 3 : i32
      %add3A_398 = arith.addi %mul3A_205, %add3A_397 : i32
      %get3A_399 = arith.index_cast %add3A_398 : i32 to index
      %get3A_400 = arith.constant 0 : index
      %get3A_401 = tpu.vector_load %arg7[%get3A_399, %get3A_400] {strides = array<i32>} : memref<128x128xf32, #tpu.memory_space<vmem>>, vector<1x16xf32>,
      %get3A_402 = vector.shape_cast %get3A_401 : vector<1x16xf32> to vector<16xf32>
      %mul3A_403 = arith.mulf %get3A_402, %get3A_402 : vector<16xf32>
      %add3A_404 = arith.addf %add3A_340, %mul3A_403 : vector<16xf32>
      %add3A_405 = arith.constant 3 : i32
      %add3A_406 = arith.addi %mul3A_205, %add3A_405 : i32
      %get3A_407 = arith.index_cast %add3A_406 : i32 to index
      %get3A_408 = arith.constant 16 : index
      %get3A_409 = tpu.vector_load %arg7[%get3A_407, %get3A_408] {strides = array<i32>} : memref<128x128xf32, #tpu.memory_space<vmem>>, vector<1x16xf32>,
      %get3A_410 = vector.shape_cast %get3A_409 : vector<1x16xf32> to vector<16xf32>
      %mul3A_411 = arith.mulf %get3A_410, %get3A_410 : vector<16xf32>
      %add3A_412 = arith.addf %add3A_348, %mul3A_411 : vector<16xf32>
      %add3A_413 = arith.constant 3 : i32
      %add3A_414 = arith.addi %mul3A_205, %add3A_413 : i32
      %get3A_415 = arith.index_cast %add3A_414 : i32 to index
      %get3A_416 = arith.constant 32 : index
      %get3A_417 = tpu.vector_load %arg7[%get3A_415, %get3A_416] {strides = array<i32>} : memref<128x128xf32, #tpu.memory_space<vmem>>, vector<1x16xf32>,
      %get3A_418 = vector.shape_cast %get3A_417 : vector<1x16xf32> to vector<16xf32>
      %mul3A_419 = arith.mulf %get3A_418, %get3A_418 : vector<16xf32>
      %add3A_420 = arith.addf %add3A_356, %mul3A_419 : vector<16xf32>
      %add3A_421 = arith.constant 3 : i32
      %add3A_422 = arith.addi %mul3A_205, %add3A_421 : i32
      %get3A_423 = arith.index_cast %add3A_422 : i32 to index
      %get3A_424 = arith.constant 48 : index
      %get3A_425 = tpu.vector_load %arg7[%get3A_423, %get3A_424] {strides = array<i32>} : memref<128x128xf32, #tpu.memory_space<vmem>>, vector<1x16xf32>,
      %get3A_426 = vector.shape_cast %get3A_425 : vector<1x16xf32> to vector<16xf32>
      %mul3A_427 = arith.mulf %get3A_426, %get3A_426 : vector<16xf32>
      %add3A_428 = arith.addf %add3A_364, %mul3A_427 : vector<16xf32>
      %add3A_429 = arith.constant 3 : i32
      %add3A_430 = arith.addi %mul3A_205, %add3A_429 : i32
      %get3A_431 = arith.index_cast %add3A_430 : i32 to index
      %get3A_432 = arith.constant 64 : index
      %get3A_433 = tpu.vector_load %arg7[%get3A_431, %get3A_432] {strides = array<i32>} : memref<128x128xf32, #tpu.memory_space<vmem>>, vector<1x16xf32>,
      %get3A_434 = vector.shape_cast %get3A_433 : vector<1x16xf32> to vector<16xf32>
      %mul3A_435 = arith.mulf %get3A_434, %get3A_434 : vector<16xf32>
      %add3A_436 = arith.addf %add3A_372, %mul3A_435 : vector<16xf32>
      %add3A_437 = arith.constant 3 : i32
      %add3A_438 = arith.addi %mul3A_205, %add3A_437 : i32
      %get3A_439 = arith.index_cast %add3A_438 : i32 to index
      %get3A_440 = arith.constant 80 : index
      %get3A_441 = tpu.vector_load %arg7[%get3A_439, %get3A_440] {strides = array<i32>} : memref<128x128xf32, #tpu.memory_space<vmem>>, vector<1x16xf32>,
      %get3A_442 = vector.shape_cast %get3A_441 : vector<1x16xf32> to vector<16xf32>
      %mul3A_443 = arith.mulf %get3A_442, %get3A_442 : vector<16xf32>
      %add3A_444 = arith.addf %add3A_380, %mul3A_443 : vector<16xf32>
      %add3A_445 = arith.constant 3 : i32
      %add3A_446 = arith.addi %mul3A_205, %add3A_445 : i32
      %get3A_447 = arith.index_cast %add3A_446 : i32 to index
      %get3A_448 = arith.constant 96 : index
      %get3A_449 = tpu.vector_load %arg7[%get3A_447, %get3A_448] {strides = array<i32>} : memref<128x128xf32, #tpu.memory_space<vmem>>, vector<1x16xf32>,
      %get3A_450 = vector.shape_cast %get3A_449 : vector<1x16xf32> to vector<16xf32>
      %mul3A_451 = arith.mulf %get3A_450, %get3A_450 : vector<16xf32>
      %add3A_452 = arith.addf %add3A_388, %mul3A_451 : vector<16xf32>
      %add3A_453 = arith.constant 3 : i32
      %add3A_454 = arith.addi %mul3A_205, %add3A_453 : i32
      %get3A_455 = arith.index_cast %add3A_454 : i32 to index
      %get3A_456 = arith.constant 112 : index
      %get3A_457 = tpu.vector_load %arg7[%get3A_455, %get3A_456] {strides = array<i32>} : memref<128x128xf32, #tpu.memory_space<vmem>>, vector<1x16xf32>,
      %get3A_458 = vector.shape_cast %get3A_457 : vector<1x16xf32> to vector<16xf32>
      %mul3A_459 = arith.mulf %get3A_458, %get3A_458 : vector<16xf32>
      %add3A_460 = arith.addf %add3A_396, %mul3A_459 : vector<16xf32>
      %add3A_461 = arith.constant 4 : i32
      %add3A_462 = arith.addi %mul3A_205, %add3A_461 : i32
      %get3A_463 = arith.index_cast %add3A_462 : i32 to index
      %get3A_464 = arith.constant 0 : index
      %get3A_465 = tpu.vector_load %arg7[%get3A_463, %get3A_464] {strides = array<i32>} : memref<128x128xf32, #tpu.memory_space<vmem>>, vector<1x16xf32>,
      %get3A_466 = vector.shape_cast %get3A_465 : vector<1x16xf32> to vector<16xf32>
      %mul3A_467 = arith.mulf %get3A_466, %get3A_466 : vector<16xf32>
      %add3A_468 = arith.addf %add3A_404, %mul3A_467 : vector<16xf32>
      %add3A_469 = arith.constant 4 : i32
      %add3A_470 = arith.addi %mul3A_205, %add3A_469 : i32
      %get3A_471 = arith.index_cast %add3A_470 : i32 to index
      %get3A_472 = arith.constant 16 : index
      %get3A_473 = tpu.vector_load %arg7[%get3A_471, %get3A_472] {strides = array<i32>} : memref<128x128xf32, #tpu.memory_space<vmem>>, vector<1x16xf32>,
      %get3A_474 = vector.shape_cast %get3A_473 : vector<1x16xf32> to vector<16xf32>
      %mul3A_475 = arith.mulf %get3A_474, %get3A_474 : vector<16xf32>
      %add3A_476 = arith.addf %add3A_412, %mul3A_475 : vector<16xf32>
      %add3A_477 = arith.constant 4 : i32
      %add3A_478 = arith.addi %mul3A_205, %add3A_477 : i32
      %get3A_479 = arith.index_cast %add3A_478 : i32 to index
      %get3A_480 = arith.constant 32 : index
      %get3A_481 = tpu.vector_load %arg7[%get3A_479, %get3A_480] {strides = array<i32>} : memref<128x128xf32, #tpu.memory_space<vmem>>, vector<1x16xf32>,
      %get3A_482 = vector.shape_cast %get3A_481 : vector<1x16xf32> to vector<16xf32>
      %mul3A_483 = arith.mulf %get3A_482, %get3A_482 : vector<16xf32>
      %add3A_484 = arith.addf %add3A_420, %mul3A_483 : vector<16xf32>
      %add3A_485 = arith.constant 4 : i32
      %add3A_486 = arith.addi %mul3A_205, %add3A_485 : i32
      %get3A_487 = arith.index_cast %add3A_486 : i32 to index
      %get3A_488 = arith.constant 48 : index
      %get3A_489 = tpu.vector_load %arg7[%get3A_487, %get3A_488] {strides = array<i32>} : memref<128x128xf32, #tpu.memory_space<vmem>>, vector<1x16xf32>,
      %get3A_490 = vector.shape_cast %get3A_489 : vector<1x16xf32> to vector<16xf32>
      %mul3A_491 = arith.mulf %get3A_490, %get3A_490 : vector<16xf32>
      %add3A_492 = arith.addf %add3A_428, %mul3A_491 : vector<16xf32>
      %add3A_493 = arith.constant 4 : i32
      %add3A_494 = arith.addi %mul3A_205, %add3A_493 : i32
      %get3A_495 = arith.index_cast %add3A_494 : i32 to index
      %get3A_496 = arith.constant 64 : index
      %get3A_497 = tpu.vector_load %arg7[%get3A_495, %get3A_496] {strides = array<i32>} : memref<128x128xf32, #tpu.memory_space<vmem>>, vector<1x16xf32>,
      %get3A_498 = vector.shape_cast %get3A_497 : vector<1x16xf32> to vector<16xf32>
      %mul3A_499 = arith.mulf %get3A_498, %get3A_498 : vector<16xf32>
      %add3A_500 = arith.addf %add3A_436, %mul3A_499 : vector<16xf32>
      %add3A_501 = arith.constant 4 : i32
      %add3A_502 = arith.addi %mul3A_205, %add3A_501 : i32
      %get3A_503 = arith.index_cast %add3A_502 : i32 to index
      %get3A_504 = arith.constant 80 : index
      %get3A_505 = tpu.vector_load %arg7[%get3A_503, %get3A_504] {strides = array<i32>} : memref<128x128xf32, #tpu.memory_space<vmem>>, vector<1x16xf32>,
      %get3A_506 = vector.shape_cast %get3A_505 : vector<1x16xf32> to vector<16xf32>
      %mul3A_507 = arith.mulf %get3A_506, %get3A_506 : vector<16xf32>
      %add3A_508 = arith.addf %add3A_444, %mul3A_507 : vector<16xf32>
      %add3A_509 = arith.constant 4 : i32
      %add3A_510 = arith.addi %mul3A_205, %add3A_509 : i32
      %get3A_511 = arith.index_cast %add3A_510 : i32 to index
      %get3A_512 = arith.constant 96 : index
      %get3A_513 = tpu.vector_load %arg7[%get3A_511, %get3A_512] {strides = array<i32>} : memref<128x128xf32, #tpu.memory_space<vmem>>, vector<1x16xf32>,
      %get3A_514 = vector.shape_cast %get3A_513 : vector<1x16xf32> to vector<16xf32>
      %mul3A_515 = arith.mulf %get3A_514, %get3A_514 : vector<16xf32>
      %add3A_516 = arith.addf %add3A_452, %mul3A_515 : vector<16xf32>
      %add3A_517 = arith.constant 4 : i32
      %add3A_518 = arith.addi %mul3A_205, %add3A_517 : i32
      %get3A_519 = arith.index_cast %add3A_518 : i32 to index
      %get3A_520 = arith.constant 112 : index
      %get3A_521 = tpu.vector_load %arg7[%get3A_519, %get3A_520] {strides = array<i32>} : memref<128x128xf32, #tpu.memory_space<vmem>>, vector<1x16xf32>,
      %get3A_522 = vector.shape_cast %get3A_521 : vector<1x16xf32> to vector<16xf32>
      %mul3A_523 = arith.mulf %get3A_522, %get3A_522 : vector<16xf32>
      %add3A_524 = arith.addf %add3A_460, %mul3A_523 : vector<16xf32>
      %add3A_525 = arith.constant 5 : i32
      %add3A_526 = arith.addi %mul3A_205, %add3A_525 : i32
      %get3A_527 = arith.index_cast %add3A_526 : i32 to index
      %get3A_528 = arith.constant 0 : index
      %get3A_529 = tpu.vector_load %arg7[%get3A_527, %get3A_528] {strides = array<i32>} : memref<128x128xf32, #tpu.memory_space<vmem>>, vector<1x16xf32>,
      %get3A_530 = vector.shape_cast %get3A_529 : vector<1x16xf32> to vector<16xf32>
      %mul3A_531 = arith.mulf %get3A_530, %get3A_530 : vector<16xf32>
      %add3A_532 = arith.addf %add3A_468, %mul3A_531 : vector<16xf32>
      %add3A_533 = arith.constant 5 : i32
      %add3A_534 = arith.addi %mul3A_205, %add3A_533 : i32
      %get3A_535 = arith.index_cast %add3A_534 : i32 to index
      %get3A_536 = arith.constant 16 : index
      %get3A_537 = tpu.vector_load %arg7[%get3A_535, %get3A_536] {strides = array<i32>} : memref<128x128xf32, #tpu.memory_space<vmem>>, vector<1x16xf32>,
      %get3A_538 = vector.shape_cast %get3A_537 : vector<1x16xf32> to vector<16xf32>
      %mul3A_539 = arith.mulf %get3A_538, %get3A_538 : vector<16xf32>
      %add3A_540 = arith.addf %add3A_476, %mul3A_539 : vector<16xf32>
      %add3A_541 = arith.constant 5 : i32
      %add3A_542 = arith.addi %mul3A_205, %add3A_541 : i32
      %get3A_543 = arith.index_cast %add3A_542 : i32 to index
      %get3A_544 = arith.constant 32 : index
      %get3A_545 = tpu.vector_load %arg7[%get3A_543, %get3A_544] {strides = array<i32>} : memref<128x128xf32, #tpu.memory_space<vmem>>, vector<1x16xf32>,
      %get3A_546 = vector.shape_cast %get3A_545 : vector<1x16xf32> to vector<16xf32>
      %mul3A_547 = arith.mulf %get3A_546, %get3A_546 : vector<16xf32>
      %add3A_548 = arith.addf %add3A_484, %mul3A_547 : vector<16xf32>
      %add3A_549 = arith.constant 5 : i32
      %add3A_550 = arith.addi %mul3A_205, %add3A_549 : i32
      %get3A_551 = arith.index_cast %add3A_550 : i32 to index
      %get3A_552 = arith.constant 48 : index
      %get3A_553 = tpu.vector_load %arg7[%get3A_551, %get3A_552] {strides = array<i32>} : memref<128x128xf32, #tpu.memory_space<vmem>>, vector<1x16xf32>,
      %get3A_554 = vector.shape_cast %get3A_553 : vector<1x16xf32> to vector<16xf32>
      %mul3A_555 = arith.mulf %get3A_554, %get3A_554 : vector<16xf32>
      %add3A_556 = arith.addf %add3A_492, %mul3A_555 : vector<16xf32>
      %add3A_557 = arith.constant 5 : i32
      %add3A_558 = arith.addi %mul3A_205, %add3A_557 : i32
      %get3A_559 = arith.index_cast %add3A_558 : i32 to index
      %get3A_560 = arith.constant 64 : index
      %get3A_561 = tpu.vector_load %arg7[%get3A_559, %get3A_560] {strides = array<i32>} : memref<128x128xf32, #tpu.memory_space<vmem>>, vector<1x16xf32>,
      %get3A_562 = vector.shape_cast %get3A_561 : vector<1x16xf32> to vector<16xf32>
      %mul3A_563 = arith.mulf %get3A_562, %get3A_562 : vector<16xf32>
      %add3A_564 = arith.addf %add3A_500, %mul3A_563 : vector<16xf32>
      %add3A_565 = arith.constant 5 : i32
      %add3A_566 = arith.addi %mul3A_205, %add3A_565 : i32
      %get3A_567 = arith.index_cast %add3A_566 : i32 to index
      %get3A_568 = arith.constant 80 : index
      %get3A_569 = tpu.vector_load %arg7[%get3A_567, %get3A_568] {strides = array<i32>} : memref<128x128xf32, #tpu.memory_space<vmem>>, vector<1x16xf32>,
      %get3A_570 = vector.shape_cast %get3A_569 : vector<1x16xf32> to vector<16xf32>
      %mul3A_571 = arith.mulf %get3A_570, %get3A_570 : vector<16xf32>
      %add3A_572 = arith.addf %add3A_508, %mul3A_571 : vector<16xf32>
      %add3A_573 = arith.constant 5 : i32
      %add3A_574 = arith.addi %mul3A_205, %add3A_573 : i32
      %get3A_575 = arith.index_cast %add3A_574 : i32 to index
      %get3A_576 = arith.constant 96 : index
      %get3A_577 = tpu.vector_load %arg7[%get3A_575, %get3A_576] {strides = array<i32>} : memref<128x128xf32, #tpu.memory_space<vmem>>, vector<1x16xf32>,
      %get3A_578 = vector.shape_cast %get3A_577 : vector<1x16xf32> to vector<16xf32>
      %mul3A_579 = arith.mulf %get3A_578, %get3A_578 : vector<16xf32>
      %add3A_580 = arith.addf %add3A_516, %mul3A_579 : vector<16xf32>
      %add3A_581 = arith.constant 5 : i32
      %add3A_582 = arith.addi %mul3A_205, %add3A_581 : i32
      %get3A_583 = arith.index_cast %add3A_582 : i32 to index
      %get3A_584 = arith.constant 112 : index
      %get3A_585 = tpu.vector_load %arg7[%get3A_583, %get3A_584] {strides = array<i32>} : memref<128x128xf32, #tpu.memory_space<vmem>>, vector<1x16xf32>,
      %get3A_586 = vector.shape_cast %get3A_585 : vector<1x16xf32> to vector<16xf32>
      %mul3A_587 = arith.mulf %get3A_586, %get3A_586 : vector<16xf32>
      %add3A_588 = arith.addf %add3A_524, %mul3A_587 : vector<16xf32>
      %add3A_589 = arith.constant 6 : i32
      %add3A_590 = arith.addi %mul3A_205, %add3A_589 : i32
      %get3A_591 = arith.index_cast %add3A_590 : i32 to index
      %get3A_592 = arith.constant 0 : index
      %get3A_593 = tpu.vector_load %arg7[%get3A_591, %get3A_592] {strides = array<i32>} : memref<128x128xf32, #tpu.memory_space<vmem>>, vector<1x16xf32>,
      %get3A_594 = vector.shape_cast %get3A_593 : vector<1x16xf32> to vector<16xf32>
      %mul3A_595 = arith.mulf %get3A_594, %get3A_594 : vector<16xf32>
      %add3A_596 = arith.addf %add3A_532, %mul3A_595 : vector<16xf32>
      %add3A_597 = arith.constant 6 : i32
      %add3A_598 = arith.addi %mul3A_205, %add3A_597 : i32
      %get3A_599 = arith.index_cast %add3A_598 : i32 to index
      %get3A_600 = arith.constant 16 : index
      %get3A_601 = tpu.vector_load %arg7[%get3A_599, %get3A_600] {strides = array<i32>} : memref<128x128xf32, #tpu.memory_space<vmem>>, vector<1x16xf32>,
      %get3A_602 = vector.shape_cast %get3A_601 : vector<1x16xf32> to vector<16xf32>
      %mul3A_603 = arith.mulf %get3A_602, %get3A_602 : vector<16xf32>
      %add3A_604 = arith.addf %add3A_540, %mul3A_603 : vector<16xf32>
      %add3A_605 = arith.constant 6 : i32
      %add3A_606 = arith.addi %mul3A_205, %add3A_605 : i32
      %get3A_607 = arith.index_cast %add3A_606 : i32 to index
      %get3A_608 = arith.constant 32 : index
      %get3A_609 = tpu.vector_load %arg7[%get3A_607, %get3A_608] {strides = array<i32>} : memref<128x128xf32, #tpu.memory_space<vmem>>, vector<1x16xf32>,
      %get3A_610 = vector.shape_cast %get3A_609 : vector<1x16xf32> to vector<16xf32>
      %mul3A_611 = arith.mulf %get3A_610, %get3A_610 : vector<16xf32>
      %add3A_612 = arith.addf %add3A_548, %mul3A_611 : vector<16xf32>
      %add3A_613 = arith.constant 6 : i32
      %add3A_614 = arith.addi %mul3A_205, %add3A_613 : i32
      %get3A_615 = arith.index_cast %add3A_614 : i32 to index
      %get3A_616 = arith.constant 48 : index
      %get3A_617 = tpu.vector_load %arg7[%get3A_615, %get3A_616] {strides = array<i32>} : memref<128x128xf32, #tpu.memory_space<vmem>>, vector<1x16xf32>,
      %get3A_618 = vector.shape_cast %get3A_617 : vector<1x16xf32> to vector<16xf32>
      %mul3A_619 = arith.mulf %get3A_618, %get3A_618 : vector<16xf32>
      %add3A_620 = arith.addf %add3A_556, %mul3A_619 : vector<16xf32>
      %add3A_621 = arith.constant 6 : i32
      %add3A_622 = arith.addi %mul3A_205, %add3A_621 : i32
      %get3A_623 = arith.index_cast %add3A_622 : i32 to index
      %get3A_624 = arith.constant 64 : index
      %get3A_625 = tpu.vector_load %arg7[%get3A_623, %get3A_624] {strides = array<i32>} : memref<128x128xf32, #tpu.memory_space<vmem>>, vector<1x16xf32>,
      %get3A_626 = vector.shape_cast %get3A_625 : vector<1x16xf32> to vector<16xf32>
      %mul3A_627 = arith.mulf %get3A_626, %get3A_626 : vector<16xf32>
      %add3A_628 = arith.addf %add3A_564, %mul3A_627 : vector<16xf32>
      %add3A_629 = arith.constant 6 : i32
      %add3A_630 = arith.addi %mul3A_205, %add3A_629 : i32
      %get3A_631 = arith.index_cast %add3A_630 : i32 to index
      %get3A_632 = arith.constant 80 : index
      %get3A_633 = tpu.vector_load %arg7[%get3A_631, %get3A_632] {strides = array<i32>} : memref<128x128xf32, #tpu.memory_space<vmem>>, vector<1x16xf32>,
      %get3A_634 = vector.shape_cast %get3A_633 : vector<1x16xf32> to vector<16xf32>
      %mul3A_635 = arith.mulf %get3A_634, %get3A_634 : vector<16xf32>
      %add3A_636 = arith.addf %add3A_572, %mul3A_635 : vector<16xf32>
      %add3A_637 = arith.constant 6 : i32
      %add3A_638 = arith.addi %mul3A_205, %add3A_637 : i32
      %get3A_639 = arith.index_cast %add3A_638 : i32 to index
      %get3A_640 = arith.constant 96 : index
      %get3A_641 = tpu.vector_load %arg7[%get3A_639, %get3A_640] {strides = array<i32>} : memref<128x128xf32, #tpu.memory_space<vmem>>, vector<1x16xf32>,
      %get3A_642 = vector.shape_cast %get3A_641 : vector<1x16xf32> to vector<16xf32>
      %mul3A_643 = arith.mulf %get3A_642, %get3A_642 : vector<16xf32>
      %add3A_644 = arith.addf %add3A_580, %mul3A_643 : vector<16xf32>
      %add3A_645 = arith.constant 6 : i32
      %add3A_646 = arith.addi %mul3A_205, %add3A_645 : i32
      %get3A_647 = arith.index_cast %add3A_646 : i32 to index
      %get3A_648 = arith.constant 112 : index
      %get3A_649 = tpu.vector_load %arg7[%get3A_647, %get3A_648] {strides = array<i32>} : memref<128x128xf32, #tpu.memory_space<vmem>>, vector<1x16xf32>,
      %get3A_650 = vector.shape_cast %get3A_649 : vector<1x16xf32> to vector<16xf32>
      %mul3A_651 = arith.mulf %get3A_650, %get3A_650 : vector<16xf32>
      %add3A_652 = arith.addf %add3A_588, %mul3A_651 : vector<16xf32>
      %add3A_653 = arith.constant 7 : i32
      %add3A_654 = arith.addi %mul3A_205, %add3A_653 : i32
      %get3A_655 = arith.index_cast %add3A_654 : i32 to index
      %get3A_656 = arith.constant 0 : index
      %get3A_657 = tpu.vector_load %arg7[%get3A_655, %get3A_656] {strides = array<i32>} : memref<128x128xf32, #tpu.memory_space<vmem>>, vector<1x16xf32>,
      %get3A_658 = vector.shape_cast %get3A_657 : vector<1x16xf32> to vector<16xf32>
      %mul3A_659 = arith.mulf %get3A_658, %get3A_658 : vector<16xf32>
      %add3A_660 = arith.addf %add3A_596, %mul3A_659 : vector<16xf32>
      %add3A_661 = arith.constant 7 : i32
      %add3A_662 = arith.addi %mul3A_205, %add3A_661 : i32
      %get3A_663 = arith.index_cast %add3A_662 : i32 to index
      %get3A_664 = arith.constant 16 : index
      %get3A_665 = tpu.vector_load %arg7[%get3A_663, %get3A_664] {strides = array<i32>} : memref<128x128xf32, #tpu.memory_space<vmem>>, vector<1x16xf32>,
      %get3A_666 = vector.shape_cast %get3A_665 : vector<1x16xf32> to vector<16xf32>
      %mul3A_667 = arith.mulf %get3A_666, %get3A_666 : vector<16xf32>
      %add3A_668 = arith.addf %add3A_604, %mul3A_667 : vector<16xf32>
      %add3A_669 = arith.constant 7 : i32
      %add3A_670 = arith.addi %mul3A_205, %add3A_669 : i32
      %get3A_671 = arith.index_cast %add3A_670 : i32 to index
      %get3A_672 = arith.constant 32 : index
      %get3A_673 = tpu.vector_load %arg7[%get3A_671, %get3A_672] {strides = array<i32>} : memref<128x128xf32, #tpu.memory_space<vmem>>, vector<1x16xf32>,
      %get3A_674 = vector.shape_cast %get3A_673 : vector<1x16xf32> to vector<16xf32>
      %mul3A_675 = arith.mulf %get3A_674, %get3A_674 : vector<16xf32>
      %add3A_676 = arith.addf %add3A_612, %mul3A_675 : vector<16xf32>
      %add3A_677 = arith.constant 7 : i32
      %add3A_678 = arith.addi %mul3A_205, %add3A_677 : i32
      %get3A_679 = arith.index_cast %add3A_678 : i32 to index
      %get3A_680 = arith.constant 48 : index
      %get3A_681 = tpu.vector_load %arg7[%get3A_679, %get3A_680] {strides = array<i32>} : memref<128x128xf32, #tpu.memory_space<vmem>>, vector<1x16xf32>,
      %get3A_682 = vector.shape_cast %get3A_681 : vector<1x16xf32> to vector<16xf32>
      %mul3A_683 = arith.mulf %get3A_682, %get3A_682 : vector<16xf32>
      %add3A_684 = arith.addf %add3A_620, %mul3A_683 : vector<16xf32>
      %add3A_685 = arith.constant 7 : i32
      %add3A_686 = arith.addi %mul3A_205, %add3A_685 : i32
      %get3A_687 = arith.index_cast %add3A_686 : i32 to index
      %get3A_688 = arith.constant 64 : index
      %get3A_689 = tpu.vector_load %arg7[%get3A_687, %get3A_688] {strides = array<i32>} : memref<128x128xf32, #tpu.memory_space<vmem>>, vector<1x16xf32>,
      %get3A_690 = vector.shape_cast %get3A_689 : vector<1x16xf32> to vector<16xf32>
      %mul3A_691 = arith.mulf %get3A_690, %get3A_690 : vector<16xf32>
      %add3A_692 = arith.addf %add3A_628, %mul3A_691 : vector<16xf32>
      %add3A_693 = arith.constant 7 : i32
      %add3A_694 = arith.addi %mul3A_205, %add3A_693 : i32
      %get3A_695 = arith.index_cast %add3A_694 : i32 to index
      %get3A_696 = arith.constant 80 : index
      %get3A_697 = tpu.vector_load %arg7[%get3A_695, %get3A_696] {strides = array<i32>} : memref<128x128xf32, #tpu.memory_space<vmem>>, vector<1x16xf32>,
      %get3A_698 = vector.shape_cast %get3A_697 : vector<1x16xf32> to vector<16xf32>
      %mul3A_699 = arith.mulf %get3A_698, %get3A_698 : vector<16xf32>
      %add3A_700 = arith.addf %add3A_636, %mul3A_699 : vector<16xf32>
      %add3A_701 = arith.constant 7 : i32
      %add3A_702 = arith.addi %mul3A_205, %add3A_701 : i32
      %get3A_703 = arith.index_cast %add3A_702 : i32 to index
      %get3A_704 = arith.constant 96 : index
      %get3A_705 = tpu.vector_load %arg7[%get3A_703, %get3A_704] {strides = array<i32>} : memref<128x128xf32, #tpu.memory_space<vmem>>, vector<1x16xf32>,
      %get3A_706 = vector.shape_cast %get3A_705 : vector<1x16xf32> to vector<16xf32>
      %mul3A_707 = arith.mulf %get3A_706, %get3A_706 : vector<16xf32>
      %add3A_708 = arith.addf %add3A_644, %mul3A_707 : vector<16xf32>
      %add3A_709 = arith.constant 7 : i32
      %add3A_710 = arith.addi %mul3A_205, %add3A_709 : i32
      %get3A_711 = arith.index_cast %add3A_710 : i32 to index
      %get3A_712 = arith.constant 112 : index
      %get3A_713 = tpu.vector_load %arg7[%get3A_711, %get3A_712] {strides = array<i32>} : memref<128x128xf32, #tpu.memory_space<vmem>>, vector<1x16xf32>,
      %get3A_714 = vector.shape_cast %get3A_713 : vector<1x16xf32> to vector<16xf32>
      %mul3A_715 = arith.mulf %get3A_714, %get3A_714 : vector<16xf32>
      %add3A_716 = arith.addf %add3A_652, %mul3A_715 : vector<16xf32>
      scf.yield %add3A_660, %add3A_668, %add3A_676, %add3A_684, %add3A_692, %add3A_700, %add3A_708, %add3A_716 : vector<16xf32>, vector<16xf32>, vector<16xf32>, vector<16xf32>, vector<16xf32>, vector<16xf32>, vector<16xf32>, vector<16xf32>
    }
    %scan3A_103 = arith.constant 16 : i32
    %mul3A_104 = arith.constant 4 : i32
    %mul3A_105 = arith.muli %add3A, %mul3A_104 : i32
    %add3A_106 = arith.constant 3 : i32
    %add3A_107 = arith.addi %mul3A_105, %add3A_106 : i32
    %dma_start3A_108 = arith.constant 0 : i32
    %dma_start3A_109 = arith.constant 0 : i32
    %dma_start3A_110 = tpu.memref_slice %arg2[%add3A_107, %dma_start3A_108, %dma_start3A_109] : memref<128x128x128xf32, #tpu.memory_space<hbm>> -> memref<1x128x128xf32, #tpu.memory_space<hbm>>
    %dma_start3A_111 = tpu.memref_squeeze %dma_start3A_110 : memref<1x128x128xf32, #tpu.memory_space<hbm>> -> memref<128x128xf32, #tpu.memory_space<hbm>>
    %dma_start3A_112 = arith.constant 0 : i32
    %dma_start3A_113 = arith.constant 0 : i32
    %dma_start3A_114 = tpu.memref_slice %arg2[%add3A_107, %dma_start3A_112, %dma_start3A_113] : memref<128x128x128xf32, #tpu.memory_space<hbm>> -> memref<1x128x128xf32, #tpu.memory_space<hbm>>
    %dma_start3A_115 = tpu.memref_squeeze %dma_start3A_114 : memref<1x128x128xf32, #tpu.memory_space<hbm>> -> memref<128x128xf32, #tpu.memory_space<hbm>>
    tpu.enqueue_dma source(%dma_start3A_115 : memref<128x128xf32, #tpu.memory_space<hbm>>) target(%arg7 : memref<128x128xf32, #tpu.memory_space<vmem>>) target_semaphore(%arg12 : memref<!tpu.dma_semaphore, #tpu.memory_space<semaphore_mem>>)
    %dma_wait3A_116 = arith.constant 0 : i32
    %dma_wait3A_117 = arith.constant 0 : i32
    %dma_wait3A_118 = tpu.memref_slice %arg2[%add3A_27, %dma_wait3A_116, %dma_wait3A_117] : memref<128x128x128xf32, #tpu.memory_space<hbm>> -> memref<1x128x128xf32, #tpu.memory_space<hbm>>
    %dma_wait3A_119 = tpu.memref_squeeze %dma_wait3A_118 : memref<1x128x128xf32, #tpu.memory_space<hbm>> -> memref<128x128xf32, #tpu.memory_space<hbm>>
    %dma_wait3A_120 = arith.constant 0 : i32
    %dma_wait3A_121 = arith.constant 0 : i32
    %dma_wait3A_122 = tpu.memref_slice %arg2[%add3A_27, %dma_wait3A_120, %dma_wait3A_121] : memref<128x128x128xf32, #tpu.memory_space<hbm>> -> memref<1x128x128xf32, #tpu.memory_space<hbm>>
    %dma_wait3A_123 = tpu.memref_squeeze %dma_wait3A_122 : memref<1x128x128xf32, #tpu.memory_space<hbm>> -> memref<128x128xf32, #tpu.memory_space<hbm>>
    tpu.wait_dma2 semaphore(%arg14 : memref<!tpu.dma_semaphore, #tpu.memory_space<semaphore_mem>>) src(%dma_wait3A_123 : memref<128x128xf32, #tpu.memory_space<hbm>>) dst(%arg9 : memref<128x128xf32, #tpu.memory_space<vmem>>)
    %dma_start3A_124 = arith.constant 2 : i32
    %dma_start3A_125 = arith.constant 0 : i32
    %dma_start3A_126 = tpu.memref_slice %arg6[%dma_start3A_124, %dma_start3A_125] : memref<4x128xi32, #tpu.memory_space<vmem>> -> memref<1x128xi32, #tpu.memory_space<vmem>>
    %dma_start3A_127 = tpu.memref_squeeze %dma_start3A_126 : memref<1x128xi32, #tpu.memory_space<vmem>> -> memref<128xi32, #tpu.memory_space<vmem>>
    %dma_start3A_128 = arith.constant 0 : i32
    %dma_start3A_129 = arith.constant 0 : i32
    %dma_start3A_130 = tpu.memref_slice %arg11[%dma_start3A_128, %dma_start3A_129] : memref<1024x128xf32, #tpu.memory_space<vmem_shared>> -> memref<1024x128xf32, #tpu.memory_space<vmem_shared>>
    tpu.enqueue_indirect_dma source(%dma_start3A_130 : memref<1024x128xf32, #tpu.memory_space<vmem_shared>>) target(%arg9 : memref<128x128xf32, #tpu.memory_space<vmem>>) offsets(%dma_start3A_127 : memref<128xi32, #tpu.memory_space<vmem>>) semaphore(%arg17 : memref<!tpu.dma_semaphore, #tpu.memory_space<semaphore_mem>>) {add = true}
    %dma_wait3A_131 = arith.constant 1 : i32
    %dma_wait3A_132 = arith.constant 0 : i32
    %dma_wait3A_133 = tpu.memref_slice %arg6[%dma_wait3A_131, %dma_wait3A_132] : memref<4x128xi32, #tpu.memory_space<vmem>> -> memref<1x128xi32, #tpu.memory_space<vmem>>
    %dma_wait3A_134 = tpu.memref_squeeze %dma_wait3A_133 : memref<1x128xi32, #tpu.memory_space<vmem>> -> memref<128xi32, #tpu.memory_space<vmem>>
    %dma_wait3A_135 = arith.constant 0 : i32
    %dma_wait3A_136 = arith.constant 0 : i32
    %dma_wait3A_137 = tpu.memref_slice %arg11[%dma_wait3A_135, %dma_wait3A_136] : memref<1024x128xf32, #tpu.memory_space<vmem_shared>> -> memref<1024x128xf32, #tpu.memory_space<vmem_shared>>
    tpu.wait_indirect_dma semaphore(%arg16 : memref<!tpu.dma_semaphore, #tpu.memory_space<semaphore_mem>>) src(%dma_wait3A_137 : memref<1024x128xf32, #tpu.memory_space<vmem_shared>>) dst(%arg8 : memref<128x128xf32, #tpu.memory_space<vmem>>)
    %scan3A_138 = arith.constant 0 : i32
    %scan3A_139 = arith.constant 16 : i32
    %scan3A_140 = arith.addi %scan3A_138, %scan3A_139 : i32
    %scan3A_141 = arith.constant 1 : i32
    %scan3A_142:8 = scf.for %scan3A_195 = %scan3A_138 to %scan3A_140 step %scan3A_141 iter_args(%scan3A_196 = %scan3A_102#0, %scan3A_197 = %scan3A_102#1, %scan3A_198 = %scan3A_102#2, %scan3A_199 = %scan3A_102#3, %scan3A_200 = %scan3A_102#4, %scan3A_201 = %scan3A_102#5, %scan3A_202 = %scan3A_102#6, %scan3A_203 = %scan3A_102#7) -> (vector<16xf32>, vector<16xf32>, vector<16xf32>, vector<16xf32>, vector<16xf32>, vector<16xf32>, vector<16xf32>, vector<16xf32>)  : i32 {
      %mul3A_204 = arith.constant 8 : i32
      %mul3A_205 = arith.muli %scan3A_195, %mul3A_204 : i32
      %add3A_206 = arith.constant 0 : i32
      %add3A_207 = arith.addi %mul3A_205, %add3A_206 : i32
      %get3A = arith.index_cast %add3A_207 : i32 to index
      %get3A_208 = arith.constant 0 : index
      %get3A_209 = tpu.vector_load %arg8[%get3A, %get3A_208] {strides = array<i32>} : memref<128x128xf32, #tpu.memory_space<vmem>>, vector<1x16xf32>,
      %get3A_210 = vector.shape_cast %get3A_209 : vector<1x16xf32> to vector<16xf32>
      %mul3A_211 = arith.mulf %get3A_210, %get3A_210 : vector<16xf32>
      %add3A_212 = arith.addf %scan3A_196, %mul3A_211 : vector<16xf32>
      %add3A_213 = arith.constant 0 : i32
      %add3A_214 = arith.addi %mul3A_205, %add3A_213 : i32
      %get3A_215 = arith.index_cast %add3A_214 : i32 to index
      %get3A_216 = arith.constant 16 : index
      %get3A_217 = tpu.vector_load %arg8[%get3A_215, %get3A_216] {strides = array<i32>} : memref<128x128xf32, #tpu.memory_space<vmem>>, vector<1x16xf32>,
      %get3A_218 = vector.shape_cast %get3A_217 : vector<1x16xf32> to vector<16xf32>
      %mul3A_219 = arith.mulf %get3A_218, %get3A_218 : vector<16xf32>
      %add3A_220 = arith.addf %scan3A_197, %mul3A_219 : vector<16xf32>
      %add3A_221 = arith.constant 0 : i32
      %add3A_222 = arith.addi %mul3A_205, %add3A_221 : i32
      %get3A_223 = arith.index_cast %add3A_222 : i32 to index
      %get3A_224 = arith.constant 32 : index
      %get3A_225 = tpu.vector_load %arg8[%get3A_223, %get3A_224] {strides = array<i32>} : memref<128x128xf32, #tpu.memory_space<vmem>>, vector<1x16xf32>,
      %get3A_226 = vector.shape_cast %get3A_225 : vector<1x16xf32> to vector<16xf32>
      %mul3A_227 = arith.mulf %get3A_226, %get3A_226 : vector<16xf32>
      %add3A_228 = arith.addf %scan3A_198, %mul3A_227 : vector<16xf32>
      %add3A_229 = arith.constant 0 : i32
      %add3A_230 = arith.addi %mul3A_205, %add3A_229 : i32
      %get3A_231 = arith.index_cast %add3A_230 : i32 to index
      %get3A_232 = arith.constant 48 : index
      %get3A_233 = tpu.vector_load %arg8[%get3A_231, %get3A_232] {strides = array<i32>} : memref<128x128xf32, #tpu.memory_space<vmem>>, vector<1x16xf32>,
      %get3A_234 = vector.shape_cast %get3A_233 : vector<1x16xf32> to vector<16xf32>
      %mul3A_235 = arith.mulf %get3A_234, %get3A_234 : vector<16xf32>
      %add3A_236 = arith.addf %scan3A_199, %mul3A_235 : vector<16xf32>
      %add3A_237 = arith.constant 0 : i32
      %add3A_238 = arith.addi %mul3A_205, %add3A_237 : i32
      %get3A_239 = arith.index_cast %add3A_238 : i32 to index
      %get3A_240 = arith.constant 64 : index
      %get3A_241 = tpu.vector_load %arg8[%get3A_239, %get3A_240] {strides = array<i32>} : memref<128x128xf32, #tpu.memory_space<vmem>>, vector<1x16xf32>,
      %get3A_242 = vector.shape_cast %get3A_241 : vector<1x16xf32> to vector<16xf32>
      %mul3A_243 = arith.mulf %get3A_242, %get3A_242 : vector<16xf32>
      %add3A_244 = arith.addf %scan3A_200, %mul3A_243 : vector<16xf32>
      %add3A_245 = arith.constant 0 : i32
      %add3A_246 = arith.addi %mul3A_205, %add3A_245 : i32
      %get3A_247 = arith.index_cast %add3A_246 : i32 to index
      %get3A_248 = arith.constant 80 : index
      %get3A_249 = tpu.vector_load %arg8[%get3A_247, %get3A_248] {strides = array<i32>} : memref<128x128xf32, #tpu.memory_space<vmem>>, vector<1x16xf32>,
      %get3A_250 = vector.shape_cast %get3A_249 : vector<1x16xf32> to vector<16xf32>
      %mul3A_251 = arith.mulf %get3A_250, %get3A_250 : vector<16xf32>
      %add3A_252 = arith.addf %scan3A_201, %mul3A_251 : vector<16xf32>
      %add3A_253 = arith.constant 0 : i32
      %add3A_254 = arith.addi %mul3A_205, %add3A_253 : i32
      %get3A_255 = arith.index_cast %add3A_254 : i32 to index
      %get3A_256 = arith.constant 96 : index
      %get3A_257 = tpu.vector_load %arg8[%get3A_255, %get3A_256] {strides = array<i32>} : memref<128x128xf32, #tpu.memory_space<vmem>>, vector<1x16xf32>,
      %get3A_258 = vector.shape_cast %get3A_257 : vector<1x16xf32> to vector<16xf32>
      %mul3A_259 = arith.mulf %get3A_258, %get3A_258 : vector<16xf32>
      %add3A_260 = arith.addf %scan3A_202, %mul3A_259 : vector<16xf32>
      %add3A_261 = arith.constant 0 : i32
      %add3A_262 = arith.addi %mul3A_205, %add3A_261 : i32
      %get3A_263 = arith.index_cast %add3A_262 : i32 to index
      %get3A_264 = arith.constant 112 : index
      %get3A_265 = tpu.vector_load %arg8[%get3A_263, %get3A_264] {strides = array<i32>} : memref<128x128xf32, #tpu.memory_space<vmem>>, vector<1x16xf32>,
      %get3A_266 = vector.shape_cast %get3A_265 : vector<1x16xf32> to vector<16xf32>
      %mul3A_267 = arith.mulf %get3A_266, %get3A_266 : vector<16xf32>
      %add3A_268 = arith.addf %scan3A_203, %mul3A_267 : vector<16xf32>
      %add3A_269 = arith.constant 1 : i32
      %add3A_270 = arith.addi %mul3A_205, %add3A_269 : i32
      %get3A_271 = arith.index_cast %add3A_270 : i32 to index
      %get3A_272 = arith.constant 0 : index
      %get3A_273 = tpu.vector_load %arg8[%get3A_271, %get3A_272] {strides = array<i32>} : memref<128x128xf32, #tpu.memory_space<vmem>>, vector<1x16xf32>,
      %get3A_274 = vector.shape_cast %get3A_273 : vector<1x16xf32> to vector<16xf32>
      %mul3A_275 = arith.mulf %get3A_274, %get3A_274 : vector<16xf32>
      %add3A_276 = arith.addf %add3A_212, %mul3A_275 : vector<16xf32>
      %add3A_277 = arith.constant 1 : i32
      %add3A_278 = arith.addi %mul3A_205, %add3A_277 : i32
      %get3A_279 = arith.index_cast %add3A_278 : i32 to index
      %get3A_280 = arith.constant 16 : index
      %get3A_281 = tpu.vector_load %arg8[%get3A_279, %get3A_280] {strides = array<i32>} : memref<128x128xf32, #tpu.memory_space<vmem>>, vector<1x16xf32>,
      %get3A_282 = vector.shape_cast %get3A_281 : vector<1x16xf32> to vector<16xf32>
      %mul3A_283 = arith.mulf %get3A_282, %get3A_282 : vector<16xf32>
      %add3A_284 = arith.addf %add3A_220, %mul3A_283 : vector<16xf32>
      %add3A_285 = arith.constant 1 : i32
      %add3A_286 = arith.addi %mul3A_205, %add3A_285 : i32
      %get3A_287 = arith.index_cast %add3A_286 : i32 to index
      %get3A_288 = arith.constant 32 : index
      %get3A_289 = tpu.vector_load %arg8[%get3A_287, %get3A_288] {strides = array<i32>} : memref<128x128xf32, #tpu.memory_space<vmem>>, vector<1x16xf32>,
      %get3A_290 = vector.shape_cast %get3A_289 : vector<1x16xf32> to vector<16xf32>
      %mul3A_291 = arith.mulf %get3A_290, %get3A_290 : vector<16xf32>
      %add3A_292 = arith.addf %add3A_228, %mul3A_291 : vector<16xf32>
      %add3A_293 = arith.constant 1 : i32
      %add3A_294 = arith.addi %mul3A_205, %add3A_293 : i32
      %get3A_295 = arith.index_cast %add3A_294 : i32 to index
      %get3A_296 = arith.constant 48 : index
      %get3A_297 = tpu.vector_load %arg8[%get3A_295, %get3A_296] {strides = array<i32>} : memref<128x128xf32, #tpu.memory_space<vmem>>, vector<1x16xf32>,
      %get3A_298 = vector.shape_cast %get3A_297 : vector<1x16xf32> to vector<16xf32>
      %mul3A_299 = arith.mulf %get3A_298, %get3A_298 : vector<16xf32>
      %add3A_300 = arith.addf %add3A_236, %mul3A_299 : vector<16xf32>
      %add3A_301 = arith.constant 1 : i32
      %add3A_302 = arith.addi %mul3A_205, %add3A_301 : i32
      %get3A_303 = arith.index_cast %add3A_302 : i32 to index
      %get3A_304 = arith.constant 64 : index
      %get3A_305 = tpu.vector_load %arg8[%get3A_303, %get3A_304] {strides = array<i32>} : memref<128x128xf32, #tpu.memory_space<vmem>>, vector<1x16xf32>,
      %get3A_306 = vector.shape_cast %get3A_305 : vector<1x16xf32> to vector<16xf32>
      %mul3A_307 = arith.mulf %get3A_306, %get3A_306 : vector<16xf32>
      %add3A_308 = arith.addf %add3A_244, %mul3A_307 : vector<16xf32>
      %add3A_309 = arith.constant 1 : i32
      %add3A_310 = arith.addi %mul3A_205, %add3A_309 : i32
      %get3A_311 = arith.index_cast %add3A_310 : i32 to index
      %get3A_312 = arith.constant 80 : index
      %get3A_313 = tpu.vector_load %arg8[%get3A_311, %get3A_312] {strides = array<i32>} : memref<128x128xf32, #tpu.memory_space<vmem>>, vector<1x16xf32>,
      %get3A_314 = vector.shape_cast %get3A_313 : vector<1x16xf32> to vector<16xf32>
      %mul3A_315 = arith.mulf %get3A_314, %get3A_314 : vector<16xf32>
      %add3A_316 = arith.addf %add3A_252, %mul3A_315 : vector<16xf32>
      %add3A_317 = arith.constant 1 : i32
      %add3A_318 = arith.addi %mul3A_205, %add3A_317 : i32
      %get3A_319 = arith.index_cast %add3A_318 : i32 to index
      %get3A_320 = arith.constant 96 : index
      %get3A_321 = tpu.vector_load %arg8[%get3A_319, %get3A_320] {strides = array<i32>} : memref<128x128xf32, #tpu.memory_space<vmem>>, vector<1x16xf32>,
      %get3A_322 = vector.shape_cast %get3A_321 : vector<1x16xf32> to vector<16xf32>
      %mul3A_323 = arith.mulf %get3A_322, %get3A_322 : vector<16xf32>
      %add3A_324 = arith.addf %add3A_260, %mul3A_323 : vector<16xf32>
      %add3A_325 = arith.constant 1 : i32
      %add3A_326 = arith.addi %mul3A_205, %add3A_325 : i32
      %get3A_327 = arith.index_cast %add3A_326 : i32 to index
      %get3A_328 = arith.constant 112 : index
      %get3A_329 = tpu.vector_load %arg8[%get3A_327, %get3A_328] {strides = array<i32>} : memref<128x128xf32, #tpu.memory_space<vmem>>, vector<1x16xf32>,
      %get3A_330 = vector.shape_cast %get3A_329 : vector<1x16xf32> to vector<16xf32>
      %mul3A_331 = arith.mulf %get3A_330, %get3A_330 : vector<16xf32>
      %add3A_332 = arith.addf %add3A_268, %mul3A_331 : vector<16xf32>
      %add3A_333 = arith.constant 2 : i32
      %add3A_334 = arith.addi %mul3A_205, %add3A_333 : i32
      %get3A_335 = arith.index_cast %add3A_334 : i32 to index
      %get3A_336 = arith.constant 0 : index
      %get3A_337 = tpu.vector_load %arg8[%get3A_335, %get3A_336] {strides = array<i32>} : memref<128x128xf32, #tpu.memory_space<vmem>>, vector<1x16xf32>,
      %get3A_338 = vector.shape_cast %get3A_337 : vector<1x16xf32> to vector<16xf32>
      %mul3A_339 = arith.mulf %get3A_338, %get3A_338 : vector<16xf32>
      %add3A_340 = arith.addf %add3A_276, %mul3A_339 : vector<16xf32>
      %add3A_341 = arith.constant 2 : i32
      %add3A_342 = arith.addi %mul3A_205, %add3A_341 : i32
      %get3A_343 = arith.index_cast %add3A_342 : i32 to index
      %get3A_344 = arith.constant 16 : index
      %get3A_345 = tpu.vector_load %arg8[%get3A_343, %get3A_344] {strides = array<i32>} : memref<128x128xf32, #tpu.memory_space<vmem>>, vector<1x16xf32>,
      %get3A_346 = vector.shape_cast %get3A_345 : vector<1x16xf32> to vector<16xf32>
      %mul3A_347 = arith.mulf %get3A_346, %get3A_346 : vector<16xf32>
      %add3A_348 = arith.addf %add3A_284, %mul3A_347 : vector<16xf32>
      %add3A_349 = arith.constant 2 : i32
      %add3A_350 = arith.addi %mul3A_205, %add3A_349 : i32
      %get3A_351 = arith.index_cast %add3A_350 : i32 to index
      %get3A_352 = arith.constant 32 : index
      %get3A_353 = tpu.vector_load %arg8[%get3A_351, %get3A_352] {strides = array<i32>} : memref<128x128xf32, #tpu.memory_space<vmem>>, vector<1x16xf32>,
      %get3A_354 = vector.shape_cast %get3A_353 : vector<1x16xf32> to vector<16xf32>
      %mul3A_355 = arith.mulf %get3A_354, %get3A_354 : vector<16xf32>
      %add3A_356 = arith.addf %add3A_292, %mul3A_355 : vector<16xf32>
      %add3A_357 = arith.constant 2 : i32
      %add3A_358 = arith.addi %mul3A_205, %add3A_357 : i32
      %get3A_359 = arith.index_cast %add3A_358 : i32 to index
      %get3A_360 = arith.constant 48 : index
      %get3A_361 = tpu.vector_load %arg8[%get3A_359, %get3A_360] {strides = array<i32>} : memref<128x128xf32, #tpu.memory_space<vmem>>, vector<1x16xf32>,
      %get3A_362 = vector.shape_cast %get3A_361 : vector<1x16xf32> to vector<16xf32>
      %mul3A_363 = arith.mulf %get3A_362, %get3A_362 : vector<16xf32>
      %add3A_364 = arith.addf %add3A_300, %mul3A_363 : vector<16xf32>
      %add3A_365 = arith.constant 2 : i32
      %add3A_366 = arith.addi %mul3A_205, %add3A_365 : i32
      %get3A_367 = arith.index_cast %add3A_366 : i32 to index
      %get3A_368 = arith.constant 64 : index
      %get3A_369 = tpu.vector_load %arg8[%get3A_367, %get3A_368] {strides = array<i32>} : memref<128x128xf32, #tpu.memory_space<vmem>>, vector<1x16xf32>,
      %get3A_370 = vector.shape_cast %get3A_369 : vector<1x16xf32> to vector<16xf32>
      %mul3A_371 = arith.mulf %get3A_370, %get3A_370 : vector<16xf32>
      %add3A_372 = arith.addf %add3A_308, %mul3A_371 : vector<16xf32>
      %add3A_373 = arith.constant 2 : i32
      %add3A_374 = arith.addi %mul3A_205, %add3A_373 : i32
      %get3A_375 = arith.index_cast %add3A_374 : i32 to index
      %get3A_376 = arith.constant 80 : index
      %get3A_377 = tpu.vector_load %arg8[%get3A_375, %get3A_376] {strides = array<i32>} : memref<128x128xf32, #tpu.memory_space<vmem>>, vector<1x16xf32>,
      %get3A_378 = vector.shape_cast %get3A_377 : vector<1x16xf32> to vector<16xf32>
      %mul3A_379 = arith.mulf %get3A_378, %get3A_378 : vector<16xf32>
      %add3A_380 = arith.addf %add3A_316, %mul3A_379 : vector<16xf32>
      %add3A_381 = arith.constant 2 : i32
      %add3A_382 = arith.addi %mul3A_205, %add3A_381 : i32
      %get3A_383 = arith.index_cast %add3A_382 : i32 to index
      %get3A_384 = arith.constant 96 : index
      %get3A_385 = tpu.vector_load %arg8[%get3A_383, %get3A_384] {strides = array<i32>} : memref<128x128xf32, #tpu.memory_space<vmem>>, vector<1x16xf32>,
      %get3A_386 = vector.shape_cast %get3A_385 : vector<1x16xf32> to vector<16xf32>
      %mul3A_387 = arith.mulf %get3A_386, %get3A_386 : vector<16xf32>
      %add3A_388 = arith.addf %add3A_324, %mul3A_387 : vector<16xf32>
      %add3A_389 = arith.constant 2 : i32
      %add3A_390 = arith.addi %mul3A_205, %add3A_389 : i32
      %get3A_391 = arith.index_cast %add3A_390 : i32 to index
      %get3A_392 = arith.constant 112 : index
      %get3A_393 = tpu.vector_load %arg8[%get3A_391, %get3A_392] {strides = array<i32>} : memref<128x128xf32, #tpu.memory_space<vmem>>, vector<1x16xf32>,
      %get3A_394 = vector.shape_cast %get3A_393 : vector<1x16xf32> to vector<16xf32>
      %mul3A_395 = arith.mulf %get3A_394, %get3A_394 : vector<16xf32>
      %add3A_396 = arith.addf %add3A_332, %mul3A_395 : vector<16xf32>
      %add3A_397 = arith.constant 3 : i32
      %add3A_398 = arith.addi %mul3A_205, %add3A_397 : i32
      %get3A_399 = arith.index_cast %add3A_398 : i32 to index
      %get3A_400 = arith.constant 0 : index
      %get3A_401 = tpu.vector_load %arg8[%get3A_399, %get3A_400] {strides = array<i32>} : memref<128x128xf32, #tpu.memory_space<vmem>>, vector<1x16xf32>,
      %get3A_402 = vector.shape_cast %get3A_401 : vector<1x16xf32> to vector<16xf32>
      %mul3A_403 = arith.mulf %get3A_402, %get3A_402 : vector<16xf32>
      %add3A_404 = arith.addf %add3A_340, %mul3A_403 : vector<16xf32>
      %add3A_405 = arith.constant 3 : i32
      %add3A_406 = arith.addi %mul3A_205, %add3A_405 : i32
      %get3A_407 = arith.index_cast %add3A_406 : i32 to index
      %get3A_408 = arith.constant 16 : index
      %get3A_409 = tpu.vector_load %arg8[%get3A_407, %get3A_408] {strides = array<i32>} : memref<128x128xf32, #tpu.memory_space<vmem>>, vector<1x16xf32>,
      %get3A_410 = vector.shape_cast %get3A_409 : vector<1x16xf32> to vector<16xf32>
      %mul3A_411 = arith.mulf %get3A_410, %get3A_410 : vector<16xf32>
      %add3A_412 = arith.addf %add3A_348, %mul3A_411 : vector<16xf32>
      %add3A_413 = arith.constant 3 : i32
      %add3A_414 = arith.addi %mul3A_205, %add3A_413 : i32
      %get3A_415 = arith.index_cast %add3A_414 : i32 to index
      %get3A_416 = arith.constant 32 : index
      %get3A_417 = tpu.vector_load %arg8[%get3A_415, %get3A_416] {strides = array<i32>} : memref<128x128xf32, #tpu.memory_space<vmem>>, vector<1x16xf32>,
      %get3A_418 = vector.shape_cast %get3A_417 : vector<1x16xf32> to vector<16xf32>
      %mul3A_419 = arith.mulf %get3A_418, %get3A_418 : vector<16xf32>
      %add3A_420 = arith.addf %add3A_356, %mul3A_419 : vector<16xf32>
      %add3A_421 = arith.constant 3 : i32
      %add3A_422 = arith.addi %mul3A_205, %add3A_421 : i32
      %get3A_423 = arith.index_cast %add3A_422 : i32 to index
      %get3A_424 = arith.constant 48 : index
      %get3A_425 = tpu.vector_load %arg8[%get3A_423, %get3A_424] {strides = array<i32>} : memref<128x128xf32, #tpu.memory_space<vmem>>, vector<1x16xf32>,
      %get3A_426 = vector.shape_cast %get3A_425 : vector<1x16xf32> to vector<16xf32>
      %mul3A_427 = arith.mulf %get3A_426, %get3A_426 : vector<16xf32>
      %add3A_428 = arith.addf %add3A_364, %mul3A_427 : vector<16xf32>
      %add3A_429 = arith.constant 3 : i32
      %add3A_430 = arith.addi %mul3A_205, %add3A_429 : i32
      %get3A_431 = arith.index_cast %add3A_430 : i32 to index
      %get3A_432 = arith.constant 64 : index
      %get3A_433 = tpu.vector_load %arg8[%get3A_431, %get3A_432] {strides = array<i32>} : memref<128x128xf32, #tpu.memory_space<vmem>>, vector<1x16xf32>,
      %get3A_434 = vector.shape_cast %get3A_433 : vector<1x16xf32> to vector<16xf32>
      %mul3A_435 = arith.mulf %get3A_434, %get3A_434 : vector<16xf32>
      %add3A_436 = arith.addf %add3A_372, %mul3A_435 : vector<16xf32>
      %add3A_437 = arith.constant 3 : i32
      %add3A_438 = arith.addi %mul3A_205, %add3A_437 : i32
      %get3A_439 = arith.index_cast %add3A_438 : i32 to index
      %get3A_440 = arith.constant 80 : index
      %get3A_441 = tpu.vector_load %arg8[%get3A_439, %get3A_440] {strides = array<i32>} : memref<128x128xf32, #tpu.memory_space<vmem>>, vector<1x16xf32>,
      %get3A_442 = vector.shape_cast %get3A_441 : vector<1x16xf32> to vector<16xf32>
      %mul3A_443 = arith.mulf %get3A_442, %get3A_442 : vector<16xf32>
      %add3A_444 = arith.addf %add3A_380, %mul3A_443 : vector<16xf32>
      %add3A_445 = arith.constant 3 : i32
      %add3A_446 = arith.addi %mul3A_205, %add3A_445 : i32
      %get3A_447 = arith.index_cast %add3A_446 : i32 to index
      %get3A_448 = arith.constant 96 : index
      %get3A_449 = tpu.vector_load %arg8[%get3A_447, %get3A_448] {strides = array<i32>} : memref<128x128xf32, #tpu.memory_space<vmem>>, vector<1x16xf32>,
      %get3A_450 = vector.shape_cast %get3A_449 : vector<1x16xf32> to vector<16xf32>
      %mul3A_451 = arith.mulf %get3A_450, %get3A_450 : vector<16xf32>
      %add3A_452 = arith.addf %add3A_388, %mul3A_451 : vector<16xf32>
      %add3A_453 = arith.constant 3 : i32
      %add3A_454 = arith.addi %mul3A_205, %add3A_453 : i32
      %get3A_455 = arith.index_cast %add3A_454 : i32 to index
      %get3A_456 = arith.constant 112 : index
      %get3A_457 = tpu.vector_load %arg8[%get3A_455, %get3A_456] {strides = array<i32>} : memref<128x128xf32, #tpu.memory_space<vmem>>, vector<1x16xf32>,
      %get3A_458 = vector.shape_cast %get3A_457 : vector<1x16xf32> to vector<16xf32>
      %mul3A_459 = arith.mulf %get3A_458, %get3A_458 : vector<16xf32>
      %add3A_460 = arith.addf %add3A_396, %mul3A_459 : vector<16xf32>
      %add3A_461 = arith.constant 4 : i32
      %add3A_462 = arith.addi %mul3A_205, %add3A_461 : i32
      %get3A_463 = arith.index_cast %add3A_462 : i32 to index
      %get3A_464 = arith.constant 0 : index
      %get3A_465 = tpu.vector_load %arg8[%get3A_463, %get3A_464] {strides = array<i32>} : memref<128x128xf32, #tpu.memory_space<vmem>>, vector<1x16xf32>,
      %get3A_466 = vector.shape_cast %get3A_465 : vector<1x16xf32> to vector<16xf32>
      %mul3A_467 = arith.mulf %get3A_466, %get3A_466 : vector<16xf32>
      %add3A_468 = arith.addf %add3A_404, %mul3A_467 : vector<16xf32>
      %add3A_469 = arith.constant 4 : i32
      %add3A_470 = arith.addi %mul3A_205, %add3A_469 : i32
      %get3A_471 = arith.index_cast %add3A_470 : i32 to index
      %get3A_472 = arith.constant 16 : index
      %get3A_473 = tpu.vector_load %arg8[%get3A_471, %get3A_472] {strides = array<i32>} : memref<128x128xf32, #tpu.memory_space<vmem>>, vector<1x16xf32>,
      %get3A_474 = vector.shape_cast %get3A_473 : vector<1x16xf32> to vector<16xf32>
      %mul3A_475 = arith.mulf %get3A_474, %get3A_474 : vector<16xf32>
      %add3A_476 = arith.addf %add3A_412, %mul3A_475 : vector<16xf32>
      %add3A_477 = arith.constant 4 : i32
      %add3A_478 = arith.addi %mul3A_205, %add3A_477 : i32
      %get3A_479 = arith.index_cast %add3A_478 : i32 to index
      %get3A_480 = arith.constant 32 : index
      %get3A_481 = tpu.vector_load %arg8[%get3A_479, %get3A_480] {strides = array<i32>} : memref<128x128xf32, #tpu.memory_space<vmem>>, vector<1x16xf32>,
      %get3A_482 = vector.shape_cast %get3A_481 : vector<1x16xf32> to vector<16xf32>
      %mul3A_483 = arith.mulf %get3A_482, %get3A_482 : vector<16xf32>
      %add3A_484 = arith.addf %add3A_420, %mul3A_483 : vector<16xf32>
      %add3A_485 = arith.constant 4 : i32
      %add3A_486 = arith.addi %mul3A_205, %add3A_485 : i32
      %get3A_487 = arith.index_cast %add3A_486 : i32 to index
      %get3A_488 = arith.constant 48 : index
      %get3A_489 = tpu.vector_load %arg8[%get3A_487, %get3A_488] {strides = array<i32>} : memref<128x128xf32, #tpu.memory_space<vmem>>, vector<1x16xf32>,
      %get3A_490 = vector.shape_cast %get3A_489 : vector<1x16xf32> to vector<16xf32>
      %mul3A_491 = arith.mulf %get3A_490, %get3A_490 : vector<16xf32>
      %add3A_492 = arith.addf %add3A_428, %mul3A_491 : vector<16xf32>
      %add3A_493 = arith.constant 4 : i32
      %add3A_494 = arith.addi %mul3A_205, %add3A_493 : i32
      %get3A_495 = arith.index_cast %add3A_494 : i32 to index
      %get3A_496 = arith.constant 64 : index
      %get3A_497 = tpu.vector_load %arg8[%get3A_495, %get3A_496] {strides = array<i32>} : memref<128x128xf32, #tpu.memory_space<vmem>>, vector<1x16xf32>,
      %get3A_498 = vector.shape_cast %get3A_497 : vector<1x16xf32> to vector<16xf32>
      %mul3A_499 = arith.mulf %get3A_498, %get3A_498 : vector<16xf32>
      %add3A_500 = arith.addf %add3A_436, %mul3A_499 : vector<16xf32>
      %add3A_501 = arith.constant 4 : i32
      %add3A_502 = arith.addi %mul3A_205, %add3A_501 : i32
      %get3A_503 = arith.index_cast %add3A_502 : i32 to index
      %get3A_504 = arith.constant 80 : index
      %get3A_505 = tpu.vector_load %arg8[%get3A_503, %get3A_504] {strides = array<i32>} : memref<128x128xf32, #tpu.memory_space<vmem>>, vector<1x16xf32>,
      %get3A_506 = vector.shape_cast %get3A_505 : vector<1x16xf32> to vector<16xf32>
      %mul3A_507 = arith.mulf %get3A_506, %get3A_506 : vector<16xf32>
      %add3A_508 = arith.addf %add3A_444, %mul3A_507 : vector<16xf32>
      %add3A_509 = arith.constant 4 : i32
      %add3A_510 = arith.addi %mul3A_205, %add3A_509 : i32
      %get3A_511 = arith.index_cast %add3A_510 : i32 to index
      %get3A_512 = arith.constant 96 : index
      %get3A_513 = tpu.vector_load %arg8[%get3A_511, %get3A_512] {strides = array<i32>} : memref<128x128xf32, #tpu.memory_space<vmem>>, vector<1x16xf32>,
      %get3A_514 = vector.shape_cast %get3A_513 : vector<1x16xf32> to vector<16xf32>
      %mul3A_515 = arith.mulf %get3A_514, %get3A_514 : vector<16xf32>
      %add3A_516 = arith.addf %add3A_452, %mul3A_515 : vector<16xf32>
      %add3A_517 = arith.constant 4 : i32
      %add3A_518 = arith.addi %mul3A_205, %add3A_517 : i32
      %get3A_519 = arith.index_cast %add3A_518 : i32 to index
      %get3A_520 = arith.constant 112 : index
      %get3A_521 = tpu.vector_load %arg8[%get3A_519, %get3A_520] {strides = array<i32>} : memref<128x128xf32, #tpu.memory_space<vmem>>, vector<1x16xf32>,
      %get3A_522 = vector.shape_cast %get3A_521 : vector<1x16xf32> to vector<16xf32>
      %mul3A_523 = arith.mulf %get3A_522, %get3A_522 : vector<16xf32>
      %add3A_524 = arith.addf %add3A_460, %mul3A_523 : vector<16xf32>
      %add3A_525 = arith.constant 5 : i32
      %add3A_526 = arith.addi %mul3A_205, %add3A_525 : i32
      %get3A_527 = arith.index_cast %add3A_526 : i32 to index
      %get3A_528 = arith.constant 0 : index
      %get3A_529 = tpu.vector_load %arg8[%get3A_527, %get3A_528] {strides = array<i32>} : memref<128x128xf32, #tpu.memory_space<vmem>>, vector<1x16xf32>,
      %get3A_530 = vector.shape_cast %get3A_529 : vector<1x16xf32> to vector<16xf32>
      %mul3A_531 = arith.mulf %get3A_530, %get3A_530 : vector<16xf32>
      %add3A_532 = arith.addf %add3A_468, %mul3A_531 : vector<16xf32>
      %add3A_533 = arith.constant 5 : i32
      %add3A_534 = arith.addi %mul3A_205, %add3A_533 : i32
      %get3A_535 = arith.index_cast %add3A_534 : i32 to index
      %get3A_536 = arith.constant 16 : index
      %get3A_537 = tpu.vector_load %arg8[%get3A_535, %get3A_536] {strides = array<i32>} : memref<128x128xf32, #tpu.memory_space<vmem>>, vector<1x16xf32>,
      %get3A_538 = vector.shape_cast %get3A_537 : vector<1x16xf32> to vector<16xf32>
      %mul3A_539 = arith.mulf %get3A_538, %get3A_538 : vector<16xf32>
      %add3A_540 = arith.addf %add3A_476, %mul3A_539 : vector<16xf32>
      %add3A_541 = arith.constant 5 : i32
      %add3A_542 = arith.addi %mul3A_205, %add3A_541 : i32
      %get3A_543 = arith.index_cast %add3A_542 : i32 to index
      %get3A_544 = arith.constant 32 : index
      %get3A_545 = tpu.vector_load %arg8[%get3A_543, %get3A_544] {strides = array<i32>} : memref<128x128xf32, #tpu.memory_space<vmem>>, vector<1x16xf32>,
      %get3A_546 = vector.shape_cast %get3A_545 : vector<1x16xf32> to vector<16xf32>
      %mul3A_547 = arith.mulf %get3A_546, %get3A_546 : vector<16xf32>
      %add3A_548 = arith.addf %add3A_484, %mul3A_547 : vector<16xf32>
      %add3A_549 = arith.constant 5 : i32
      %add3A_550 = arith.addi %mul3A_205, %add3A_549 : i32
      %get3A_551 = arith.index_cast %add3A_550 : i32 to index
      %get3A_552 = arith.constant 48 : index
      %get3A_553 = tpu.vector_load %arg8[%get3A_551, %get3A_552] {strides = array<i32>} : memref<128x128xf32, #tpu.memory_space<vmem>>, vector<1x16xf32>,
      %get3A_554 = vector.shape_cast %get3A_553 : vector<1x16xf32> to vector<16xf32>
      %mul3A_555 = arith.mulf %get3A_554, %get3A_554 : vector<16xf32>
      %add3A_556 = arith.addf %add3A_492, %mul3A_555 : vector<16xf32>
      %add3A_557 = arith.constant 5 : i32
      %add3A_558 = arith.addi %mul3A_205, %add3A_557 : i32
      %get3A_559 = arith.index_cast %add3A_558 : i32 to index
      %get3A_560 = arith.constant 64 : index
      %get3A_561 = tpu.vector_load %arg8[%get3A_559, %get3A_560] {strides = array<i32>} : memref<128x128xf32, #tpu.memory_space<vmem>>, vector<1x16xf32>,
      %get3A_562 = vector.shape_cast %get3A_561 : vector<1x16xf32> to vector<16xf32>
      %mul3A_563 = arith.mulf %get3A_562, %get3A_562 : vector<16xf32>
      %add3A_564 = arith.addf %add3A_500, %mul3A_563 : vector<16xf32>
      %add3A_565 = arith.constant 5 : i32
      %add3A_566 = arith.addi %mul3A_205, %add3A_565 : i32
      %get3A_567 = arith.index_cast %add3A_566 : i32 to index
      %get3A_568 = arith.constant 80 : index
      %get3A_569 = tpu.vector_load %arg8[%get3A_567, %get3A_568] {strides = array<i32>} : memref<128x128xf32, #tpu.memory_space<vmem>>, vector<1x16xf32>,
      %get3A_570 = vector.shape_cast %get3A_569 : vector<1x16xf32> to vector<16xf32>
      %mul3A_571 = arith.mulf %get3A_570, %get3A_570 : vector<16xf32>
      %add3A_572 = arith.addf %add3A_508, %mul3A_571 : vector<16xf32>
      %add3A_573 = arith.constant 5 : i32
      %add3A_574 = arith.addi %mul3A_205, %add3A_573 : i32
      %get3A_575 = arith.index_cast %add3A_574 : i32 to index
      %get3A_576 = arith.constant 96 : index
      %get3A_577 = tpu.vector_load %arg8[%get3A_575, %get3A_576] {strides = array<i32>} : memref<128x128xf32, #tpu.memory_space<vmem>>, vector<1x16xf32>,
      %get3A_578 = vector.shape_cast %get3A_577 : vector<1x16xf32> to vector<16xf32>
      %mul3A_579 = arith.mulf %get3A_578, %get3A_578 : vector<16xf32>
      %add3A_580 = arith.addf %add3A_516, %mul3A_579 : vector<16xf32>
      %add3A_581 = arith.constant 5 : i32
      %add3A_582 = arith.addi %mul3A_205, %add3A_581 : i32
      %get3A_583 = arith.index_cast %add3A_582 : i32 to index
      %get3A_584 = arith.constant 112 : index
      %get3A_585 = tpu.vector_load %arg8[%get3A_583, %get3A_584] {strides = array<i32>} : memref<128x128xf32, #tpu.memory_space<vmem>>, vector<1x16xf32>,
      %get3A_586 = vector.shape_cast %get3A_585 : vector<1x16xf32> to vector<16xf32>
      %mul3A_587 = arith.mulf %get3A_586, %get3A_586 : vector<16xf32>
      %add3A_588 = arith.addf %add3A_524, %mul3A_587 : vector<16xf32>
      %add3A_589 = arith.constant 6 : i32
      %add3A_590 = arith.addi %mul3A_205, %add3A_589 : i32
      %get3A_591 = arith.index_cast %add3A_590 : i32 to index
      %get3A_592 = arith.constant 0 : index
      %get3A_593 = tpu.vector_load %arg8[%get3A_591, %get3A_592] {strides = array<i32>} : memref<128x128xf32, #tpu.memory_space<vmem>>, vector<1x16xf32>,
      %get3A_594 = vector.shape_cast %get3A_593 : vector<1x16xf32> to vector<16xf32>
      %mul3A_595 = arith.mulf %get3A_594, %get3A_594 : vector<16xf32>
      %add3A_596 = arith.addf %add3A_532, %mul3A_595 : vector<16xf32>
      %add3A_597 = arith.constant 6 : i32
      %add3A_598 = arith.addi %mul3A_205, %add3A_597 : i32
      %get3A_599 = arith.index_cast %add3A_598 : i32 to index
      %get3A_600 = arith.constant 16 : index
      %get3A_601 = tpu.vector_load %arg8[%get3A_599, %get3A_600] {strides = array<i32>} : memref<128x128xf32, #tpu.memory_space<vmem>>, vector<1x16xf32>,
      %get3A_602 = vector.shape_cast %get3A_601 : vector<1x16xf32> to vector<16xf32>
      %mul3A_603 = arith.mulf %get3A_602, %get3A_602 : vector<16xf32>
      %add3A_604 = arith.addf %add3A_540, %mul3A_603 : vector<16xf32>
      %add3A_605 = arith.constant 6 : i32
      %add3A_606 = arith.addi %mul3A_205, %add3A_605 : i32
      %get3A_607 = arith.index_cast %add3A_606 : i32 to index
      %get3A_608 = arith.constant 32 : index
      %get3A_609 = tpu.vector_load %arg8[%get3A_607, %get3A_608] {strides = array<i32>} : memref<128x128xf32, #tpu.memory_space<vmem>>, vector<1x16xf32>,
      %get3A_610 = vector.shape_cast %get3A_609 : vector<1x16xf32> to vector<16xf32>
      %mul3A_611 = arith.mulf %get3A_610, %get3A_610 : vector<16xf32>
      %add3A_612 = arith.addf %add3A_548, %mul3A_611 : vector<16xf32>
      %add3A_613 = arith.constant 6 : i32
      %add3A_614 = arith.addi %mul3A_205, %add3A_613 : i32
      %get3A_615 = arith.index_cast %add3A_614 : i32 to index
      %get3A_616 = arith.constant 48 : index
      %get3A_617 = tpu.vector_load %arg8[%get3A_615, %get3A_616] {strides = array<i32>} : memref<128x128xf32, #tpu.memory_space<vmem>>, vector<1x16xf32>,
      %get3A_618 = vector.shape_cast %get3A_617 : vector<1x16xf32> to vector<16xf32>
      %mul3A_619 = arith.mulf %get3A_618, %get3A_618 : vector<16xf32>
      %add3A_620 = arith.addf %add3A_556, %mul3A_619 : vector<16xf32>
      %add3A_621 = arith.constant 6 : i32
      %add3A_622 = arith.addi %mul3A_205, %add3A_621 : i32
      %get3A_623 = arith.index_cast %add3A_622 : i32 to index
      %get3A_624 = arith.constant 64 : index
      %get3A_625 = tpu.vector_load %arg8[%get3A_623, %get3A_624] {strides = array<i32>} : memref<128x128xf32, #tpu.memory_space<vmem>>, vector<1x16xf32>,
      %get3A_626 = vector.shape_cast %get3A_625 : vector<1x16xf32> to vector<16xf32>
      %mul3A_627 = arith.mulf %get3A_626, %get3A_626 : vector<16xf32>
      %add3A_628 = arith.addf %add3A_564, %mul3A_627 : vector<16xf32>
      %add3A_629 = arith.constant 6 : i32
      %add3A_630 = arith.addi %mul3A_205, %add3A_629 : i32
      %get3A_631 = arith.index_cast %add3A_630 : i32 to index
      %get3A_632 = arith.constant 80 : index
      %get3A_633 = tpu.vector_load %arg8[%get3A_631, %get3A_632] {strides = array<i32>} : memref<128x128xf32, #tpu.memory_space<vmem>>, vector<1x16xf32>,
      %get3A_634 = vector.shape_cast %get3A_633 : vector<1x16xf32> to vector<16xf32>
      %mul3A_635 = arith.mulf %get3A_634, %get3A_634 : vector<16xf32>
      %add3A_636 = arith.addf %add3A_572, %mul3A_635 : vector<16xf32>
      %add3A_637 = arith.constant 6 : i32
      %add3A_638 = arith.addi %mul3A_205, %add3A_637 : i32
      %get3A_639 = arith.index_cast %add3A_638 : i32 to index
      %get3A_640 = arith.constant 96 : index
      %get3A_641 = tpu.vector_load %arg8[%get3A_639, %get3A_640] {strides = array<i32>} : memref<128x128xf32, #tpu.memory_space<vmem>>, vector<1x16xf32>,
      %get3A_642 = vector.shape_cast %get3A_641 : vector<1x16xf32> to vector<16xf32>
      %mul3A_643 = arith.mulf %get3A_642, %get3A_642 : vector<16xf32>
      %add3A_644 = arith.addf %add3A_580, %mul3A_643 : vector<16xf32>
      %add3A_645 = arith.constant 6 : i32
      %add3A_646 = arith.addi %mul3A_205, %add3A_645 : i32
      %get3A_647 = arith.index_cast %add3A_646 : i32 to index
      %get3A_648 = arith.constant 112 : index
      %get3A_649 = tpu.vector_load %arg8[%get3A_647, %get3A_648] {strides = array<i32>} : memref<128x128xf32, #tpu.memory_space<vmem>>, vector<1x16xf32>,
      %get3A_650 = vector.shape_cast %get3A_649 : vector<1x16xf32> to vector<16xf32>
      %mul3A_651 = arith.mulf %get3A_650, %get3A_650 : vector<16xf32>
      %add3A_652 = arith.addf %add3A_588, %mul3A_651 : vector<16xf32>
      %add3A_653 = arith.constant 7 : i32
      %add3A_654 = arith.addi %mul3A_205, %add3A_653 : i32
      %get3A_655 = arith.index_cast %add3A_654 : i32 to index
      %get3A_656 = arith.constant 0 : index
      %get3A_657 = tpu.vector_load %arg8[%get3A_655, %get3A_656] {strides = array<i32>} : memref<128x128xf32, #tpu.memory_space<vmem>>, vector<1x16xf32>,
      %get3A_658 = vector.shape_cast %get3A_657 : vector<1x16xf32> to vector<16xf32>
      %mul3A_659 = arith.mulf %get3A_658, %get3A_658 : vector<16xf32>
      %add3A_660 = arith.addf %add3A_596, %mul3A_659 : vector<16xf32>
      %add3A_661 = arith.constant 7 : i32
      %add3A_662 = arith.addi %mul3A_205, %add3A_661 : i32
      %get3A_663 = arith.index_cast %add3A_662 : i32 to index
      %get3A_664 = arith.constant 16 : index
      %get3A_665 = tpu.vector_load %arg8[%get3A_663, %get3A_664] {strides = array<i32>} : memref<128x128xf32, #tpu.memory_space<vmem>>, vector<1x16xf32>,
      %get3A_666 = vector.shape_cast %get3A_665 : vector<1x16xf32> to vector<16xf32>
      %mul3A_667 = arith.mulf %get3A_666, %get3A_666 : vector<16xf32>
      %add3A_668 = arith.addf %add3A_604, %mul3A_667 : vector<16xf32>
      %add3A_669 = arith.constant 7 : i32
      %add3A_670 = arith.addi %mul3A_205, %add3A_669 : i32
      %get3A_671 = arith.index_cast %add3A_670 : i32 to index
      %get3A_672 = arith.constant 32 : index
      %get3A_673 = tpu.vector_load %arg8[%get3A_671, %get3A_672] {strides = array<i32>} : memref<128x128xf32, #tpu.memory_space<vmem>>, vector<1x16xf32>,
      %get3A_674 = vector.shape_cast %get3A_673 : vector<1x16xf32> to vector<16xf32>
      %mul3A_675 = arith.mulf %get3A_674, %get3A_674 : vector<16xf32>
      %add3A_676 = arith.addf %add3A_612, %mul3A_675 : vector<16xf32>
      %add3A_677 = arith.constant 7 : i32
      %add3A_678 = arith.addi %mul3A_205, %add3A_677 : i32
      %get3A_679 = arith.index_cast %add3A_678 : i32 to index
      %get3A_680 = arith.constant 48 : index
      %get3A_681 = tpu.vector_load %arg8[%get3A_679, %get3A_680] {strides = array<i32>} : memref<128x128xf32, #tpu.memory_space<vmem>>, vector<1x16xf32>,
      %get3A_682 = vector.shape_cast %get3A_681 : vector<1x16xf32> to vector<16xf32>
      %mul3A_683 = arith.mulf %get3A_682, %get3A_682 : vector<16xf32>
      %add3A_684 = arith.addf %add3A_620, %mul3A_683 : vector<16xf32>
      %add3A_685 = arith.constant 7 : i32
      %add3A_686 = arith.addi %mul3A_205, %add3A_685 : i32
      %get3A_687 = arith.index_cast %add3A_686 : i32 to index
      %get3A_688 = arith.constant 64 : index
      %get3A_689 = tpu.vector_load %arg8[%get3A_687, %get3A_688] {strides = array<i32>} : memref<128x128xf32, #tpu.memory_space<vmem>>, vector<1x16xf32>,
      %get3A_690 = vector.shape_cast %get3A_689 : vector<1x16xf32> to vector<16xf32>
      %mul3A_691 = arith.mulf %get3A_690, %get3A_690 : vector<16xf32>
      %add3A_692 = arith.addf %add3A_628, %mul3A_691 : vector<16xf32>
      %add3A_693 = arith.constant 7 : i32
      %add3A_694 = arith.addi %mul3A_205, %add3A_693 : i32
      %get3A_695 = arith.index_cast %add3A_694 : i32 to index
      %get3A_696 = arith.constant 80 : index
      %get3A_697 = tpu.vector_load %arg8[%get3A_695, %get3A_696] {strides = array<i32>} : memref<128x128xf32, #tpu.memory_space<vmem>>, vector<1x16xf32>,
      %get3A_698 = vector.shape_cast %get3A_697 : vector<1x16xf32> to vector<16xf32>
      %mul3A_699 = arith.mulf %get3A_698, %get3A_698 : vector<16xf32>
      %add3A_700 = arith.addf %add3A_636, %mul3A_699 : vector<16xf32>
      %add3A_701 = arith.constant 7 : i32
      %add3A_702 = arith.addi %mul3A_205, %add3A_701 : i32
      %get3A_703 = arith.index_cast %add3A_702 : i32 to index
      %get3A_704 = arith.constant 96 : index
      %get3A_705 = tpu.vector_load %arg8[%get3A_703, %get3A_704] {strides = array<i32>} : memref<128x128xf32, #tpu.memory_space<vmem>>, vector<1x16xf32>,
      %get3A_706 = vector.shape_cast %get3A_705 : vector<1x16xf32> to vector<16xf32>
      %mul3A_707 = arith.mulf %get3A_706, %get3A_706 : vector<16xf32>
      %add3A_708 = arith.addf %add3A_644, %mul3A_707 : vector<16xf32>
      %add3A_709 = arith.constant 7 : i32
      %add3A_710 = arith.addi %mul3A_205, %add3A_709 : i32
      %get3A_711 = arith.index_cast %add3A_710 : i32 to index
      %get3A_712 = arith.constant 112 : index
      %get3A_713 = tpu.vector_load %arg8[%get3A_711, %get3A_712] {strides = array<i32>} : memref<128x128xf32, #tpu.memory_space<vmem>>, vector<1x16xf32>,
      %get3A_714 = vector.shape_cast %get3A_713 : vector<1x16xf32> to vector<16xf32>
      %mul3A_715 = arith.mulf %get3A_714, %get3A_714 : vector<16xf32>
      %add3A_716 = arith.addf %add3A_652, %mul3A_715 : vector<16xf32>
      scf.yield %add3A_660, %add3A_668, %add3A_676, %add3A_684, %add3A_692, %add3A_700, %add3A_708, %add3A_716 : vector<16xf32>, vector<16xf32>, vector<16xf32>, vector<16xf32>, vector<16xf32>, vector<16xf32>, vector<16xf32>, vector<16xf32>
    }
    %scan3A_143 = arith.constant 16 : i32
    %dma_wait3A_144 = arith.constant 0 : i32
    %dma_wait3A_145 = arith.constant 0 : i32
    %dma_wait3A_146 = tpu.memref_slice %arg2[%add3A_107, %dma_wait3A_144, %dma_wait3A_145] : memref<128x128x128xf32, #tpu.memory_space<hbm>> -> memref<1x128x128xf32, #tpu.memory_space<hbm>>
    %dma_wait3A_147 = tpu.memref_squeeze %dma_wait3A_146 : memref<1x128x128xf32, #tpu.memory_space<hbm>> -> memref<128x128xf32, #tpu.memory_space<hbm>>
    %dma_wait3A_148 = arith.constant 0 : i32
    %dma_wait3A_149 = arith.constant 0 : i32
    %dma_wait3A_150 = tpu.memref_slice %arg2[%add3A_107, %dma_wait3A_148, %dma_wait3A_149] : memref<128x128x128xf32, #tpu.memory_space<hbm>> -> memref<1x128x128xf32, #tpu.memory_space<hbm>>
    %dma_wait3A_151 = tpu.memref_squeeze %dma_wait3A_150 : memref<1x128x128xf32, #tpu.memory_space<hbm>> -> memref<128x128xf32, #tpu.memory_space<hbm>>
    tpu.wait_dma2 semaphore(%arg12 : memref<!tpu.dma_semaphore, #tpu.memory_space<semaphore_mem>>) src(%dma_wait3A_151 : memref<128x128xf32, #tpu.memory_space<hbm>>) dst(%arg7 : memref<128x128xf32, #tpu.memory_space<vmem>>)
    %dma_start3A_152 = arith.constant 3 : i32
    %dma_start3A_153 = arith.constant 0 : i32
    %dma_start3A_154 = tpu.memref_slice %arg6[%dma_start3A_152, %dma_start3A_153] : memref<4x128xi32, #tpu.memory_space<vmem>> -> memref<1x128xi32, #tpu.memory_space<vmem>>
    %dma_start3A_155 = tpu.memref_squeeze %dma_start3A_154 : memref<1x128xi32, #tpu.memory_space<vmem>> -> memref<128xi32, #tpu.memory_space<vmem>>
    %dma_start3A_156 = arith.constant 0 : i32
    %dma_start3A_157 = arith.constant 0 : i32
    %dma_start3A_158 = tpu.memref_slice %arg11[%dma_start3A_156, %dma_start3A_157] : memref<1024x128xf32, #tpu.memory_space<vmem_shared>> -> memref<1024x128xf32, #tpu.memory_space<vmem_shared>>
    tpu.enqueue_indirect_dma source(%dma_start3A_158 : memref<1024x128xf32, #tpu.memory_space<vmem_shared>>) target(%arg7 : memref<128x128xf32, #tpu.memory_space<vmem>>) offsets(%dma_start3A_155 : memref<128xi32, #tpu.memory_space<vmem>>) semaphore(%arg15 : memref<!tpu.dma_semaphore, #tpu.memory_space<semaphore_mem>>) {add = true}
    %dma_wait3A_159 = arith.constant 2 : i32
    %dma_wait3A_160 = arith.constant 0 : i32
    %dma_wait3A_161 = tpu.memref_slice %arg6[%dma_wait3A_159, %dma_wait3A_160] : memref<4x128xi32, #tpu.memory_space<vmem>> -> memref<1x128xi32, #tpu.memory_space<vmem>>
    %dma_wait3A_162 = tpu.memref_squeeze %dma_wait3A_161 : memref<1x128xi32, #tpu.memory_space<vmem>> -> memref<128xi32, #tpu.memory_space<vmem>>
    %dma_wait3A_163 = arith.constant 0 : i32
    %dma_wait3A_164 = arith.constant 0 : i32
    %dma_wait3A_165 = tpu.memref_slice %arg11[%dma_wait3A_163, %dma_wait3A_164] : memref<1024x128xf32, #tpu.memory_space<vmem_shared>> -> memref<1024x128xf32, #tpu.memory_space<vmem_shared>>
    tpu.wait_indirect_dma semaphore(%arg17 : memref<!tpu.dma_semaphore, #tpu.memory_space<semaphore_mem>>) src(%dma_wait3A_165 : memref<1024x128xf32, #tpu.memory_space<vmem_shared>>) dst(%arg9 : memref<128x128xf32, #tpu.memory_space<vmem>>)
    %scan3A_166 = arith.constant 0 : i32
    %scan3A_167 = arith.constant 16 : i32
    %scan3A_168 = arith.addi %scan3A_166, %scan3A_167 : i32
    %scan3A_169 = arith.constant 1 : i32
    %scan3A_170:8 = scf.for %scan3A_195 = %scan3A_166 to %scan3A_168 step %scan3A_169 iter_args(%scan3A_196 = %scan3A_142#0, %scan3A_197 = %scan3A_142#1, %scan3A_198 = %scan3A_142#2, %scan3A_199 = %scan3A_142#3, %scan3A_200 = %scan3A_142#4, %scan3A_201 = %scan3A_142#5, %scan3A_202 = %scan3A_142#6, %scan3A_203 = %scan3A_142#7) -> (vector<16xf32>, vector<16xf32>, vector<16xf32>, vector<16xf32>, vector<16xf32>, vector<16xf32>, vector<16xf32>, vector<16xf32>)  : i32 {
      %mul3A_204 = arith.constant 8 : i32
      %mul3A_205 = arith.muli %scan3A_195, %mul3A_204 : i32
      %add3A_206 = arith.constant 0 : i32
      %add3A_207 = arith.addi %mul3A_205, %add3A_206 : i32
      %get3A = arith.index_cast %add3A_207 : i32 to index
      %get3A_208 = arith.constant 0 : index
      %get3A_209 = tpu.vector_load %arg9[%get3A, %get3A_208] {strides = array<i32>} : memref<128x128xf32, #tpu.memory_space<vmem>>, vector<1x16xf32>,
      %get3A_210 = vector.shape_cast %get3A_209 : vector<1x16xf32> to vector<16xf32>
      %mul3A_211 = arith.mulf %get3A_210, %get3A_210 : vector<16xf32>
      %add3A_212 = arith.addf %scan3A_196, %mul3A_211 : vector<16xf32>
      %add3A_213 = arith.constant 0 : i32
      %add3A_214 = arith.addi %mul3A_205, %add3A_213 : i32
      %get3A_215 = arith.index_cast %add3A_214 : i32 to index
      %get3A_216 = arith.constant 16 : index
      %get3A_217 = tpu.vector_load %arg9[%get3A_215, %get3A_216] {strides = array<i32>} : memref<128x128xf32, #tpu.memory_space<vmem>>, vector<1x16xf32>,
      %get3A_218 = vector.shape_cast %get3A_217 : vector<1x16xf32> to vector<16xf32>
      %mul3A_219 = arith.mulf %get3A_218, %get3A_218 : vector<16xf32>
      %add3A_220 = arith.addf %scan3A_197, %mul3A_219 : vector<16xf32>
      %add3A_221 = arith.constant 0 : i32
      %add3A_222 = arith.addi %mul3A_205, %add3A_221 : i32
      %get3A_223 = arith.index_cast %add3A_222 : i32 to index
      %get3A_224 = arith.constant 32 : index
      %get3A_225 = tpu.vector_load %arg9[%get3A_223, %get3A_224] {strides = array<i32>} : memref<128x128xf32, #tpu.memory_space<vmem>>, vector<1x16xf32>,
      %get3A_226 = vector.shape_cast %get3A_225 : vector<1x16xf32> to vector<16xf32>
      %mul3A_227 = arith.mulf %get3A_226, %get3A_226 : vector<16xf32>
      %add3A_228 = arith.addf %scan3A_198, %mul3A_227 : vector<16xf32>
      %add3A_229 = arith.constant 0 : i32
      %add3A_230 = arith.addi %mul3A_205, %add3A_229 : i32
      %get3A_231 = arith.index_cast %add3A_230 : i32 to index
      %get3A_232 = arith.constant 48 : index
      %get3A_233 = tpu.vector_load %arg9[%get3A_231, %get3A_232] {strides = array<i32>} : memref<128x128xf32, #tpu.memory_space<vmem>>, vector<1x16xf32>,
      %get3A_234 = vector.shape_cast %get3A_233 : vector<1x16xf32> to vector<16xf32>
      %mul3A_235 = arith.mulf %get3A_234, %get3A_234 : vector<16xf32>
      %add3A_236 = arith.addf %scan3A_199, %mul3A_235 : vector<16xf32>
      %add3A_237 = arith.constant 0 : i32
      %add3A_238 = arith.addi %mul3A_205, %add3A_237 : i32
      %get3A_239 = arith.index_cast %add3A_238 : i32 to index
      %get3A_240 = arith.constant 64 : index
      %get3A_241 = tpu.vector_load %arg9[%get3A_239, %get3A_240] {strides = array<i32>} : memref<128x128xf32, #tpu.memory_space<vmem>>, vector<1x16xf32>,
      %get3A_242 = vector.shape_cast %get3A_241 : vector<1x16xf32> to vector<16xf32>
      %mul3A_243 = arith.mulf %get3A_242, %get3A_242 : vector<16xf32>
      %add3A_244 = arith.addf %scan3A_200, %mul3A_243 : vector<16xf32>
      %add3A_245 = arith.constant 0 : i32
      %add3A_246 = arith.addi %mul3A_205, %add3A_245 : i32
      %get3A_247 = arith.index_cast %add3A_246 : i32 to index
      %get3A_248 = arith.constant 80 : index
      %get3A_249 = tpu.vector_load %arg9[%get3A_247, %get3A_248] {strides = array<i32>} : memref<128x128xf32, #tpu.memory_space<vmem>>, vector<1x16xf32>,
      %get3A_250 = vector.shape_cast %get3A_249 : vector<1x16xf32> to vector<16xf32>
      %mul3A_251 = arith.mulf %get3A_250, %get3A_250 : vector<16xf32>
      %add3A_252 = arith.addf %scan3A_201, %mul3A_251 : vector<16xf32>
      %add3A_253 = arith.constant 0 : i32
      %add3A_254 = arith.addi %mul3A_205, %add3A_253 : i32
      %get3A_255 = arith.index_cast %add3A_254 : i32 to index
      %get3A_256 = arith.constant 96 : index
      %get3A_257 = tpu.vector_load %arg9[%get3A_255, %get3A_256] {strides = array<i32>} : memref<128x128xf32, #tpu.memory_space<vmem>>, vector<1x16xf32>,
      %get3A_258 = vector.shape_cast %get3A_257 : vector<1x16xf32> to vector<16xf32>
      %mul3A_259 = arith.mulf %get3A_258, %get3A_258 : vector<16xf32>
      %add3A_260 = arith.addf %scan3A_202, %mul3A_259 : vector<16xf32>
      %add3A_261 = arith.constant 0 : i32
      %add3A_262 = arith.addi %mul3A_205, %add3A_261 : i32
      %get3A_263 = arith.index_cast %add3A_262 : i32 to index
      %get3A_264 = arith.constant 112 : index
      %get3A_265 = tpu.vector_load %arg9[%get3A_263, %get3A_264] {strides = array<i32>} : memref<128x128xf32, #tpu.memory_space<vmem>>, vector<1x16xf32>,
      %get3A_266 = vector.shape_cast %get3A_265 : vector<1x16xf32> to vector<16xf32>
      %mul3A_267 = arith.mulf %get3A_266, %get3A_266 : vector<16xf32>
      %add3A_268 = arith.addf %scan3A_203, %mul3A_267 : vector<16xf32>
      %add3A_269 = arith.constant 1 : i32
      %add3A_270 = arith.addi %mul3A_205, %add3A_269 : i32
      %get3A_271 = arith.index_cast %add3A_270 : i32 to index
      %get3A_272 = arith.constant 0 : index
      %get3A_273 = tpu.vector_load %arg9[%get3A_271, %get3A_272] {strides = array<i32>} : memref<128x128xf32, #tpu.memory_space<vmem>>, vector<1x16xf32>,
      %get3A_274 = vector.shape_cast %get3A_273 : vector<1x16xf32> to vector<16xf32>
      %mul3A_275 = arith.mulf %get3A_274, %get3A_274 : vector<16xf32>
      %add3A_276 = arith.addf %add3A_212, %mul3A_275 : vector<16xf32>
      %add3A_277 = arith.constant 1 : i32
      %add3A_278 = arith.addi %mul3A_205, %add3A_277 : i32
      %get3A_279 = arith.index_cast %add3A_278 : i32 to index
      %get3A_280 = arith.constant 16 : index
      %get3A_281 = tpu.vector_load %arg9[%get3A_279, %get3A_280] {strides = array<i32>} : memref<128x128xf32, #tpu.memory_space<vmem>>, vector<1x16xf32>,
      %get3A_282 = vector.shape_cast %get3A_281 : vector<1x16xf32> to vector<16xf32>
      %mul3A_283 = arith.mulf %get3A_282, %get3A_282 : vector<16xf32>
      %add3A_284 = arith.addf %add3A_220, %mul3A_283 : vector<16xf32>
      %add3A_285 = arith.constant 1 : i32
      %add3A_286 = arith.addi %mul3A_205, %add3A_285 : i32
      %get3A_287 = arith.index_cast %add3A_286 : i32 to index
      %get3A_288 = arith.constant 32 : index
      %get3A_289 = tpu.vector_load %arg9[%get3A_287, %get3A_288] {strides = array<i32>} : memref<128x128xf32, #tpu.memory_space<vmem>>, vector<1x16xf32>,
      %get3A_290 = vector.shape_cast %get3A_289 : vector<1x16xf32> to vector<16xf32>
      %mul3A_291 = arith.mulf %get3A_290, %get3A_290 : vector<16xf32>
      %add3A_292 = arith.addf %add3A_228, %mul3A_291 : vector<16xf32>
      %add3A_293 = arith.constant 1 : i32
      %add3A_294 = arith.addi %mul3A_205, %add3A_293 : i32
      %get3A_295 = arith.index_cast %add3A_294 : i32 to index
      %get3A_296 = arith.constant 48 : index
      %get3A_297 = tpu.vector_load %arg9[%get3A_295, %get3A_296] {strides = array<i32>} : memref<128x128xf32, #tpu.memory_space<vmem>>, vector<1x16xf32>,
      %get3A_298 = vector.shape_cast %get3A_297 : vector<1x16xf32> to vector<16xf32>
      %mul3A_299 = arith.mulf %get3A_298, %get3A_298 : vector<16xf32>
      %add3A_300 = arith.addf %add3A_236, %mul3A_299 : vector<16xf32>
      %add3A_301 = arith.constant 1 : i32
      %add3A_302 = arith.addi %mul3A_205, %add3A_301 : i32
      %get3A_303 = arith.index_cast %add3A_302 : i32 to index
      %get3A_304 = arith.constant 64 : index
      %get3A_305 = tpu.vector_load %arg9[%get3A_303, %get3A_304] {strides = array<i32>} : memref<128x128xf32, #tpu.memory_space<vmem>>, vector<1x16xf32>,
      %get3A_306 = vector.shape_cast %get3A_305 : vector<1x16xf32> to vector<16xf32>
      %mul3A_307 = arith.mulf %get3A_306, %get3A_306 : vector<16xf32>
      %add3A_308 = arith.addf %add3A_244, %mul3A_307 : vector<16xf32>
      %add3A_309 = arith.constant 1 : i32
      %add3A_310 = arith.addi %mul3A_205, %add3A_309 : i32
      %get3A_311 = arith.index_cast %add3A_310 : i32 to index
      %get3A_312 = arith.constant 80 : index
      %get3A_313 = tpu.vector_load %arg9[%get3A_311, %get3A_312] {strides = array<i32>} : memref<128x128xf32, #tpu.memory_space<vmem>>, vector<1x16xf32>,
      %get3A_314 = vector.shape_cast %get3A_313 : vector<1x16xf32> to vector<16xf32>
      %mul3A_315 = arith.mulf %get3A_314, %get3A_314 : vector<16xf32>
      %add3A_316 = arith.addf %add3A_252, %mul3A_315 : vector<16xf32>
      %add3A_317 = arith.constant 1 : i32
      %add3A_318 = arith.addi %mul3A_205, %add3A_317 : i32
      %get3A_319 = arith.index_cast %add3A_318 : i32 to index
      %get3A_320 = arith.constant 96 : index
      %get3A_321 = tpu.vector_load %arg9[%get3A_319, %get3A_320] {strides = array<i32>} : memref<128x128xf32, #tpu.memory_space<vmem>>, vector<1x16xf32>,
      %get3A_322 = vector.shape_cast %get3A_321 : vector<1x16xf32> to vector<16xf32>
      %mul3A_323 = arith.mulf %get3A_322, %get3A_322 : vector<16xf32>
      %add3A_324 = arith.addf %add3A_260, %mul3A_323 : vector<16xf32>
      %add3A_325 = arith.constant 1 : i32
      %add3A_326 = arith.addi %mul3A_205, %add3A_325 : i32
      %get3A_327 = arith.index_cast %add3A_326 : i32 to index
      %get3A_328 = arith.constant 112 : index
      %get3A_329 = tpu.vector_load %arg9[%get3A_327, %get3A_328] {strides = array<i32>} : memref<128x128xf32, #tpu.memory_space<vmem>>, vector<1x16xf32>,
      %get3A_330 = vector.shape_cast %get3A_329 : vector<1x16xf32> to vector<16xf32>
      %mul3A_331 = arith.mulf %get3A_330, %get3A_330 : vector<16xf32>
      %add3A_332 = arith.addf %add3A_268, %mul3A_331 : vector<16xf32>
      %add3A_333 = arith.constant 2 : i32
      %add3A_334 = arith.addi %mul3A_205, %add3A_333 : i32
      %get3A_335 = arith.index_cast %add3A_334 : i32 to index
      %get3A_336 = arith.constant 0 : index
      %get3A_337 = tpu.vector_load %arg9[%get3A_335, %get3A_336] {strides = array<i32>} : memref<128x128xf32, #tpu.memory_space<vmem>>, vector<1x16xf32>,
      %get3A_338 = vector.shape_cast %get3A_337 : vector<1x16xf32> to vector<16xf32>
      %mul3A_339 = arith.mulf %get3A_338, %get3A_338 : vector<16xf32>
      %add3A_340 = arith.addf %add3A_276, %mul3A_339 : vector<16xf32>
      %add3A_341 = arith.constant 2 : i32
      %add3A_342 = arith.addi %mul3A_205, %add3A_341 : i32
      %get3A_343 = arith.index_cast %add3A_342 : i32 to index
      %get3A_344 = arith.constant 16 : index
      %get3A_345 = tpu.vector_load %arg9[%get3A_343, %get3A_344] {strides = array<i32>} : memref<128x128xf32, #tpu.memory_space<vmem>>, vector<1x16xf32>,
      %get3A_346 = vector.shape_cast %get3A_345 : vector<1x16xf32> to vector<16xf32>
      %mul3A_347 = arith.mulf %get3A_346, %get3A_346 : vector<16xf32>
      %add3A_348 = arith.addf %add3A_284, %mul3A_347 : vector<16xf32>
      %add3A_349 = arith.constant 2 : i32
      %add3A_350 = arith.addi %mul3A_205, %add3A_349 : i32
      %get3A_351 = arith.index_cast %add3A_350 : i32 to index
      %get3A_352 = arith.constant 32 : index
      %get3A_353 = tpu.vector_load %arg9[%get3A_351, %get3A_352] {strides = array<i32>} : memref<128x128xf32, #tpu.memory_space<vmem>>, vector<1x16xf32>,
      %get3A_354 = vector.shape_cast %get3A_353 : vector<1x16xf32> to vector<16xf32>
      %mul3A_355 = arith.mulf %get3A_354, %get3A_354 : vector<16xf32>
      %add3A_356 = arith.addf %add3A_292, %mul3A_355 : vector<16xf32>
      %add3A_357 = arith.constant 2 : i32
      %add3A_358 = arith.addi %mul3A_205, %add3A_357 : i32
      %get3A_359 = arith.index_cast %add3A_358 : i32 to index
      %get3A_360 = arith.constant 48 : index
      %get3A_361 = tpu.vector_load %arg9[%get3A_359, %get3A_360] {strides = array<i32>} : memref<128x128xf32, #tpu.memory_space<vmem>>, vector<1x16xf32>,
      %get3A_362 = vector.shape_cast %get3A_361 : vector<1x16xf32> to vector<16xf32>
      %mul3A_363 = arith.mulf %get3A_362, %get3A_362 : vector<16xf32>
      %add3A_364 = arith.addf %add3A_300, %mul3A_363 : vector<16xf32>
      %add3A_365 = arith.constant 2 : i32
      %add3A_366 = arith.addi %mul3A_205, %add3A_365 : i32
      %get3A_367 = arith.index_cast %add3A_366 : i32 to index
      %get3A_368 = arith.constant 64 : index
      %get3A_369 = tpu.vector_load %arg9[%get3A_367, %get3A_368] {strides = array<i32>} : memref<128x128xf32, #tpu.memory_space<vmem>>, vector<1x16xf32>,
      %get3A_370 = vector.shape_cast %get3A_369 : vector<1x16xf32> to vector<16xf32>
      %mul3A_371 = arith.mulf %get3A_370, %get3A_370 : vector<16xf32>
      %add3A_372 = arith.addf %add3A_308, %mul3A_371 : vector<16xf32>
      %add3A_373 = arith.constant 2 : i32
      %add3A_374 = arith.addi %mul3A_205, %add3A_373 : i32
      %get3A_375 = arith.index_cast %add3A_374 : i32 to index
      %get3A_376 = arith.constant 80 : index
      %get3A_377 = tpu.vector_load %arg9[%get3A_375, %get3A_376] {strides = array<i32>} : memref<128x128xf32, #tpu.memory_space<vmem>>, vector<1x16xf32>,
      %get3A_378 = vector.shape_cast %get3A_377 : vector<1x16xf32> to vector<16xf32>
      %mul3A_379 = arith.mulf %get3A_378, %get3A_378 : vector<16xf32>
      %add3A_380 = arith.addf %add3A_316, %mul3A_379 : vector<16xf32>
      %add3A_381 = arith.constant 2 : i32
      %add3A_382 = arith.addi %mul3A_205, %add3A_381 : i32
      %get3A_383 = arith.index_cast %add3A_382 : i32 to index
      %get3A_384 = arith.constant 96 : index
      %get3A_385 = tpu.vector_load %arg9[%get3A_383, %get3A_384] {strides = array<i32>} : memref<128x128xf32, #tpu.memory_space<vmem>>, vector<1x16xf32>,
      %get3A_386 = vector.shape_cast %get3A_385 : vector<1x16xf32> to vector<16xf32>
      %mul3A_387 = arith.mulf %get3A_386, %get3A_386 : vector<16xf32>
      %add3A_388 = arith.addf %add3A_324, %mul3A_387 : vector<16xf32>
      %add3A_389 = arith.constant 2 : i32
      %add3A_390 = arith.addi %mul3A_205, %add3A_389 : i32
      %get3A_391 = arith.index_cast %add3A_390 : i32 to index
      %get3A_392 = arith.constant 112 : index
      %get3A_393 = tpu.vector_load %arg9[%get3A_391, %get3A_392] {strides = array<i32>} : memref<128x128xf32, #tpu.memory_space<vmem>>, vector<1x16xf32>,
      %get3A_394 = vector.shape_cast %get3A_393 : vector<1x16xf32> to vector<16xf32>
      %mul3A_395 = arith.mulf %get3A_394, %get3A_394 : vector<16xf32>
      %add3A_396 = arith.addf %add3A_332, %mul3A_395 : vector<16xf32>
      %add3A_397 = arith.constant 3 : i32
      %add3A_398 = arith.addi %mul3A_205, %add3A_397 : i32
      %get3A_399 = arith.index_cast %add3A_398 : i32 to index
      %get3A_400 = arith.constant 0 : index
      %get3A_401 = tpu.vector_load %arg9[%get3A_399, %get3A_400] {strides = array<i32>} : memref<128x128xf32, #tpu.memory_space<vmem>>, vector<1x16xf32>,
      %get3A_402 = vector.shape_cast %get3A_401 : vector<1x16xf32> to vector<16xf32>
      %mul3A_403 = arith.mulf %get3A_402, %get3A_402 : vector<16xf32>
      %add3A_404 = arith.addf %add3A_340, %mul3A_403 : vector<16xf32>
      %add3A_405 = arith.constant 3 : i32
      %add3A_406 = arith.addi %mul3A_205, %add3A_405 : i32
      %get3A_407 = arith.index_cast %add3A_406 : i32 to index
      %get3A_408 = arith.constant 16 : index
      %get3A_409 = tpu.vector_load %arg9[%get3A_407, %get3A_408] {strides = array<i32>} : memref<128x128xf32, #tpu.memory_space<vmem>>, vector<1x16xf32>,
      %get3A_410 = vector.shape_cast %get3A_409 : vector<1x16xf32> to vector<16xf32>
      %mul3A_411 = arith.mulf %get3A_410, %get3A_410 : vector<16xf32>
      %add3A_412 = arith.addf %add3A_348, %mul3A_411 : vector<16xf32>
      %add3A_413 = arith.constant 3 : i32
      %add3A_414 = arith.addi %mul3A_205, %add3A_413 : i32
      %get3A_415 = arith.index_cast %add3A_414 : i32 to index
      %get3A_416 = arith.constant 32 : index
      %get3A_417 = tpu.vector_load %arg9[%get3A_415, %get3A_416] {strides = array<i32>} : memref<128x128xf32, #tpu.memory_space<vmem>>, vector<1x16xf32>,
      %get3A_418 = vector.shape_cast %get3A_417 : vector<1x16xf32> to vector<16xf32>
      %mul3A_419 = arith.mulf %get3A_418, %get3A_418 : vector<16xf32>
      %add3A_420 = arith.addf %add3A_356, %mul3A_419 : vector<16xf32>
      %add3A_421 = arith.constant 3 : i32
      %add3A_422 = arith.addi %mul3A_205, %add3A_421 : i32
      %get3A_423 = arith.index_cast %add3A_422 : i32 to index
      %get3A_424 = arith.constant 48 : index
      %get3A_425 = tpu.vector_load %arg9[%get3A_423, %get3A_424] {strides = array<i32>} : memref<128x128xf32, #tpu.memory_space<vmem>>, vector<1x16xf32>,
      %get3A_426 = vector.shape_cast %get3A_425 : vector<1x16xf32> to vector<16xf32>
      %mul3A_427 = arith.mulf %get3A_426, %get3A_426 : vector<16xf32>
      %add3A_428 = arith.addf %add3A_364, %mul3A_427 : vector<16xf32>
      %add3A_429 = arith.constant 3 : i32
      %add3A_430 = arith.addi %mul3A_205, %add3A_429 : i32
      %get3A_431 = arith.index_cast %add3A_430 : i32 to index
      %get3A_432 = arith.constant 64 : index
      %get3A_433 = tpu.vector_load %arg9[%get3A_431, %get3A_432] {strides = array<i32>} : memref<128x128xf32, #tpu.memory_space<vmem>>, vector<1x16xf32>,
      %get3A_434 = vector.shape_cast %get3A_433 : vector<1x16xf32> to vector<16xf32>
      %mul3A_435 = arith.mulf %get3A_434, %get3A_434 : vector<16xf32>
      %add3A_436 = arith.addf %add3A_372, %mul3A_435 : vector<16xf32>
      %add3A_437 = arith.constant 3 : i32
      %add3A_438 = arith.addi %mul3A_205, %add3A_437 : i32
      %get3A_439 = arith.index_cast %add3A_438 : i32 to index
      %get3A_440 = arith.constant 80 : index
      %get3A_441 = tpu.vector_load %arg9[%get3A_439, %get3A_440] {strides = array<i32>} : memref<128x128xf32, #tpu.memory_space<vmem>>, vector<1x16xf32>,
      %get3A_442 = vector.shape_cast %get3A_441 : vector<1x16xf32> to vector<16xf32>
      %mul3A_443 = arith.mulf %get3A_442, %get3A_442 : vector<16xf32>
      %add3A_444 = arith.addf %add3A_380, %mul3A_443 : vector<16xf32>
      %add3A_445 = arith.constant 3 : i32
      %add3A_446 = arith.addi %mul3A_205, %add3A_445 : i32
      %get3A_447 = arith.index_cast %add3A_446 : i32 to index
      %get3A_448 = arith.constant 96 : index
      %get3A_449 = tpu.vector_load %arg9[%get3A_447, %get3A_448] {strides = array<i32>} : memref<128x128xf32, #tpu.memory_space<vmem>>, vector<1x16xf32>,
      %get3A_450 = vector.shape_cast %get3A_449 : vector<1x16xf32> to vector<16xf32>
      %mul3A_451 = arith.mulf %get3A_450, %get3A_450 : vector<16xf32>
      %add3A_452 = arith.addf %add3A_388, %mul3A_451 : vector<16xf32>
      %add3A_453 = arith.constant 3 : i32
      %add3A_454 = arith.addi %mul3A_205, %add3A_453 : i32
      %get3A_455 = arith.index_cast %add3A_454 : i32 to index
      %get3A_456 = arith.constant 112 : index
      %get3A_457 = tpu.vector_load %arg9[%get3A_455, %get3A_456] {strides = array<i32>} : memref<128x128xf32, #tpu.memory_space<vmem>>, vector<1x16xf32>,
      %get3A_458 = vector.shape_cast %get3A_457 : vector<1x16xf32> to vector<16xf32>
      %mul3A_459 = arith.mulf %get3A_458, %get3A_458 : vector<16xf32>
      %add3A_460 = arith.addf %add3A_396, %mul3A_459 : vector<16xf32>
      %add3A_461 = arith.constant 4 : i32
      %add3A_462 = arith.addi %mul3A_205, %add3A_461 : i32
      %get3A_463 = arith.index_cast %add3A_462 : i32 to index
      %get3A_464 = arith.constant 0 : index
      %get3A_465 = tpu.vector_load %arg9[%get3A_463, %get3A_464] {strides = array<i32>} : memref<128x128xf32, #tpu.memory_space<vmem>>, vector<1x16xf32>,
      %get3A_466 = vector.shape_cast %get3A_465 : vector<1x16xf32> to vector<16xf32>
      %mul3A_467 = arith.mulf %get3A_466, %get3A_466 : vector<16xf32>
      %add3A_468 = arith.addf %add3A_404, %mul3A_467 : vector<16xf32>
      %add3A_469 = arith.constant 4 : i32
      %add3A_470 = arith.addi %mul3A_205, %add3A_469 : i32
      %get3A_471 = arith.index_cast %add3A_470 : i32 to index
      %get3A_472 = arith.constant 16 : index
      %get3A_473 = tpu.vector_load %arg9[%get3A_471, %get3A_472] {strides = array<i32>} : memref<128x128xf32, #tpu.memory_space<vmem>>, vector<1x16xf32>,
      %get3A_474 = vector.shape_cast %get3A_473 : vector<1x16xf32> to vector<16xf32>
      %mul3A_475 = arith.mulf %get3A_474, %get3A_474 : vector<16xf32>
      %add3A_476 = arith.addf %add3A_412, %mul3A_475 : vector<16xf32>
      %add3A_477 = arith.constant 4 : i32
      %add3A_478 = arith.addi %mul3A_205, %add3A_477 : i32
      %get3A_479 = arith.index_cast %add3A_478 : i32 to index
      %get3A_480 = arith.constant 32 : index
      %get3A_481 = tpu.vector_load %arg9[%get3A_479, %get3A_480] {strides = array<i32>} : memref<128x128xf32, #tpu.memory_space<vmem>>, vector<1x16xf32>,
      %get3A_482 = vector.shape_cast %get3A_481 : vector<1x16xf32> to vector<16xf32>
      %mul3A_483 = arith.mulf %get3A_482, %get3A_482 : vector<16xf32>
      %add3A_484 = arith.addf %add3A_420, %mul3A_483 : vector<16xf32>
      %add3A_485 = arith.constant 4 : i32
      %add3A_486 = arith.addi %mul3A_205, %add3A_485 : i32
      %get3A_487 = arith.index_cast %add3A_486 : i32 to index
      %get3A_488 = arith.constant 48 : index
      %get3A_489 = tpu.vector_load %arg9[%get3A_487, %get3A_488] {strides = array<i32>} : memref<128x128xf32, #tpu.memory_space<vmem>>, vector<1x16xf32>,
      %get3A_490 = vector.shape_cast %get3A_489 : vector<1x16xf32> to vector<16xf32>
      %mul3A_491 = arith.mulf %get3A_490, %get3A_490 : vector<16xf32>
      %add3A_492 = arith.addf %add3A_428, %mul3A_491 : vector<16xf32>
      %add3A_493 = arith.constant 4 : i32
      %add3A_494 = arith.addi %mul3A_205, %add3A_493 : i32
      %get3A_495 = arith.index_cast %add3A_494 : i32 to index
      %get3A_496 = arith.constant 64 : index
      %get3A_497 = tpu.vector_load %arg9[%get3A_495, %get3A_496] {strides = array<i32>} : memref<128x128xf32, #tpu.memory_space<vmem>>, vector<1x16xf32>,
      %get3A_498 = vector.shape_cast %get3A_497 : vector<1x16xf32> to vector<16xf32>
      %mul3A_499 = arith.mulf %get3A_498, %get3A_498 : vector<16xf32>
      %add3A_500 = arith.addf %add3A_436, %mul3A_499 : vector<16xf32>
      %add3A_501 = arith.constant 4 : i32
      %add3A_502 = arith.addi %mul3A_205, %add3A_501 : i32
      %get3A_503 = arith.index_cast %add3A_502 : i32 to index
      %get3A_504 = arith.constant 80 : index
      %get3A_505 = tpu.vector_load %arg9[%get3A_503, %get3A_504] {strides = array<i32>} : memref<128x128xf32, #tpu.memory_space<vmem>>, vector<1x16xf32>,
      %get3A_506 = vector.shape_cast %get3A_505 : vector<1x16xf32> to vector<16xf32>
      %mul3A_507 = arith.mulf %get3A_506, %get3A_506 : vector<16xf32>
      %add3A_508 = arith.addf %add3A_444, %mul3A_507 : vector<16xf32>
      %add3A_509 = arith.constant 4 : i32
      %add3A_510 = arith.addi %mul3A_205, %add3A_509 : i32
      %get3A_511 = arith.index_cast %add3A_510 : i32 to index
      %get3A_512 = arith.constant 96 : index
      %get3A_513 = tpu.vector_load %arg9[%get3A_511, %get3A_512] {strides = array<i32>} : memref<128x128xf32, #tpu.memory_space<vmem>>, vector<1x16xf32>,
      %get3A_514 = vector.shape_cast %get3A_513 : vector<1x16xf32> to vector<16xf32>
      %mul3A_515 = arith.mulf %get3A_514, %get3A_514 : vector<16xf32>
      %add3A_516 = arith.addf %add3A_452, %mul3A_515 : vector<16xf32>
      %add3A_517 = arith.constant 4 : i32
      %add3A_518 = arith.addi %mul3A_205, %add3A_517 : i32
      %get3A_519 = arith.index_cast %add3A_518 : i32 to index
      %get3A_520 = arith.constant 112 : index
      %get3A_521 = tpu.vector_load %arg9[%get3A_519, %get3A_520] {strides = array<i32>} : memref<128x128xf32, #tpu.memory_space<vmem>>, vector<1x16xf32>,
      %get3A_522 = vector.shape_cast %get3A_521 : vector<1x16xf32> to vector<16xf32>
      %mul3A_523 = arith.mulf %get3A_522, %get3A_522 : vector<16xf32>
      %add3A_524 = arith.addf %add3A_460, %mul3A_523 : vector<16xf32>
      %add3A_525 = arith.constant 5 : i32
      %add3A_526 = arith.addi %mul3A_205, %add3A_525 : i32
      %get3A_527 = arith.index_cast %add3A_526 : i32 to index
      %get3A_528 = arith.constant 0 : index
      %get3A_529 = tpu.vector_load %arg9[%get3A_527, %get3A_528] {strides = array<i32>} : memref<128x128xf32, #tpu.memory_space<vmem>>, vector<1x16xf32>,
      %get3A_530 = vector.shape_cast %get3A_529 : vector<1x16xf32> to vector<16xf32>
      %mul3A_531 = arith.mulf %get3A_530, %get3A_530 : vector<16xf32>
      %add3A_532 = arith.addf %add3A_468, %mul3A_531 : vector<16xf32>
      %add3A_533 = arith.constant 5 : i32
      %add3A_534 = arith.addi %mul3A_205, %add3A_533 : i32
      %get3A_535 = arith.index_cast %add3A_534 : i32 to index
      %get3A_536 = arith.constant 16 : index
      %get3A_537 = tpu.vector_load %arg9[%get3A_535, %get3A_536] {strides = array<i32>} : memref<128x128xf32, #tpu.memory_space<vmem>>, vector<1x16xf32>,
      %get3A_538 = vector.shape_cast %get3A_537 : vector<1x16xf32> to vector<16xf32>
      %mul3A_539 = arith.mulf %get3A_538, %get3A_538 : vector<16xf32>
      %add3A_540 = arith.addf %add3A_476, %mul3A_539 : vector<16xf32>
      %add3A_541 = arith.constant 5 : i32
      %add3A_542 = arith.addi %mul3A_205, %add3A_541 : i32
      %get3A_543 = arith.index_cast %add3A_542 : i32 to index
      %get3A_544 = arith.constant 32 : index
      %get3A_545 = tpu.vector_load %arg9[%get3A_543, %get3A_544] {strides = array<i32>} : memref<128x128xf32, #tpu.memory_space<vmem>>, vector<1x16xf32>,
      %get3A_546 = vector.shape_cast %get3A_545 : vector<1x16xf32> to vector<16xf32>
      %mul3A_547 = arith.mulf %get3A_546, %get3A_546 : vector<16xf32>
      %add3A_548 = arith.addf %add3A_484, %mul3A_547 : vector<16xf32>
      %add3A_549 = arith.constant 5 : i32
      %add3A_550 = arith.addi %mul3A_205, %add3A_549 : i32
      %get3A_551 = arith.index_cast %add3A_550 : i32 to index
      %get3A_552 = arith.constant 48 : index
      %get3A_553 = tpu.vector_load %arg9[%get3A_551, %get3A_552] {strides = array<i32>} : memref<128x128xf32, #tpu.memory_space<vmem>>, vector<1x16xf32>,
      %get3A_554 = vector.shape_cast %get3A_553 : vector<1x16xf32> to vector<16xf32>
      %mul3A_555 = arith.mulf %get3A_554, %get3A_554 : vector<16xf32>
      %add3A_556 = arith.addf %add3A_492, %mul3A_555 : vector<16xf32>
      %add3A_557 = arith.constant 5 : i32
      %add3A_558 = arith.addi %mul3A_205, %add3A_557 : i32
      %get3A_559 = arith.index_cast %add3A_558 : i32 to index
      %get3A_560 = arith.constant 64 : index
      %get3A_561 = tpu.vector_load %arg9[%get3A_559, %get3A_560] {strides = array<i32>} : memref<128x128xf32, #tpu.memory_space<vmem>>, vector<1x16xf32>,
      %get3A_562 = vector.shape_cast %get3A_561 : vector<1x16xf32> to vector<16xf32>
      %mul3A_563 = arith.mulf %get3A_562, %get3A_562 : vector<16xf32>
      %add3A_564 = arith.addf %add3A_500, %mul3A_563 : vector<16xf32>
      %add3A_565 = arith.constant 5 : i32
      %add3A_566 = arith.addi %mul3A_205, %add3A_565 : i32
      %get3A_567 = arith.index_cast %add3A_566 : i32 to index
      %get3A_568 = arith.constant 80 : index
      %get3A_569 = tpu.vector_load %arg9[%get3A_567, %get3A_568] {strides = array<i32>} : memref<128x128xf32, #tpu.memory_space<vmem>>, vector<1x16xf32>,
      %get3A_570 = vector.shape_cast %get3A_569 : vector<1x16xf32> to vector<16xf32>
      %mul3A_571 = arith.mulf %get3A_570, %get3A_570 : vector<16xf32>
      %add3A_572 = arith.addf %add3A_508, %mul3A_571 : vector<16xf32>
      %add3A_573 = arith.constant 5 : i32
      %add3A_574 = arith.addi %mul3A_205, %add3A_573 : i32
      %get3A_575 = arith.index_cast %add3A_574 : i32 to index
      %get3A_576 = arith.constant 96 : index
      %get3A_577 = tpu.vector_load %arg9[%get3A_575, %get3A_576] {strides = array<i32>} : memref<128x128xf32, #tpu.memory_space<vmem>>, vector<1x16xf32>,
      %get3A_578 = vector.shape_cast %get3A_577 : vector<1x16xf32> to vector<16xf32>
      %mul3A_579 = arith.mulf %get3A_578, %get3A_578 : vector<16xf32>
      %add3A_580 = arith.addf %add3A_516, %mul3A_579 : vector<16xf32>
      %add3A_581 = arith.constant 5 : i32
      %add3A_582 = arith.addi %mul3A_205, %add3A_581 : i32
      %get3A_583 = arith.index_cast %add3A_582 : i32 to index
      %get3A_584 = arith.constant 112 : index
      %get3A_585 = tpu.vector_load %arg9[%get3A_583, %get3A_584] {strides = array<i32>} : memref<128x128xf32, #tpu.memory_space<vmem>>, vector<1x16xf32>,
      %get3A_586 = vector.shape_cast %get3A_585 : vector<1x16xf32> to vector<16xf32>
      %mul3A_587 = arith.mulf %get3A_586, %get3A_586 : vector<16xf32>
      %add3A_588 = arith.addf %add3A_524, %mul3A_587 : vector<16xf32>
      %add3A_589 = arith.constant 6 : i32
      %add3A_590 = arith.addi %mul3A_205, %add3A_589 : i32
      %get3A_591 = arith.index_cast %add3A_590 : i32 to index
      %get3A_592 = arith.constant 0 : index
      %get3A_593 = tpu.vector_load %arg9[%get3A_591, %get3A_592] {strides = array<i32>} : memref<128x128xf32, #tpu.memory_space<vmem>>, vector<1x16xf32>,
      %get3A_594 = vector.shape_cast %get3A_593 : vector<1x16xf32> to vector<16xf32>
      %mul3A_595 = arith.mulf %get3A_594, %get3A_594 : vector<16xf32>
      %add3A_596 = arith.addf %add3A_532, %mul3A_595 : vector<16xf32>
      %add3A_597 = arith.constant 6 : i32
      %add3A_598 = arith.addi %mul3A_205, %add3A_597 : i32
      %get3A_599 = arith.index_cast %add3A_598 : i32 to index
      %get3A_600 = arith.constant 16 : index
      %get3A_601 = tpu.vector_load %arg9[%get3A_599, %get3A_600] {strides = array<i32>} : memref<128x128xf32, #tpu.memory_space<vmem>>, vector<1x16xf32>,
      %get3A_602 = vector.shape_cast %get3A_601 : vector<1x16xf32> to vector<16xf32>
      %mul3A_603 = arith.mulf %get3A_602, %get3A_602 : vector<16xf32>
      %add3A_604 = arith.addf %add3A_540, %mul3A_603 : vector<16xf32>
      %add3A_605 = arith.constant 6 : i32
      %add3A_606 = arith.addi %mul3A_205, %add3A_605 : i32
      %get3A_607 = arith.index_cast %add3A_606 : i32 to index
      %get3A_608 = arith.constant 32 : index
      %get3A_609 = tpu.vector_load %arg9[%get3A_607, %get3A_608] {strides = array<i32>} : memref<128x128xf32, #tpu.memory_space<vmem>>, vector<1x16xf32>,
      %get3A_610 = vector.shape_cast %get3A_609 : vector<1x16xf32> to vector<16xf32>
      %mul3A_611 = arith.mulf %get3A_610, %get3A_610 : vector<16xf32>
      %add3A_612 = arith.addf %add3A_548, %mul3A_611 : vector<16xf32>
      %add3A_613 = arith.constant 6 : i32
      %add3A_614 = arith.addi %mul3A_205, %add3A_613 : i32
      %get3A_615 = arith.index_cast %add3A_614 : i32 to index
      %get3A_616 = arith.constant 48 : index
      %get3A_617 = tpu.vector_load %arg9[%get3A_615, %get3A_616] {strides = array<i32>} : memref<128x128xf32, #tpu.memory_space<vmem>>, vector<1x16xf32>,
      %get3A_618 = vector.shape_cast %get3A_617 : vector<1x16xf32> to vector<16xf32>
      %mul3A_619 = arith.mulf %get3A_618, %get3A_618 : vector<16xf32>
      %add3A_620 = arith.addf %add3A_556, %mul3A_619 : vector<16xf32>
      %add3A_621 = arith.constant 6 : i32
      %add3A_622 = arith.addi %mul3A_205, %add3A_621 : i32
      %get3A_623 = arith.index_cast %add3A_622 : i32 to index
      %get3A_624 = arith.constant 64 : index
      %get3A_625 = tpu.vector_load %arg9[%get3A_623, %get3A_624] {strides = array<i32>} : memref<128x128xf32, #tpu.memory_space<vmem>>, vector<1x16xf32>,
      %get3A_626 = vector.shape_cast %get3A_625 : vector<1x16xf32> to vector<16xf32>
      %mul3A_627 = arith.mulf %get3A_626, %get3A_626 : vector<16xf32>
      %add3A_628 = arith.addf %add3A_564, %mul3A_627 : vector<16xf32>
      %add3A_629 = arith.constant 6 : i32
      %add3A_630 = arith.addi %mul3A_205, %add3A_629 : i32
      %get3A_631 = arith.index_cast %add3A_630 : i32 to index
      %get3A_632 = arith.constant 80 : index
      %get3A_633 = tpu.vector_load %arg9[%get3A_631, %get3A_632] {strides = array<i32>} : memref<128x128xf32, #tpu.memory_space<vmem>>, vector<1x16xf32>,
      %get3A_634 = vector.shape_cast %get3A_633 : vector<1x16xf32> to vector<16xf32>
      %mul3A_635 = arith.mulf %get3A_634, %get3A_634 : vector<16xf32>
      %add3A_636 = arith.addf %add3A_572, %mul3A_635 : vector<16xf32>
      %add3A_637 = arith.constant 6 : i32
      %add3A_638 = arith.addi %mul3A_205, %add3A_637 : i32
      %get3A_639 = arith.index_cast %add3A_638 : i32 to index
      %get3A_640 = arith.constant 96 : index
      %get3A_641 = tpu.vector_load %arg9[%get3A_639, %get3A_640] {strides = array<i32>} : memref<128x128xf32, #tpu.memory_space<vmem>>, vector<1x16xf32>,
      %get3A_642 = vector.shape_cast %get3A_641 : vector<1x16xf32> to vector<16xf32>
      %mul3A_643 = arith.mulf %get3A_642, %get3A_642 : vector<16xf32>
      %add3A_644 = arith.addf %add3A_580, %mul3A_643 : vector<16xf32>
      %add3A_645 = arith.constant 6 : i32
      %add3A_646 = arith.addi %mul3A_205, %add3A_645 : i32
      %get3A_647 = arith.index_cast %add3A_646 : i32 to index
      %get3A_648 = arith.constant 112 : index
      %get3A_649 = tpu.vector_load %arg9[%get3A_647, %get3A_648] {strides = array<i32>} : memref<128x128xf32, #tpu.memory_space<vmem>>, vector<1x16xf32>,
      %get3A_650 = vector.shape_cast %get3A_649 : vector<1x16xf32> to vector<16xf32>
      %mul3A_651 = arith.mulf %get3A_650, %get3A_650 : vector<16xf32>
      %add3A_652 = arith.addf %add3A_588, %mul3A_651 : vector<16xf32>
      %add3A_653 = arith.constant 7 : i32
      %add3A_654 = arith.addi %mul3A_205, %add3A_653 : i32
      %get3A_655 = arith.index_cast %add3A_654 : i32 to index
      %get3A_656 = arith.constant 0 : index
      %get3A_657 = tpu.vector_load %arg9[%get3A_655, %get3A_656] {strides = array<i32>} : memref<128x128xf32, #tpu.memory_space<vmem>>, vector<1x16xf32>,
      %get3A_658 = vector.shape_cast %get3A_657 : vector<1x16xf32> to vector<16xf32>
      %mul3A_659 = arith.mulf %get3A_658, %get3A_658 : vector<16xf32>
      %add3A_660 = arith.addf %add3A_596, %mul3A_659 : vector<16xf32>
      %add3A_661 = arith.constant 7 : i32
      %add3A_662 = arith.addi %mul3A_205, %add3A_661 : i32
      %get3A_663 = arith.index_cast %add3A_662 : i32 to index
      %get3A_664 = arith.constant 16 : index
      %get3A_665 = tpu.vector_load %arg9[%get3A_663, %get3A_664] {strides = array<i32>} : memref<128x128xf32, #tpu.memory_space<vmem>>, vector<1x16xf32>,
      %get3A_666 = vector.shape_cast %get3A_665 : vector<1x16xf32> to vector<16xf32>
      %mul3A_667 = arith.mulf %get3A_666, %get3A_666 : vector<16xf32>
      %add3A_668 = arith.addf %add3A_604, %mul3A_667 : vector<16xf32>
      %add3A_669 = arith.constant 7 : i32
      %add3A_670 = arith.addi %mul3A_205, %add3A_669 : i32
      %get3A_671 = arith.index_cast %add3A_670 : i32 to index
      %get3A_672 = arith.constant 32 : index
      %get3A_673 = tpu.vector_load %arg9[%get3A_671, %get3A_672] {strides = array<i32>} : memref<128x128xf32, #tpu.memory_space<vmem>>, vector<1x16xf32>,
      %get3A_674 = vector.shape_cast %get3A_673 : vector<1x16xf32> to vector<16xf32>
      %mul3A_675 = arith.mulf %get3A_674, %get3A_674 : vector<16xf32>
      %add3A_676 = arith.addf %add3A_612, %mul3A_675 : vector<16xf32>
      %add3A_677 = arith.constant 7 : i32
      %add3A_678 = arith.addi %mul3A_205, %add3A_677 : i32
      %get3A_679 = arith.index_cast %add3A_678 : i32 to index
      %get3A_680 = arith.constant 48 : index
      %get3A_681 = tpu.vector_load %arg9[%get3A_679, %get3A_680] {strides = array<i32>} : memref<128x128xf32, #tpu.memory_space<vmem>>, vector<1x16xf32>,
      %get3A_682 = vector.shape_cast %get3A_681 : vector<1x16xf32> to vector<16xf32>
      %mul3A_683 = arith.mulf %get3A_682, %get3A_682 : vector<16xf32>
      %add3A_684 = arith.addf %add3A_620, %mul3A_683 : vector<16xf32>
      %add3A_685 = arith.constant 7 : i32
      %add3A_686 = arith.addi %mul3A_205, %add3A_685 : i32
      %get3A_687 = arith.index_cast %add3A_686 : i32 to index
      %get3A_688 = arith.constant 64 : index
      %get3A_689 = tpu.vector_load %arg9[%get3A_687, %get3A_688] {strides = array<i32>} : memref<128x128xf32, #tpu.memory_space<vmem>>, vector<1x16xf32>,
      %get3A_690 = vector.shape_cast %get3A_689 : vector<1x16xf32> to vector<16xf32>
      %mul3A_691 = arith.mulf %get3A_690, %get3A_690 : vector<16xf32>
      %add3A_692 = arith.addf %add3A_628, %mul3A_691 : vector<16xf32>
      %add3A_693 = arith.constant 7 : i32
      %add3A_694 = arith.addi %mul3A_205, %add3A_693 : i32
      %get3A_695 = arith.index_cast %add3A_694 : i32 to index
      %get3A_696 = arith.constant 80 : index
      %get3A_697 = tpu.vector_load %arg9[%get3A_695, %get3A_696] {strides = array<i32>} : memref<128x128xf32, #tpu.memory_space<vmem>>, vector<1x16xf32>,
      %get3A_698 = vector.shape_cast %get3A_697 : vector<1x16xf32> to vector<16xf32>
      %mul3A_699 = arith.mulf %get3A_698, %get3A_698 : vector<16xf32>
      %add3A_700 = arith.addf %add3A_636, %mul3A_699 : vector<16xf32>
      %add3A_701 = arith.constant 7 : i32
      %add3A_702 = arith.addi %mul3A_205, %add3A_701 : i32
      %get3A_703 = arith.index_cast %add3A_702 : i32 to index
      %get3A_704 = arith.constant 96 : index
      %get3A_705 = tpu.vector_load %arg9[%get3A_703, %get3A_704] {strides = array<i32>} : memref<128x128xf32, #tpu.memory_space<vmem>>, vector<1x16xf32>,
      %get3A_706 = vector.shape_cast %get3A_705 : vector<1x16xf32> to vector<16xf32>
      %mul3A_707 = arith.mulf %get3A_706, %get3A_706 : vector<16xf32>
      %add3A_708 = arith.addf %add3A_644, %mul3A_707 : vector<16xf32>
      %add3A_709 = arith.constant 7 : i32
      %add3A_710 = arith.addi %mul3A_205, %add3A_709 : i32
      %get3A_711 = arith.index_cast %add3A_710 : i32 to index
      %get3A_712 = arith.constant 112 : index
      %get3A_713 = tpu.vector_load %arg9[%get3A_711, %get3A_712] {strides = array<i32>} : memref<128x128xf32, #tpu.memory_space<vmem>>, vector<1x16xf32>,
      %get3A_714 = vector.shape_cast %get3A_713 : vector<1x16xf32> to vector<16xf32>
      %mul3A_715 = arith.mulf %get3A_714, %get3A_714 : vector<16xf32>
      %add3A_716 = arith.addf %add3A_652, %mul3A_715 : vector<16xf32>
      scf.yield %add3A_660, %add3A_668, %add3A_676, %add3A_684, %add3A_692, %add3A_700, %add3A_708, %add3A_716 : vector<16xf32>, vector<16xf32>, vector<16xf32>, vector<16xf32>, vector<16xf32>, vector<16xf32>, vector<16xf32>, vector<16xf32>
    }
    %scan3A_171 = arith.constant 16 : i32
    %dma_wait3A_172 = arith.constant 3 : i32
    %dma_wait3A_173 = arith.constant 0 : i32
    %dma_wait3A_174 = tpu.memref_slice %arg6[%dma_wait3A_172, %dma_wait3A_173] : memref<4x128xi32, #tpu.memory_space<vmem>> -> memref<1x128xi32, #tpu.memory_space<vmem>>
    %dma_wait3A_175 = tpu.memref_squeeze %dma_wait3A_174 : memref<1x128xi32, #tpu.memory_space<vmem>> -> memref<128xi32, #tpu.memory_space<vmem>>
    %dma_wait3A_176 = arith.constant 0 : i32
    %dma_wait3A_177 = arith.constant 0 : i32
    %dma_wait3A_178 = tpu.memref_slice %arg11[%dma_wait3A_176, %dma_wait3A_177] : memref<1024x128xf32, #tpu.memory_space<vmem_shared>> -> memref<1024x128xf32, #tpu.memory_space<vmem_shared>>
    tpu.wait_indirect_dma semaphore(%arg15 : memref<!tpu.dma_semaphore, #tpu.memory_space<semaphore_mem>>) src(%dma_wait3A_178 : memref<1024x128xf32, #tpu.memory_space<vmem_shared>>) dst(%arg7 : memref<128x128xf32, #tpu.memory_space<vmem>>)
    %scan3A_179 = arith.constant 0 : i32
    %scan3A_180 = arith.constant 16 : i32
    %scan3A_181 = arith.addi %scan3A_179, %scan3A_180 : i32
    %scan3A_182 = arith.constant 1 : i32
    %scan3A_183:8 = scf.for %scan3A_195 = %scan3A_179 to %scan3A_181 step %scan3A_182 iter_args(%scan3A_196 = %scan3A_170#0, %scan3A_197 = %scan3A_170#1, %scan3A_198 = %scan3A_170#2, %scan3A_199 = %scan3A_170#3, %scan3A_200 = %scan3A_170#4, %scan3A_201 = %scan3A_170#5, %scan3A_202 = %scan3A_170#6, %scan3A_203 = %scan3A_170#7) -> (vector<16xf32>, vector<16xf32>, vector<16xf32>, vector<16xf32>, vector<16xf32>, vector<16xf32>, vector<16xf32>, vector<16xf32>)  : i32 {
      %mul3A_204 = arith.constant 8 : i32
      %mul3A_205 = arith.muli %scan3A_195, %mul3A_204 : i32
      %add3A_206 = arith.constant 0 : i32
      %add3A_207 = arith.addi %mul3A_205, %add3A_206 : i32
      %get3A = arith.index_cast %add3A_207 : i32 to index
      %get3A_208 = arith.constant 0 : index
      %get3A_209 = tpu.vector_load %arg7[%get3A, %get3A_208] {strides = array<i32>} : memref<128x128xf32, #tpu.memory_space<vmem>>, vector<1x16xf32>,
      %get3A_210 = vector.shape_cast %get3A_209 : vector<1x16xf32> to vector<16xf32>
      %mul3A_211 = arith.mulf %get3A_210, %get3A_210 : vector<16xf32>
      %add3A_212 = arith.addf %scan3A_196, %mul3A_211 : vector<16xf32>
      %add3A_213 = arith.constant 0 : i32
      %add3A_214 = arith.addi %mul3A_205, %add3A_213 : i32
      %get3A_215 = arith.index_cast %add3A_214 : i32 to index
      %get3A_216 = arith.constant 16 : index
      %get3A_217 = tpu.vector_load %arg7[%get3A_215, %get3A_216] {strides = array<i32>} : memref<128x128xf32, #tpu.memory_space<vmem>>, vector<1x16xf32>,
      %get3A_218 = vector.shape_cast %get3A_217 : vector<1x16xf32> to vector<16xf32>
      %mul3A_219 = arith.mulf %get3A_218, %get3A_218 : vector<16xf32>
      %add3A_220 = arith.addf %scan3A_197, %mul3A_219 : vector<16xf32>
      %add3A_221 = arith.constant 0 : i32
      %add3A_222 = arith.addi %mul3A_205, %add3A_221 : i32
      %get3A_223 = arith.index_cast %add3A_222 : i32 to index
      %get3A_224 = arith.constant 32 : index
      %get3A_225 = tpu.vector_load %arg7[%get3A_223, %get3A_224] {strides = array<i32>} : memref<128x128xf32, #tpu.memory_space<vmem>>, vector<1x16xf32>,
      %get3A_226 = vector.shape_cast %get3A_225 : vector<1x16xf32> to vector<16xf32>
      %mul3A_227 = arith.mulf %get3A_226, %get3A_226 : vector<16xf32>
      %add3A_228 = arith.addf %scan3A_198, %mul3A_227 : vector<16xf32>
      %add3A_229 = arith.constant 0 : i32
      %add3A_230 = arith.addi %mul3A_205, %add3A_229 : i32
      %get3A_231 = arith.index_cast %add3A_230 : i32 to index
      %get3A_232 = arith.constant 48 : index
      %get3A_233 = tpu.vector_load %arg7[%get3A_231, %get3A_232] {strides = array<i32>} : memref<128x128xf32, #tpu.memory_space<vmem>>, vector<1x16xf32>,
      %get3A_234 = vector.shape_cast %get3A_233 : vector<1x16xf32> to vector<16xf32>
      %mul3A_235 = arith.mulf %get3A_234, %get3A_234 : vector<16xf32>
      %add3A_236 = arith.addf %scan3A_199, %mul3A_235 : vector<16xf32>
      %add3A_237 = arith.constant 0 : i32
      %add3A_238 = arith.addi %mul3A_205, %add3A_237 : i32
      %get3A_239 = arith.index_cast %add3A_238 : i32 to index
      %get3A_240 = arith.constant 64 : index
      %get3A_241 = tpu.vector_load %arg7[%get3A_239, %get3A_240] {strides = array<i32>} : memref<128x128xf32, #tpu.memory_space<vmem>>, vector<1x16xf32>,
      %get3A_242 = vector.shape_cast %get3A_241 : vector<1x16xf32> to vector<16xf32>
      %mul3A_243 = arith.mulf %get3A_242, %get3A_242 : vector<16xf32>
      %add3A_244 = arith.addf %scan3A_200, %mul3A_243 : vector<16xf32>
      %add3A_245 = arith.constant 0 : i32
      %add3A_246 = arith.addi %mul3A_205, %add3A_245 : i32
      %get3A_247 = arith.index_cast %add3A_246 : i32 to index
      %get3A_248 = arith.constant 80 : index
      %get3A_249 = tpu.vector_load %arg7[%get3A_247, %get3A_248] {strides = array<i32>} : memref<128x128xf32, #tpu.memory_space<vmem>>, vector<1x16xf32>,
      %get3A_250 = vector.shape_cast %get3A_249 : vector<1x16xf32> to vector<16xf32>
      %mul3A_251 = arith.mulf %get3A_250, %get3A_250 : vector<16xf32>
      %add3A_252 = arith.addf %scan3A_201, %mul3A_251 : vector<16xf32>
      %add3A_253 = arith.constant 0 : i32
      %add3A_254 = arith.addi %mul3A_205, %add3A_253 : i32
      %get3A_255 = arith.index_cast %add3A_254 : i32 to index
      %get3A_256 = arith.constant 96 : index
      %get3A_257 = tpu.vector_load %arg7[%get3A_255, %get3A_256] {strides = array<i32>} : memref<128x128xf32, #tpu.memory_space<vmem>>, vector<1x16xf32>,
      %get3A_258 = vector.shape_cast %get3A_257 : vector<1x16xf32> to vector<16xf32>
      %mul3A_259 = arith.mulf %get3A_258, %get3A_258 : vector<16xf32>
      %add3A_260 = arith.addf %scan3A_202, %mul3A_259 : vector<16xf32>
      %add3A_261 = arith.constant 0 : i32
      %add3A_262 = arith.addi %mul3A_205, %add3A_261 : i32
      %get3A_263 = arith.index_cast %add3A_262 : i32 to index
      %get3A_264 = arith.constant 112 : index
      %get3A_265 = tpu.vector_load %arg7[%get3A_263, %get3A_264] {strides = array<i32>} : memref<128x128xf32, #tpu.memory_space<vmem>>, vector<1x16xf32>,
      %get3A_266 = vector.shape_cast %get3A_265 : vector<1x16xf32> to vector<16xf32>
      %mul3A_267 = arith.mulf %get3A_266, %get3A_266 : vector<16xf32>
      %add3A_268 = arith.addf %scan3A_203, %mul3A_267 : vector<16xf32>
      %add3A_269 = arith.constant 1 : i32
      %add3A_270 = arith.addi %mul3A_205, %add3A_269 : i32
      %get3A_271 = arith.index_cast %add3A_270 : i32 to index
      %get3A_272 = arith.constant 0 : index
      %get3A_273 = tpu.vector_load %arg7[%get3A_271, %get3A_272] {strides = array<i32>} : memref<128x128xf32, #tpu.memory_space<vmem>>, vector<1x16xf32>,
      %get3A_274 = vector.shape_cast %get3A_273 : vector<1x16xf32> to vector<16xf32>
      %mul3A_275 = arith.mulf %get3A_274, %get3A_274 : vector<16xf32>
      %add3A_276 = arith.addf %add3A_212, %mul3A_275 : vector<16xf32>
      %add3A_277 = arith.constant 1 : i32
      %add3A_278 = arith.addi %mul3A_205, %add3A_277 : i32
      %get3A_279 = arith.index_cast %add3A_278 : i32 to index
      %get3A_280 = arith.constant 16 : index
      %get3A_281 = tpu.vector_load %arg7[%get3A_279, %get3A_280] {strides = array<i32>} : memref<128x128xf32, #tpu.memory_space<vmem>>, vector<1x16xf32>,
      %get3A_282 = vector.shape_cast %get3A_281 : vector<1x16xf32> to vector<16xf32>
      %mul3A_283 = arith.mulf %get3A_282, %get3A_282 : vector<16xf32>
      %add3A_284 = arith.addf %add3A_220, %mul3A_283 : vector<16xf32>
      %add3A_285 = arith.constant 1 : i32
      %add3A_286 = arith.addi %mul3A_205, %add3A_285 : i32
      %get3A_287 = arith.index_cast %add3A_286 : i32 to index
      %get3A_288 = arith.constant 32 : index
      %get3A_289 = tpu.vector_load %arg7[%get3A_287, %get3A_288] {strides = array<i32>} : memref<128x128xf32, #tpu.memory_space<vmem>>, vector<1x16xf32>,
      %get3A_290 = vector.shape_cast %get3A_289 : vector<1x16xf32> to vector<16xf32>
      %mul3A_291 = arith.mulf %get3A_290, %get3A_290 : vector<16xf32>
      %add3A_292 = arith.addf %add3A_228, %mul3A_291 : vector<16xf32>
      %add3A_293 = arith.constant 1 : i32
      %add3A_294 = arith.addi %mul3A_205, %add3A_293 : i32
      %get3A_295 = arith.index_cast %add3A_294 : i32 to index
      %get3A_296 = arith.constant 48 : index
      %get3A_297 = tpu.vector_load %arg7[%get3A_295, %get3A_296] {strides = array<i32>} : memref<128x128xf32, #tpu.memory_space<vmem>>, vector<1x16xf32>,
      %get3A_298 = vector.shape_cast %get3A_297 : vector<1x16xf32> to vector<16xf32>
      %mul3A_299 = arith.mulf %get3A_298, %get3A_298 : vector<16xf32>
      %add3A_300 = arith.addf %add3A_236, %mul3A_299 : vector<16xf32>
      %add3A_301 = arith.constant 1 : i32
      %add3A_302 = arith.addi %mul3A_205, %add3A_301 : i32
      %get3A_303 = arith.index_cast %add3A_302 : i32 to index
      %get3A_304 = arith.constant 64 : index
      %get3A_305 = tpu.vector_load %arg7[%get3A_303, %get3A_304] {strides = array<i32>} : memref<128x128xf32, #tpu.memory_space<vmem>>, vector<1x16xf32>,
      %get3A_306 = vector.shape_cast %get3A_305 : vector<1x16xf32> to vector<16xf32>
      %mul3A_307 = arith.mulf %get3A_306, %get3A_306 : vector<16xf32>
      %add3A_308 = arith.addf %add3A_244, %mul3A_307 : vector<16xf32>
      %add3A_309 = arith.constant 1 : i32
      %add3A_310 = arith.addi %mul3A_205, %add3A_309 : i32
      %get3A_311 = arith.index_cast %add3A_310 : i32 to index
      %get3A_312 = arith.constant 80 : index
      %get3A_313 = tpu.vector_load %arg7[%get3A_311, %get3A_312] {strides = array<i32>} : memref<128x128xf32, #tpu.memory_space<vmem>>, vector<1x16xf32>,
      %get3A_314 = vector.shape_cast %get3A_313 : vector<1x16xf32> to vector<16xf32>
      %mul3A_315 = arith.mulf %get3A_314, %get3A_314 : vector<16xf32>
      %add3A_316 = arith.addf %add3A_252, %mul3A_315 : vector<16xf32>
      %add3A_317 = arith.constant 1 : i32
      %add3A_318 = arith.addi %mul3A_205, %add3A_317 : i32
      %get3A_319 = arith.index_cast %add3A_318 : i32 to index
      %get3A_320 = arith.constant 96 : index
      %get3A_321 = tpu.vector_load %arg7[%get3A_319, %get3A_320] {strides = array<i32>} : memref<128x128xf32, #tpu.memory_space<vmem>>, vector<1x16xf32>,
      %get3A_322 = vector.shape_cast %get3A_321 : vector<1x16xf32> to vector<16xf32>
      %mul3A_323 = arith.mulf %get3A_322, %get3A_322 : vector<16xf32>
      %add3A_324 = arith.addf %add3A_260, %mul3A_323 : vector<16xf32>
      %add3A_325 = arith.constant 1 : i32
      %add3A_326 = arith.addi %mul3A_205, %add3A_325 : i32
      %get3A_327 = arith.index_cast %add3A_326 : i32 to index
      %get3A_328 = arith.constant 112 : index
      %get3A_329 = tpu.vector_load %arg7[%get3A_327, %get3A_328] {strides = array<i32>} : memref<128x128xf32, #tpu.memory_space<vmem>>, vector<1x16xf32>,
      %get3A_330 = vector.shape_cast %get3A_329 : vector<1x16xf32> to vector<16xf32>
      %mul3A_331 = arith.mulf %get3A_330, %get3A_330 : vector<16xf32>
      %add3A_332 = arith.addf %add3A_268, %mul3A_331 : vector<16xf32>
      %add3A_333 = arith.constant 2 : i32
      %add3A_334 = arith.addi %mul3A_205, %add3A_333 : i32
      %get3A_335 = arith.index_cast %add3A_334 : i32 to index
      %get3A_336 = arith.constant 0 : index
      %get3A_337 = tpu.vector_load %arg7[%get3A_335, %get3A_336] {strides = array<i32>} : memref<128x128xf32, #tpu.memory_space<vmem>>, vector<1x16xf32>,
      %get3A_338 = vector.shape_cast %get3A_337 : vector<1x16xf32> to vector<16xf32>
      %mul3A_339 = arith.mulf %get3A_338, %get3A_338 : vector<16xf32>
      %add3A_340 = arith.addf %add3A_276, %mul3A_339 : vector<16xf32>
      %add3A_341 = arith.constant 2 : i32
      %add3A_342 = arith.addi %mul3A_205, %add3A_341 : i32
      %get3A_343 = arith.index_cast %add3A_342 : i32 to index
      %get3A_344 = arith.constant 16 : index
      %get3A_345 = tpu.vector_load %arg7[%get3A_343, %get3A_344] {strides = array<i32>} : memref<128x128xf32, #tpu.memory_space<vmem>>, vector<1x16xf32>,
      %get3A_346 = vector.shape_cast %get3A_345 : vector<1x16xf32> to vector<16xf32>
      %mul3A_347 = arith.mulf %get3A_346, %get3A_346 : vector<16xf32>
      %add3A_348 = arith.addf %add3A_284, %mul3A_347 : vector<16xf32>
      %add3A_349 = arith.constant 2 : i32
      %add3A_350 = arith.addi %mul3A_205, %add3A_349 : i32
      %get3A_351 = arith.index_cast %add3A_350 : i32 to index
      %get3A_352 = arith.constant 32 : index
      %get3A_353 = tpu.vector_load %arg7[%get3A_351, %get3A_352] {strides = array<i32>} : memref<128x128xf32, #tpu.memory_space<vmem>>, vector<1x16xf32>,
      %get3A_354 = vector.shape_cast %get3A_353 : vector<1x16xf32> to vector<16xf32>
      %mul3A_355 = arith.mulf %get3A_354, %get3A_354 : vector<16xf32>
      %add3A_356 = arith.addf %add3A_292, %mul3A_355 : vector<16xf32>
      %add3A_357 = arith.constant 2 : i32
      %add3A_358 = arith.addi %mul3A_205, %add3A_357 : i32
      %get3A_359 = arith.index_cast %add3A_358 : i32 to index
      %get3A_360 = arith.constant 48 : index
      %get3A_361 = tpu.vector_load %arg7[%get3A_359, %get3A_360] {strides = array<i32>} : memref<128x128xf32, #tpu.memory_space<vmem>>, vector<1x16xf32>,
      %get3A_362 = vector.shape_cast %get3A_361 : vector<1x16xf32> to vector<16xf32>
      %mul3A_363 = arith.mulf %get3A_362, %get3A_362 : vector<16xf32>
      %add3A_364 = arith.addf %add3A_300, %mul3A_363 : vector<16xf32>
      %add3A_365 = arith.constant 2 : i32
      %add3A_366 = arith.addi %mul3A_205, %add3A_365 : i32
      %get3A_367 = arith.index_cast %add3A_366 : i32 to index
      %get3A_368 = arith.constant 64 : index
      %get3A_369 = tpu.vector_load %arg7[%get3A_367, %get3A_368] {strides = array<i32>} : memref<128x128xf32, #tpu.memory_space<vmem>>, vector<1x16xf32>,
      %get3A_370 = vector.shape_cast %get3A_369 : vector<1x16xf32> to vector<16xf32>
      %mul3A_371 = arith.mulf %get3A_370, %get3A_370 : vector<16xf32>
      %add3A_372 = arith.addf %add3A_308, %mul3A_371 : vector<16xf32>
      %add3A_373 = arith.constant 2 : i32
      %add3A_374 = arith.addi %mul3A_205, %add3A_373 : i32
      %get3A_375 = arith.index_cast %add3A_374 : i32 to index
      %get3A_376 = arith.constant 80 : index
      %get3A_377 = tpu.vector_load %arg7[%get3A_375, %get3A_376] {strides = array<i32>} : memref<128x128xf32, #tpu.memory_space<vmem>>, vector<1x16xf32>,
      %get3A_378 = vector.shape_cast %get3A_377 : vector<1x16xf32> to vector<16xf32>
      %mul3A_379 = arith.mulf %get3A_378, %get3A_378 : vector<16xf32>
      %add3A_380 = arith.addf %add3A_316, %mul3A_379 : vector<16xf32>
      %add3A_381 = arith.constant 2 : i32
      %add3A_382 = arith.addi %mul3A_205, %add3A_381 : i32
      %get3A_383 = arith.index_cast %add3A_382 : i32 to index
      %get3A_384 = arith.constant 96 : index
      %get3A_385 = tpu.vector_load %arg7[%get3A_383, %get3A_384] {strides = array<i32>} : memref<128x128xf32, #tpu.memory_space<vmem>>, vector<1x16xf32>,
      %get3A_386 = vector.shape_cast %get3A_385 : vector<1x16xf32> to vector<16xf32>
      %mul3A_387 = arith.mulf %get3A_386, %get3A_386 : vector<16xf32>
      %add3A_388 = arith.addf %add3A_324, %mul3A_387 : vector<16xf32>
      %add3A_389 = arith.constant 2 : i32
      %add3A_390 = arith.addi %mul3A_205, %add3A_389 : i32
      %get3A_391 = arith.index_cast %add3A_390 : i32 to index
      %get3A_392 = arith.constant 112 : index
      %get3A_393 = tpu.vector_load %arg7[%get3A_391, %get3A_392] {strides = array<i32>} : memref<128x128xf32, #tpu.memory_space<vmem>>, vector<1x16xf32>,
      %get3A_394 = vector.shape_cast %get3A_393 : vector<1x16xf32> to vector<16xf32>
      %mul3A_395 = arith.mulf %get3A_394, %get3A_394 : vector<16xf32>
      %add3A_396 = arith.addf %add3A_332, %mul3A_395 : vector<16xf32>
      %add3A_397 = arith.constant 3 : i32
      %add3A_398 = arith.addi %mul3A_205, %add3A_397 : i32
      %get3A_399 = arith.index_cast %add3A_398 : i32 to index
      %get3A_400 = arith.constant 0 : index
      %get3A_401 = tpu.vector_load %arg7[%get3A_399, %get3A_400] {strides = array<i32>} : memref<128x128xf32, #tpu.memory_space<vmem>>, vector<1x16xf32>,
      %get3A_402 = vector.shape_cast %get3A_401 : vector<1x16xf32> to vector<16xf32>
      %mul3A_403 = arith.mulf %get3A_402, %get3A_402 : vector<16xf32>
      %add3A_404 = arith.addf %add3A_340, %mul3A_403 : vector<16xf32>
      %add3A_405 = arith.constant 3 : i32
      %add3A_406 = arith.addi %mul3A_205, %add3A_405 : i32
      %get3A_407 = arith.index_cast %add3A_406 : i32 to index
      %get3A_408 = arith.constant 16 : index
      %get3A_409 = tpu.vector_load %arg7[%get3A_407, %get3A_408] {strides = array<i32>} : memref<128x128xf32, #tpu.memory_space<vmem>>, vector<1x16xf32>,
      %get3A_410 = vector.shape_cast %get3A_409 : vector<1x16xf32> to vector<16xf32>
      %mul3A_411 = arith.mulf %get3A_410, %get3A_410 : vector<16xf32>
      %add3A_412 = arith.addf %add3A_348, %mul3A_411 : vector<16xf32>
      %add3A_413 = arith.constant 3 : i32
      %add3A_414 = arith.addi %mul3A_205, %add3A_413 : i32
      %get3A_415 = arith.index_cast %add3A_414 : i32 to index
      %get3A_416 = arith.constant 32 : index
      %get3A_417 = tpu.vector_load %arg7[%get3A_415, %get3A_416] {strides = array<i32>} : memref<128x128xf32, #tpu.memory_space<vmem>>, vector<1x16xf32>,
      %get3A_418 = vector.shape_cast %get3A_417 : vector<1x16xf32> to vector<16xf32>
      %mul3A_419 = arith.mulf %get3A_418, %get3A_418 : vector<16xf32>
      %add3A_420 = arith.addf %add3A_356, %mul3A_419 : vector<16xf32>
      %add3A_421 = arith.constant 3 : i32
      %add3A_422 = arith.addi %mul3A_205, %add3A_421 : i32
      %get3A_423 = arith.index_cast %add3A_422 : i32 to index
      %get3A_424 = arith.constant 48 : index
      %get3A_425 = tpu.vector_load %arg7[%get3A_423, %get3A_424] {strides = array<i32>} : memref<128x128xf32, #tpu.memory_space<vmem>>, vector<1x16xf32>,
      %get3A_426 = vector.shape_cast %get3A_425 : vector<1x16xf32> to vector<16xf32>
      %mul3A_427 = arith.mulf %get3A_426, %get3A_426 : vector<16xf32>
      %add3A_428 = arith.addf %add3A_364, %mul3A_427 : vector<16xf32>
      %add3A_429 = arith.constant 3 : i32
      %add3A_430 = arith.addi %mul3A_205, %add3A_429 : i32
      %get3A_431 = arith.index_cast %add3A_430 : i32 to index
      %get3A_432 = arith.constant 64 : index
      %get3A_433 = tpu.vector_load %arg7[%get3A_431, %get3A_432] {strides = array<i32>} : memref<128x128xf32, #tpu.memory_space<vmem>>, vector<1x16xf32>,
      %get3A_434 = vector.shape_cast %get3A_433 : vector<1x16xf32> to vector<16xf32>
      %mul3A_435 = arith.mulf %get3A_434, %get3A_434 : vector<16xf32>
      %add3A_436 = arith.addf %add3A_372, %mul3A_435 : vector<16xf32>
      %add3A_437 = arith.constant 3 : i32
      %add3A_438 = arith.addi %mul3A_205, %add3A_437 : i32
      %get3A_439 = arith.index_cast %add3A_438 : i32 to index
      %get3A_440 = arith.constant 80 : index
      %get3A_441 = tpu.vector_load %arg7[%get3A_439, %get3A_440] {strides = array<i32>} : memref<128x128xf32, #tpu.memory_space<vmem>>, vector<1x16xf32>,
      %get3A_442 = vector.shape_cast %get3A_441 : vector<1x16xf32> to vector<16xf32>
      %mul3A_443 = arith.mulf %get3A_442, %get3A_442 : vector<16xf32>
      %add3A_444 = arith.addf %add3A_380, %mul3A_443 : vector<16xf32>
      %add3A_445 = arith.constant 3 : i32
      %add3A_446 = arith.addi %mul3A_205, %add3A_445 : i32
      %get3A_447 = arith.index_cast %add3A_446 : i32 to index
      %get3A_448 = arith.constant 96 : index
      %get3A_449 = tpu.vector_load %arg7[%get3A_447, %get3A_448] {strides = array<i32>} : memref<128x128xf32, #tpu.memory_space<vmem>>, vector<1x16xf32>,
      %get3A_450 = vector.shape_cast %get3A_449 : vector<1x16xf32> to vector<16xf32>
      %mul3A_451 = arith.mulf %get3A_450, %get3A_450 : vector<16xf32>
      %add3A_452 = arith.addf %add3A_388, %mul3A_451 : vector<16xf32>
      %add3A_453 = arith.constant 3 : i32
      %add3A_454 = arith.addi %mul3A_205, %add3A_453 : i32
      %get3A_455 = arith.index_cast %add3A_454 : i32 to index
      %get3A_456 = arith.constant 112 : index
      %get3A_457 = tpu.vector_load %arg7[%get3A_455, %get3A_456] {strides = array<i32>} : memref<128x128xf32, #tpu.memory_space<vmem>>, vector<1x16xf32>,
      %get3A_458 = vector.shape_cast %get3A_457 : vector<1x16xf32> to vector<16xf32>
      %mul3A_459 = arith.mulf %get3A_458, %get3A_458 : vector<16xf32>
      %add3A_460 = arith.addf %add3A_396, %mul3A_459 : vector<16xf32>
      %add3A_461 = arith.constant 4 : i32
      %add3A_462 = arith.addi %mul3A_205, %add3A_461 : i32
      %get3A_463 = arith.index_cast %add3A_462 : i32 to index
      %get3A_464 = arith.constant 0 : index
      %get3A_465 = tpu.vector_load %arg7[%get3A_463, %get3A_464] {strides = array<i32>} : memref<128x128xf32, #tpu.memory_space<vmem>>, vector<1x16xf32>,
      %get3A_466 = vector.shape_cast %get3A_465 : vector<1x16xf32> to vector<16xf32>
      %mul3A_467 = arith.mulf %get3A_466, %get3A_466 : vector<16xf32>
      %add3A_468 = arith.addf %add3A_404, %mul3A_467 : vector<16xf32>
      %add3A_469 = arith.constant 4 : i32
      %add3A_470 = arith.addi %mul3A_205, %add3A_469 : i32
      %get3A_471 = arith.index_cast %add3A_470 : i32 to index
      %get3A_472 = arith.constant 16 : index
      %get3A_473 = tpu.vector_load %arg7[%get3A_471, %get3A_472] {strides = array<i32>} : memref<128x128xf32, #tpu.memory_space<vmem>>, vector<1x16xf32>,
      %get3A_474 = vector.shape_cast %get3A_473 : vector<1x16xf32> to vector<16xf32>
      %mul3A_475 = arith.mulf %get3A_474, %get3A_474 : vector<16xf32>
      %add3A_476 = arith.addf %add3A_412, %mul3A_475 : vector<16xf32>
      %add3A_477 = arith.constant 4 : i32
      %add3A_478 = arith.addi %mul3A_205, %add3A_477 : i32
      %get3A_479 = arith.index_cast %add3A_478 : i32 to index
      %get3A_480 = arith.constant 32 : index
      %get3A_481 = tpu.vector_load %arg7[%get3A_479, %get3A_480] {strides = array<i32>} : memref<128x128xf32, #tpu.memory_space<vmem>>, vector<1x16xf32>,
      %get3A_482 = vector.shape_cast %get3A_481 : vector<1x16xf32> to vector<16xf32>
      %mul3A_483 = arith.mulf %get3A_482, %get3A_482 : vector<16xf32>
      %add3A_484 = arith.addf %add3A_420, %mul3A_483 : vector<16xf32>
      %add3A_485 = arith.constant 4 : i32
      %add3A_486 = arith.addi %mul3A_205, %add3A_485 : i32
      %get3A_487 = arith.index_cast %add3A_486 : i32 to index
      %get3A_488 = arith.constant 48 : index
      %get3A_489 = tpu.vector_load %arg7[%get3A_487, %get3A_488] {strides = array<i32>} : memref<128x128xf32, #tpu.memory_space<vmem>>, vector<1x16xf32>,
      %get3A_490 = vector.shape_cast %get3A_489 : vector<1x16xf32> to vector<16xf32>
      %mul3A_491 = arith.mulf %get3A_490, %get3A_490 : vector<16xf32>
      %add3A_492 = arith.addf %add3A_428, %mul3A_491 : vector<16xf32>
      %add3A_493 = arith.constant 4 : i32
      %add3A_494 = arith.addi %mul3A_205, %add3A_493 : i32
      %get3A_495 = arith.index_cast %add3A_494 : i32 to index
      %get3A_496 = arith.constant 64 : index
      %get3A_497 = tpu.vector_load %arg7[%get3A_495, %get3A_496] {strides = array<i32>} : memref<128x128xf32, #tpu.memory_space<vmem>>, vector<1x16xf32>,
      %get3A_498 = vector.shape_cast %get3A_497 : vector<1x16xf32> to vector<16xf32>
      %mul3A_499 = arith.mulf %get3A_498, %get3A_498 : vector<16xf32>
      %add3A_500 = arith.addf %add3A_436, %mul3A_499 : vector<16xf32>
      %add3A_501 = arith.constant 4 : i32
      %add3A_502 = arith.addi %mul3A_205, %add3A_501 : i32
      %get3A_503 = arith.index_cast %add3A_502 : i32 to index
      %get3A_504 = arith.constant 80 : index
      %get3A_505 = tpu.vector_load %arg7[%get3A_503, %get3A_504] {strides = array<i32>} : memref<128x128xf32, #tpu.memory_space<vmem>>, vector<1x16xf32>,
      %get3A_506 = vector.shape_cast %get3A_505 : vector<1x16xf32> to vector<16xf32>
      %mul3A_507 = arith.mulf %get3A_506, %get3A_506 : vector<16xf32>
      %add3A_508 = arith.addf %add3A_444, %mul3A_507 : vector<16xf32>
      %add3A_509 = arith.constant 4 : i32
      %add3A_510 = arith.addi %mul3A_205, %add3A_509 : i32
      %get3A_511 = arith.index_cast %add3A_510 : i32 to index
      %get3A_512 = arith.constant 96 : index
      %get3A_513 = tpu.vector_load %arg7[%get3A_511, %get3A_512] {strides = array<i32>} : memref<128x128xf32, #tpu.memory_space<vmem>>, vector<1x16xf32>,
      %get3A_514 = vector.shape_cast %get3A_513 : vector<1x16xf32> to vector<16xf32>
      %mul3A_515 = arith.mulf %get3A_514, %get3A_514 : vector<16xf32>
      %add3A_516 = arith.addf %add3A_452, %mul3A_515 : vector<16xf32>
      %add3A_517 = arith.constant 4 : i32
      %add3A_518 = arith.addi %mul3A_205, %add3A_517 : i32
      %get3A_519 = arith.index_cast %add3A_518 : i32 to index
      %get3A_520 = arith.constant 112 : index
      %get3A_521 = tpu.vector_load %arg7[%get3A_519, %get3A_520] {strides = array<i32>} : memref<128x128xf32, #tpu.memory_space<vmem>>, vector<1x16xf32>,
      %get3A_522 = vector.shape_cast %get3A_521 : vector<1x16xf32> to vector<16xf32>
      %mul3A_523 = arith.mulf %get3A_522, %get3A_522 : vector<16xf32>
      %add3A_524 = arith.addf %add3A_460, %mul3A_523 : vector<16xf32>
      %add3A_525 = arith.constant 5 : i32
      %add3A_526 = arith.addi %mul3A_205, %add3A_525 : i32
      %get3A_527 = arith.index_cast %add3A_526 : i32 to index
      %get3A_528 = arith.constant 0 : index
      %get3A_529 = tpu.vector_load %arg7[%get3A_527, %get3A_528] {strides = array<i32>} : memref<128x128xf32, #tpu.memory_space<vmem>>, vector<1x16xf32>,
      %get3A_530 = vector.shape_cast %get3A_529 : vector<1x16xf32> to vector<16xf32>
      %mul3A_531 = arith.mulf %get3A_530, %get3A_530 : vector<16xf32>
      %add3A_532 = arith.addf %add3A_468, %mul3A_531 : vector<16xf32>
      %add3A_533 = arith.constant 5 : i32
      %add3A_534 = arith.addi %mul3A_205, %add3A_533 : i32
      %get3A_535 = arith.index_cast %add3A_534 : i32 to index
      %get3A_536 = arith.constant 16 : index
      %get3A_537 = tpu.vector_load %arg7[%get3A_535, %get3A_536] {strides = array<i32>} : memref<128x128xf32, #tpu.memory_space<vmem>>, vector<1x16xf32>,
      %get3A_538 = vector.shape_cast %get3A_537 : vector<1x16xf32> to vector<16xf32>
      %mul3A_539 = arith.mulf %get3A_538, %get3A_538 : vector<16xf32>
      %add3A_540 = arith.addf %add3A_476, %mul3A_539 : vector<16xf32>
      %add3A_541 = arith.constant 5 : i32
      %add3A_542 = arith.addi %mul3A_205, %add3A_541 : i32
      %get3A_543 = arith.index_cast %add3A_542 : i32 to index
      %get3A_544 = arith.constant 32 : index
      %get3A_545 = tpu.vector_load %arg7[%get3A_543, %get3A_544] {strides = array<i32>} : memref<128x128xf32, #tpu.memory_space<vmem>>, vector<1x16xf32>,
      %get3A_546 = vector.shape_cast %get3A_545 : vector<1x16xf32> to vector<16xf32>
      %mul3A_547 = arith.mulf %get3A_546, %get3A_546 : vector<16xf32>
      %add3A_548 = arith.addf %add3A_484, %mul3A_547 : vector<16xf32>
      %add3A_549 = arith.constant 5 : i32
      %add3A_550 = arith.addi %mul3A_205, %add3A_549 : i32
      %get3A_551 = arith.index_cast %add3A_550 : i32 to index
      %get3A_552 = arith.constant 48 : index
      %get3A_553 = tpu.vector_load %arg7[%get3A_551, %get3A_552] {strides = array<i32>} : memref<128x128xf32, #tpu.memory_space<vmem>>, vector<1x16xf32>,
      %get3A_554 = vector.shape_cast %get3A_553 : vector<1x16xf32> to vector<16xf32>
      %mul3A_555 = arith.mulf %get3A_554, %get3A_554 : vector<16xf32>
      %add3A_556 = arith.addf %add3A_492, %mul3A_555 : vector<16xf32>
      %add3A_557 = arith.constant 5 : i32
      %add3A_558 = arith.addi %mul3A_205, %add3A_557 : i32
      %get3A_559 = arith.index_cast %add3A_558 : i32 to index
      %get3A_560 = arith.constant 64 : index
      %get3A_561 = tpu.vector_load %arg7[%get3A_559, %get3A_560] {strides = array<i32>} : memref<128x128xf32, #tpu.memory_space<vmem>>, vector<1x16xf32>,
      %get3A_562 = vector.shape_cast %get3A_561 : vector<1x16xf32> to vector<16xf32>
      %mul3A_563 = arith.mulf %get3A_562, %get3A_562 : vector<16xf32>
      %add3A_564 = arith.addf %add3A_500, %mul3A_563 : vector<16xf32>
      %add3A_565 = arith.constant 5 : i32
      %add3A_566 = arith.addi %mul3A_205, %add3A_565 : i32
      %get3A_567 = arith.index_cast %add3A_566 : i32 to index
      %get3A_568 = arith.constant 80 : index
      %get3A_569 = tpu.vector_load %arg7[%get3A_567, %get3A_568] {strides = array<i32>} : memref<128x128xf32, #tpu.memory_space<vmem>>, vector<1x16xf32>,
      %get3A_570 = vector.shape_cast %get3A_569 : vector<1x16xf32> to vector<16xf32>
      %mul3A_571 = arith.mulf %get3A_570, %get3A_570 : vector<16xf32>
      %add3A_572 = arith.addf %add3A_508, %mul3A_571 : vector<16xf32>
      %add3A_573 = arith.constant 5 : i32
      %add3A_574 = arith.addi %mul3A_205, %add3A_573 : i32
      %get3A_575 = arith.index_cast %add3A_574 : i32 to index
      %get3A_576 = arith.constant 96 : index
      %get3A_577 = tpu.vector_load %arg7[%get3A_575, %get3A_576] {strides = array<i32>} : memref<128x128xf32, #tpu.memory_space<vmem>>, vector<1x16xf32>,
      %get3A_578 = vector.shape_cast %get3A_577 : vector<1x16xf32> to vector<16xf32>
      %mul3A_579 = arith.mulf %get3A_578, %get3A_578 : vector<16xf32>
      %add3A_580 = arith.addf %add3A_516, %mul3A_579 : vector<16xf32>
      %add3A_581 = arith.constant 5 : i32
      %add3A_582 = arith.addi %mul3A_205, %add3A_581 : i32
      %get3A_583 = arith.index_cast %add3A_582 : i32 to index
      %get3A_584 = arith.constant 112 : index
      %get3A_585 = tpu.vector_load %arg7[%get3A_583, %get3A_584] {strides = array<i32>} : memref<128x128xf32, #tpu.memory_space<vmem>>, vector<1x16xf32>,
      %get3A_586 = vector.shape_cast %get3A_585 : vector<1x16xf32> to vector<16xf32>
      %mul3A_587 = arith.mulf %get3A_586, %get3A_586 : vector<16xf32>
      %add3A_588 = arith.addf %add3A_524, %mul3A_587 : vector<16xf32>
      %add3A_589 = arith.constant 6 : i32
      %add3A_590 = arith.addi %mul3A_205, %add3A_589 : i32
      %get3A_591 = arith.index_cast %add3A_590 : i32 to index
      %get3A_592 = arith.constant 0 : index
      %get3A_593 = tpu.vector_load %arg7[%get3A_591, %get3A_592] {strides = array<i32>} : memref<128x128xf32, #tpu.memory_space<vmem>>, vector<1x16xf32>,
      %get3A_594 = vector.shape_cast %get3A_593 : vector<1x16xf32> to vector<16xf32>
      %mul3A_595 = arith.mulf %get3A_594, %get3A_594 : vector<16xf32>
      %add3A_596 = arith.addf %add3A_532, %mul3A_595 : vector<16xf32>
      %add3A_597 = arith.constant 6 : i32
      %add3A_598 = arith.addi %mul3A_205, %add3A_597 : i32
      %get3A_599 = arith.index_cast %add3A_598 : i32 to index
      %get3A_600 = arith.constant 16 : index
      %get3A_601 = tpu.vector_load %arg7[%get3A_599, %get3A_600] {strides = array<i32>} : memref<128x128xf32, #tpu.memory_space<vmem>>, vector<1x16xf32>,
      %get3A_602 = vector.shape_cast %get3A_601 : vector<1x16xf32> to vector<16xf32>
      %mul3A_603 = arith.mulf %get3A_602, %get3A_602 : vector<16xf32>
      %add3A_604 = arith.addf %add3A_540, %mul3A_603 : vector<16xf32>
      %add3A_605 = arith.constant 6 : i32
      %add3A_606 = arith.addi %mul3A_205, %add3A_605 : i32
      %get3A_607 = arith.index_cast %add3A_606 : i32 to index
      %get3A_608 = arith.constant 32 : index
      %get3A_609 = tpu.vector_load %arg7[%get3A_607, %get3A_608] {strides = array<i32>} : memref<128x128xf32, #tpu.memory_space<vmem>>, vector<1x16xf32>,
      %get3A_610 = vector.shape_cast %get3A_609 : vector<1x16xf32> to vector<16xf32>
      %mul3A_611 = arith.mulf %get3A_610, %get3A_610 : vector<16xf32>
      %add3A_612 = arith.addf %add3A_548, %mul3A_611 : vector<16xf32>
      %add3A_613 = arith.constant 6 : i32
      %add3A_614 = arith.addi %mul3A_205, %add3A_613 : i32
      %get3A_615 = arith.index_cast %add3A_614 : i32 to index
      %get3A_616 = arith.constant 48 : index
      %get3A_617 = tpu.vector_load %arg7[%get3A_615, %get3A_616] {strides = array<i32>} : memref<128x128xf32, #tpu.memory_space<vmem>>, vector<1x16xf32>,
      %get3A_618 = vector.shape_cast %get3A_617 : vector<1x16xf32> to vector<16xf32>
      %mul3A_619 = arith.mulf %get3A_618, %get3A_618 : vector<16xf32>
      %add3A_620 = arith.addf %add3A_556, %mul3A_619 : vector<16xf32>
      %add3A_621 = arith.constant 6 : i32
      %add3A_622 = arith.addi %mul3A_205, %add3A_621 : i32
      %get3A_623 = arith.index_cast %add3A_622 : i32 to index
      %get3A_624 = arith.constant 64 : index
      %get3A_625 = tpu.vector_load %arg7[%get3A_623, %get3A_624] {strides = array<i32>} : memref<128x128xf32, #tpu.memory_space<vmem>>, vector<1x16xf32>,
      %get3A_626 = vector.shape_cast %get3A_625 : vector<1x16xf32> to vector<16xf32>
      %mul3A_627 = arith.mulf %get3A_626, %get3A_626 : vector<16xf32>
      %add3A_628 = arith.addf %add3A_564, %mul3A_627 : vector<16xf32>
      %add3A_629 = arith.constant 6 : i32
      %add3A_630 = arith.addi %mul3A_205, %add3A_629 : i32
      %get3A_631 = arith.index_cast %add3A_630 : i32 to index
      %get3A_632 = arith.constant 80 : index
      %get3A_633 = tpu.vector_load %arg7[%get3A_631, %get3A_632] {strides = array<i32>} : memref<128x128xf32, #tpu.memory_space<vmem>>, vector<1x16xf32>,
      %get3A_634 = vector.shape_cast %get3A_633 : vector<1x16xf32> to vector<16xf32>
      %mul3A_635 = arith.mulf %get3A_634, %get3A_634 : vector<16xf32>
      %add3A_636 = arith.addf %add3A_572, %mul3A_635 : vector<16xf32>
      %add3A_637 = arith.constant 6 : i32
      %add3A_638 = arith.addi %mul3A_205, %add3A_637 : i32
      %get3A_639 = arith.index_cast %add3A_638 : i32 to index
      %get3A_640 = arith.constant 96 : index
      %get3A_641 = tpu.vector_load %arg7[%get3A_639, %get3A_640] {strides = array<i32>} : memref<128x128xf32, #tpu.memory_space<vmem>>, vector<1x16xf32>,
      %get3A_642 = vector.shape_cast %get3A_641 : vector<1x16xf32> to vector<16xf32>
      %mul3A_643 = arith.mulf %get3A_642, %get3A_642 : vector<16xf32>
      %add3A_644 = arith.addf %add3A_580, %mul3A_643 : vector<16xf32>
      %add3A_645 = arith.constant 6 : i32
      %add3A_646 = arith.addi %mul3A_205, %add3A_645 : i32
      %get3A_647 = arith.index_cast %add3A_646 : i32 to index
      %get3A_648 = arith.constant 112 : index
      %get3A_649 = tpu.vector_load %arg7[%get3A_647, %get3A_648] {strides = array<i32>} : memref<128x128xf32, #tpu.memory_space<vmem>>, vector<1x16xf32>,
      %get3A_650 = vector.shape_cast %get3A_649 : vector<1x16xf32> to vector<16xf32>
      %mul3A_651 = arith.mulf %get3A_650, %get3A_650 : vector<16xf32>
      %add3A_652 = arith.addf %add3A_588, %mul3A_651 : vector<16xf32>
      %add3A_653 = arith.constant 7 : i32
      %add3A_654 = arith.addi %mul3A_205, %add3A_653 : i32
      %get3A_655 = arith.index_cast %add3A_654 : i32 to index
      %get3A_656 = arith.constant 0 : index
      %get3A_657 = tpu.vector_load %arg7[%get3A_655, %get3A_656] {strides = array<i32>} : memref<128x128xf32, #tpu.memory_space<vmem>>, vector<1x16xf32>,
      %get3A_658 = vector.shape_cast %get3A_657 : vector<1x16xf32> to vector<16xf32>
      %mul3A_659 = arith.mulf %get3A_658, %get3A_658 : vector<16xf32>
      %add3A_660 = arith.addf %add3A_596, %mul3A_659 : vector<16xf32>
      %add3A_661 = arith.constant 7 : i32
      %add3A_662 = arith.addi %mul3A_205, %add3A_661 : i32
      %get3A_663 = arith.index_cast %add3A_662 : i32 to index
      %get3A_664 = arith.constant 16 : index
      %get3A_665 = tpu.vector_load %arg7[%get3A_663, %get3A_664] {strides = array<i32>} : memref<128x128xf32, #tpu.memory_space<vmem>>, vector<1x16xf32>,
      %get3A_666 = vector.shape_cast %get3A_665 : vector<1x16xf32> to vector<16xf32>
      %mul3A_667 = arith.mulf %get3A_666, %get3A_666 : vector<16xf32>
      %add3A_668 = arith.addf %add3A_604, %mul3A_667 : vector<16xf32>
      %add3A_669 = arith.constant 7 : i32
      %add3A_670 = arith.addi %mul3A_205, %add3A_669 : i32
      %get3A_671 = arith.index_cast %add3A_670 : i32 to index
      %get3A_672 = arith.constant 32 : index
      %get3A_673 = tpu.vector_load %arg7[%get3A_671, %get3A_672] {strides = array<i32>} : memref<128x128xf32, #tpu.memory_space<vmem>>, vector<1x16xf32>,
      %get3A_674 = vector.shape_cast %get3A_673 : vector<1x16xf32> to vector<16xf32>
      %mul3A_675 = arith.mulf %get3A_674, %get3A_674 : vector<16xf32>
      %add3A_676 = arith.addf %add3A_612, %mul3A_675 : vector<16xf32>
      %add3A_677 = arith.constant 7 : i32
      %add3A_678 = arith.addi %mul3A_205, %add3A_677 : i32
      %get3A_679 = arith.index_cast %add3A_678 : i32 to index
      %get3A_680 = arith.constant 48 : index
      %get3A_681 = tpu.vector_load %arg7[%get3A_679, %get3A_680] {strides = array<i32>} : memref<128x128xf32, #tpu.memory_space<vmem>>, vector<1x16xf32>,
      %get3A_682 = vector.shape_cast %get3A_681 : vector<1x16xf32> to vector<16xf32>
      %mul3A_683 = arith.mulf %get3A_682, %get3A_682 : vector<16xf32>
      %add3A_684 = arith.addf %add3A_620, %mul3A_683 : vector<16xf32>
      %add3A_685 = arith.constant 7 : i32
      %add3A_686 = arith.addi %mul3A_205, %add3A_685 : i32
      %get3A_687 = arith.index_cast %add3A_686 : i32 to index
      %get3A_688 = arith.constant 64 : index
      %get3A_689 = tpu.vector_load %arg7[%get3A_687, %get3A_688] {strides = array<i32>} : memref<128x128xf32, #tpu.memory_space<vmem>>, vector<1x16xf32>,
      %get3A_690 = vector.shape_cast %get3A_689 : vector<1x16xf32> to vector<16xf32>
      %mul3A_691 = arith.mulf %get3A_690, %get3A_690 : vector<16xf32>
      %add3A_692 = arith.addf %add3A_628, %mul3A_691 : vector<16xf32>
      %add3A_693 = arith.constant 7 : i32
      %add3A_694 = arith.addi %mul3A_205, %add3A_693 : i32
      %get3A_695 = arith.index_cast %add3A_694 : i32 to index
      %get3A_696 = arith.constant 80 : index
      %get3A_697 = tpu.vector_load %arg7[%get3A_695, %get3A_696] {strides = array<i32>} : memref<128x128xf32, #tpu.memory_space<vmem>>, vector<1x16xf32>,
      %get3A_698 = vector.shape_cast %get3A_697 : vector<1x16xf32> to vector<16xf32>
      %mul3A_699 = arith.mulf %get3A_698, %get3A_698 : vector<16xf32>
      %add3A_700 = arith.addf %add3A_636, %mul3A_699 : vector<16xf32>
      %add3A_701 = arith.constant 7 : i32
      %add3A_702 = arith.addi %mul3A_205, %add3A_701 : i32
      %get3A_703 = arith.index_cast %add3A_702 : i32 to index
      %get3A_704 = arith.constant 96 : index
      %get3A_705 = tpu.vector_load %arg7[%get3A_703, %get3A_704] {strides = array<i32>} : memref<128x128xf32, #tpu.memory_space<vmem>>, vector<1x16xf32>,
      %get3A_706 = vector.shape_cast %get3A_705 : vector<1x16xf32> to vector<16xf32>
      %mul3A_707 = arith.mulf %get3A_706, %get3A_706 : vector<16xf32>
      %add3A_708 = arith.addf %add3A_644, %mul3A_707 : vector<16xf32>
      %add3A_709 = arith.constant 7 : i32
      %add3A_710 = arith.addi %mul3A_205, %add3A_709 : i32
      %get3A_711 = arith.index_cast %add3A_710 : i32 to index
      %get3A_712 = arith.constant 112 : index
      %get3A_713 = tpu.vector_load %arg7[%get3A_711, %get3A_712] {strides = array<i32>} : memref<128x128xf32, #tpu.memory_space<vmem>>, vector<1x16xf32>,
      %get3A_714 = vector.shape_cast %get3A_713 : vector<1x16xf32> to vector<16xf32>
      %mul3A_715 = arith.mulf %get3A_714, %get3A_714 : vector<16xf32>
      %add3A_716 = arith.addf %add3A_652, %mul3A_715 : vector<16xf32>
      scf.yield %add3A_660, %add3A_668, %add3A_676, %add3A_684, %add3A_692, %add3A_700, %add3A_708, %add3A_716 : vector<16xf32>, vector<16xf32>, vector<16xf32>, vector<16xf32>, vector<16xf32>, vector<16xf32>, vector<16xf32>, vector<16xf32>
    }
    %scan3A_184 = arith.constant 16 : i32
    %add3A_185 = arith.addf %scan3A_183#0, %scan3A_183#1 : vector<16xf32>
    %add3A_186 = arith.addf %add3A_185, %scan3A_183#2 : vector<16xf32>
    %add3A_187 = arith.addf %add3A_186, %scan3A_183#3 : vector<16xf32>
    %add3A_188 = arith.addf %add3A_187, %scan3A_183#4 : vector<16xf32>
    %add3A_189 = arith.addf %add3A_188, %scan3A_183#5 : vector<16xf32>
    %add3A_190 = arith.addf %add3A_189, %scan3A_183#6 : vector<16xf32>
    %add3A_191 = arith.addf %add3A_190, %scan3A_183#7 : vector<16xf32>
    %swap3A = arith.constant 0 : index
    %swap3A_192 = tpu.vector_load %arg10[%swap3A] {strides = array<i32>} : memref<16xf32, #tpu.memory_space<vmem>>, vector<16xf32>,
    %swap3A_193 = vector.shape_cast %swap3A_192 : vector<16xf32> to vector<16xf32>
    %swap3A_194 = vector.shape_cast %add3A_191 : vector<16xf32> to vector<16xf32>
    tpu.vector_store %arg10[%swap3A], %swap3A_194 {strides = array<i32>} : memref<16xf32, #tpu.memory_space<vmem>>, vector<16xf32>,
    "tpu.region"() ({
      %run_scoped3A = tpu.sem_alloc : memref<!tpu.dma_semaphore, #tpu.memory_space<semaphore_mem>>
      %dma_start3A_195 = arith.constant 0 : i32
      %dma_start3A_196 = tpu.memref_slice %arg5[%add3A, %dma_start3A_195] : memref<32x16xf32, #tpu.memory_space<hbm>> -> memref<1x16xf32, #tpu.memory_space<hbm>>
      %dma_start3A_197 = tpu.memref_squeeze %dma_start3A_196 : memref<1x16xf32, #tpu.memory_space<hbm>> -> memref<16xf32, #tpu.memory_space<hbm>>
      %dma_start3A_198 = arith.constant 0 : i32
      %dma_start3A_199 = tpu.memref_slice %arg5[%add3A, %dma_start3A_198] : memref<32x16xf32, #tpu.memory_space<hbm>> -> memref<1x16xf32, #tpu.memory_space<hbm>>
      %dma_start3A_200 = tpu.memref_squeeze %dma_start3A_199 : memref<1x16xf32, #tpu.memory_space<hbm>> -> memref<16xf32, #tpu.memory_space<hbm>>
      tpu.enqueue_dma source(%arg10 : memref<16xf32, #tpu.memory_space<vmem>>) target(%dma_start3A_200 : memref<16xf32, #tpu.memory_space<hbm>>) target_semaphore(%run_scoped3A : memref<!tpu.dma_semaphore, #tpu.memory_space<semaphore_mem>>)
      %dma_wait3A_201 = arith.constant 0 : i32
      %dma_wait3A_202 = tpu.memref_slice %arg5[%add3A, %dma_wait3A_201] : memref<32x16xf32, #tpu.memory_space<hbm>> -> memref<1x16xf32, #tpu.memory_space<hbm>>
      %dma_wait3A_203 = tpu.memref_squeeze %dma_wait3A_202 : memref<1x16xf32, #tpu.memory_space<hbm>> -> memref<16xf32, #tpu.memory_space<hbm>>
      %dma_wait3A_204 = arith.constant 0 : i32
      %dma_wait3A_205 = tpu.memref_slice %arg5[%add3A, %dma_wait3A_204] : memref<32x16xf32, #tpu.memory_space<hbm>> -> memref<1x16xf32, #tpu.memory_space<hbm>>
      %dma_wait3A_206 = tpu.memref_squeeze %dma_wait3A_205 : memref<1x16xf32, #tpu.memory_space<hbm>> -> memref<16xf32, #tpu.memory_space<hbm>>
      tpu.wait_dma2 semaphore(%run_scoped3A : memref<!tpu.dma_semaphore, #tpu.memory_space<semaphore_mem>>) src(%arg10 : memref<16xf32, #tpu.memory_space<vmem>>) dst(%dma_wait3A_206 : memref<16xf32, #tpu.memory_space<hbm>>)
      tpu.yield
    }) : () -> ()
    return
  }
}

</mosaic_0001>

<sc_bundles>
// kernel: kernel.3.cloned.1.call-start
scs
__scs_entry_jumppad:
0x0: {  	(pc) =	sbr.rel $0x88, $3  }
0x1: {  	(tag) =	ssettag $0x0;
	lr =	simm.s32 $0x1  }
0x2: {  	[smem:$0x3F9E] =	sst lr;
	_ =	strace $0xD0000000  }
0x3: {  	_ = 	snop  }
0x4: {  	_ = 	snop  }
0x5: {  	_ = 	snop  }
0x6: {  	_ = 	snop  }
0x7: {  	_ = 	snop  }
__scs_overlays_trampoline_lowered:
0x8: {  	[smem:$0x3FAD] =	sst s0  }
0x9: {  	[smem:$0x3FAE] =	sst s1  }
0xa: {  	[smem:$0x3FAF] =	sst s2  }
0xb: {  	[smem:$0x3FB0] =	sst s3  }
0xc: {  	[smem:$0x3FB1] =	sst s4  }
0xd: {  	[smem:$0x3FB2] =	sst s5  }
0xe: {  	[smem:$0x3FB3] =	sst s6  }
0xf: {  	[smem:$0x3FB4] =	sst s7  }
0x10: {  	[smem:$0x3FB5] =	sst s8  }
0x11: {  	[smem:$0x3FB6] =	sst s9;
	s0 =	simm.s32 @!p0 $0x0  }
0x12: {  	s1 =	sld [smem:$0x3F9C];
	s0 =	simm.s32 @p0 $0x1  }
0x13: {  	[smem:$0x3FB7] =	sst s0;
	s0 =	simm.s32 @!p1 $0x0  }
0x14: {  	s2 =	sld [smem:$0x3F9B];
	s0 =	simm.s32 @p1 $0x1  }
0x15: {  	[smem:$0x3FB8] =	sst s0;
	s0 =	simm.s32 @!p2 $0x0  }
0x16: {  	s3 =	sld [smem:$0x3FDB];
	s0 =	simm.s32 @p2 $0x1  }
0x17: {  	s4 =	simm.s32 $0x1BF5;
	[smem:$0x3FBA] =	sst s0  }
0x18: {  	s0 =	sld [smem:$0x3F9D];
	_ =	swait.ge [sflag:s4], $0x0  }
0x19: {  	s7 =	sld [smem:$0x3F9E]  }
0x1a: {  	s8 =	sadd.s32 $0xFFFFE003, lr  }
0x1b: {  	s9 =	sadd.s32 $0xFFFFFEF7, lr;
	s5 =	simm.s32 $0xFFFFFFFF;
	p2 =	slt.u32 s8, $0xFFFFF086  }
0x1c: {  	p1 =	slt.u32 s9, $0xF7A;
	s5 =	simm.s32 @!p2 $0x0  }
0x1d: {  	s5 =	simm.s32 @p1 $0x1;
	p0 =	seq.s32 s7, s2  }
0x1e: {  	s7 =	smul.u32 @!p0 $0xF7A, s2;
	p2 =	seq.s32 @!p0 s5, $0x0  }
0x1f: {  	s9 =	smul.u32 $0xF7A, s1;
	s8 =	simm.s32 @!p0 $0x1BF5;
	p2 =	por !p2, p0  }
0x20: {  	[sflag:s8] =	ssyncset.s32 @!p0 $0xFFFFF086;
	s6 =	sadd.s32 @!p0 s3, s7;
	s7 =	simm.s32 @!p0 $0x108  }
0x21: {  	s3 =	sadd.s32 s3, s9;
	s6 =	sadd.s32 @!p0 $0x88, s6;
	s7 =	simm.s32 @p2 $0x1082  }
0x22: {  	[simem:s7], [sflag:s8] =	dma.local @!p0 [hbm:s6], $0xF7A  }
0x23: {  	s9 =	sor.u32 $0xD0000000, s2;
	s6 =	simm.s32 $0x108;
	_ =	swait.ge @!p0 [sflag:s8], $0x0  }
0x24: {  	s3 =	sadd.s32 $0x88, s3;
	s6 =	simm.s32 @!p1 $0x1082;
	[sflag:s4] =	ssyncset.s32 $0xFFFFF086  }
0x25: {  	[simem:s6], [sflag:s4] =	dma.local [hbm:s3], $0xF7A  }
0x26: {  	[smem:$0x3F9E] =	sst s1;
	(tag) =	ssettag s2;
	_ =	strace s9  }
0x27: {  	s1 =	sld [smem:$0x3FAE]  }
0x28: {  	s2 =	sld [smem:$0x3FAF]  }
0x29: {  	s4 =	sld [smem:$0x3FB1]  }
0x2a: {  	p0 =	seq.s32 s5, $0x0;
	s5 =	sld [smem:$0x3FB2]  }
0x2b: {  	s6 =	sld [smem:$0x3FB3]  }
0x2c: {  	s7 =	sld [smem:$0x3FB4]  }
0x2d: {  	s3 =	simm.s32 $0x108;
	s8 =	sld [smem:$0x3FB5]  }
0x2e: {  	s3 =	simm.s32 @!p0 $0x1082;
	s9 =	sld [smem:$0x3FB6]  }
0x2f: {  	lr =	sadd.s32 s0, s3;
	s0 =	sld [smem:$0x3FAD]  }
0x30: {  	s3 =	sld [smem:$0x3FB0]  }
0x31: {  	[smem:$0x3FB9] =	sst s10  }
0x32: {  	s10 =	sld [smem:$0x3FB7];
	_ =	sdelay $0x3  }
0x33: {  	p0 =	seq.s32 s10, $0x1;
	s10 =	sld [smem:$0x3FB9];
	_ =	sdelay $0x3  }
0x34: {  	[smem:$0x3FB9] =	sst s10  }
0x35: {  	s10 =	sld [smem:$0x3FB8];
	_ =	sdelay $0x3  }
0x36: {  	p1 =	seq.s32 s10, $0x1;
	s10 =	sld [smem:$0x3FB9];
	_ =	sdelay $0x3  }
0x37: {  	[smem:$0x3FB9] =	sst s10  }
0x38: {  	s10 =	sld [smem:$0x3FBA]  }
0x39: {  	_ = 	snop;
	(pc) =	sbr.ind lr, $3  }
0x3a: {  	_ = 	snop  }
0x3b: {  	_ = 	snop  }
0x3c: {  	p2 =	seq.s32 s10, $0x1;
	s10 =	sld [smem:$0x3FB9]  }
0x3d: {  	_ =	shalt  }
0x3e: {  	_ =	shalt  }
0x3f: {  	_ =	shalt  }
0x40: {  	_ =	shalt  }
0x41: {  	_ =	shalt  }
0x42: {  	_ =	shalt  }
0x43: {  	_ =	shalt  }
0x44: {  	_ =	shalt  }
0x45: {  	_ =	shalt  }
0x46: {  	_ =	shalt  }
0x47: {  	_ =	shalt  }
0x48: {  	_ =	shalt  }
0x49: {  	_ =	shalt  }
0x4a: {  	_ =	shalt  }
0x4b: {  	_ =	shalt  }
0x4c: {  	_ =	shalt  }
0x4d: {  	_ =	shalt  }
0x4e: {  	_ =	shalt  }
0x4f: {  	_ =	shalt  }
0x50: {  	_ =	shalt  }
0x51: {  	_ =	shalt  }
0x52: {  	_ =	shalt  }
0x53: {  	_ =	shalt  }
0x54: {  	_ =	shalt  }
0x55: {  	_ =	shalt  }
0x56: {  	_ =	shalt  }
0x57: {  	_ =	shalt  }
0x58: {  	_ =	shalt  }
0x59: {  	_ =	shalt  }
0x5a: {  	_ =	shalt  }
0x5b: {  	_ =	shalt  }
0x5c: {  	_ =	shalt  }
0x5d: {  	_ =	shalt  }
0x5e: {  	_ =	shalt  }
0x5f: {  	_ =	shalt  }
0x60: {  	_ =	shalt  }
0x61: {  	_ =	shalt  }
0x62: {  	_ =	shalt  }
0x63: {  	_ =	shalt  }
0x64: {  	_ =	shalt  }
0x65: {  	_ =	shalt  }
0x66: {  	_ =	shalt  }
0x67: {  	_ =	shalt  }
0x68: {  	_ =	shalt  }
0x69: {  	_ =	shalt  }
0x6a: {  	_ =	shalt  }
0x6b: {  	_ =	shalt  }
0x6c: {  	_ =	shalt  }
0x6d: {  	_ =	shalt  }
0x6e: {  	_ =	shalt  }
0x6f: {  	_ =	shalt  }
0x70: {  	_ =	shalt  }
0x71: {  	_ =	shalt  }
0x72: {  	_ =	shalt  }
0x73: {  	_ =	shalt  }
0x74: {  	_ =	shalt  }
0x75: {  	_ =	shalt  }
0x76: {  	_ =	shalt  }
0x77: {  	_ =	shalt  }
0x78: {  	_ =	shalt  }
0x79: {  	_ =	shalt  }
0x7a: {  	_ =	shalt  }
0x7b: {  	_ =	shalt  }
0x7c: {  	_ =	shalt  }
0x7d: {  	_ =	shalt  }
0x7e: {  	_ =	shalt  }
0x7f: {  	_ =	shalt  }
0x80: {  	_ =	shalt  }
0x81: {  	_ =	shalt  }
0x82: {  	_ =	shalt  }
0x83: {  	_ =	shalt  }
0x84: {  	_ =	shalt  }
0x85: {  	_ =	shalt  }
0x86: {  	_ =	shalt  }
0x87: {  	_ =	shalt  }
.Lfunc_end0:
.L_simem_size_0:
called_computation_lowered:
.L_overlay_start_0:
0x88: {  	s2 =	sld [smem:$0x3FD9]  }
0x89: {  	s3 =	sld [smem:$0x3FFE];
	_ =	sdelay $0x1  }
0x8a: {  	s1 =	srdreg.scid  }
0x8b: {  	s0 =	sand.u32 $0x1, s1  }
0x8c: {  	s17 =	sshll.u32 s0, $0xA;
	s2 =	sadd.s32 s3, s2  }
0x8d: {  	s2 =	sadd.s32 s2, s17  }
0x8e: {  	[smem:$0x3FC5] =	sst s2  }
0x8f: {  	_ = 	snop  }
0x90: {  	s2 =	sld [smem:$0x3FC9]  }
0x91: {  	s18 =	sld [smem:$0x3FC8];
	(tm) =	ssettm $0x1  }
0x92: {  	s4 =	sld [smem:$0x3FFB];
	_ =	sdelay $0x3  }
0x93: {  	_ =	strace s4  }
0x94: {  	s4 =	sld [smem:$0x3FFC];
	_ =	sdelay $0x3  }
0x95: {  	_ =	strace s4  }
0x96: {  	s4 =	sld [smem:$0x3FFD];
	_ =	sdelay $0x3  }
0x97: {  	_ =	strace s4  }
0x98: {  	_ =	strace $0x8FFFFFFF  }
0x99: {  	s19 =	sld [smem:$0x3FDB];
	_ =	sdelay $0x1  }
0x9a: {  	s5 =	simm.s32 $_scs_section_size  }
0x9b: {  	s6 =	simm.s32 $_size__tile_overlayer_lowered;
	s7 =	simm.s32 $_tile_overlayer_lowered  }
0x9c: {  	s22 =	simm.s32 $0x1BFF;
	s21 =	sshll.u32 s7, $0x1;
	s4 =	sadd.s32 s5, s19  }
0x9d: {  	s8 =	simm.s32 $0x0;
	s20 =	sshll.u32 s6, $0x1;
	s6 =	sadd.s32 s21, s4  }
0x9e: {  	[timem:s8], [sflag:s22] =	dma.local [hbm:s6], s20  }
0x9f: {  	_ =	swait.ge [sflag:s22], s20  }
0xa0: {  	s5 =	ssub.s32 $0x0, s20;
	[sflag:s22] =	ssyncset.done $0x0  }
0xa1: {  	[sflag:s22] =	ssyncadd.s32 s5;
	_ =	sdelay $0x1  }
0xa2: {  	s23 =	simm.s32 $0x1B8B  }
0xa3: {  	_ =	swait.ge [sflag:s23], $0x1  }
0xa4: {  	[sflag:s23] =	ssyncset.done $0x0  }
0xa5: {  	s25 =	simm.s32 $0x1B8E;
	s24 =	sld [smem:$0x3FFE];
	[sflag:s23] =	ssyncadd.s32 $0xFFFFFFFF  }
0xa6: {  	s26 =	simm.s32 $execute0_lowered;
	[smem:$0x3FD2] =	sst s25  }
0xa7: {  	s6 =	sshll.u32 s26, $0x1;
	_ =	strace $0x80000046;
	[dreg:$0x1] =	wrdreg $0xFFFFFFFF  }
0xa8: {  	s28 =	simm.s32 $_size_execute0_lowered;
	s4 =	sadd.s32 s4, s6;
	[dreg:$0x0] =	wrdreg $0x0  }
0xa9: {  	s6 =	sshll.u32 s28, $0x1;
	[dreg:$0x2] =	wrdreg s4  }
0xaa: {  	[dreg:$0x3] =	wrdreg s6  }
0xab: {  	[dreg:$0x4] =	wrdreg $0xC0  }
0xac: {  	_ =	task [dreg:s8], $0x5FFFF  }
0xad: {  	[dreg:$0x1] =	wrdreg $0xFFFFFFFF  }
0xae: {  	[dreg:$0x0] =	wrdreg $0x60  }
0xaf: {  	[dreg:$0x2] =	wrdreg s2  }
0xb0: {  	[dreg:$0x3] =	wrdreg s18  }
0xb1: {  	[dreg:$0x4] =	wrdreg s24  }
0xb2: {  	[dreg:$0x5] =	wrdreg $0xC2800  }
0xb3: {  	[dreg:$0x6] =	wrdreg $0x9  }
0xb4: {  	_ =	task.clear_ibuf [dreg:s8], $0x7FFFF;
	_ =	strace $0x90000046  }
0xb5: {  	s29 =	simm.s32 $0x9;
	_ =	strace $0x80000048  }
0xb6: {  	_ =	swait.ge [sflag:s29], $0x1  }
0xb7: {  	[sflag:s29] =	ssyncadd.s32 $0xFFFFFFFF  }
0xb8: {  	_ =	strace $0x90000048  }
0xb9: {  	_ =	sfence  }
0xba: {  	s30 =	sld [smem:$0x0];
	_ =	sdelay $0x2  }
0xbb: {  	s31 =	sshll.u32 s1, $0xD;
	s1 =	sshrl.u32 s1, $0x2  }
0xbc: {  	s3 =	sand.u32 $0x4000, s31;
	s1 =	sadd.s32 s1, s30  }
0xbd: {  	s0 =	sor.u32 s3, s0;
	s1 =	sshll.u32 s1, $0x11  }
0xbe: {  	s0 =	sor.u32 s1, s0  }
0xbf: {  	s0 =	sadd.s32 $0x8F2B, s0  }
0xc0: {  	[sflag:s0] =	ssyncadd.remote.s32 $0x1  }
0xc1: {  	_ =	sfence.sel $0xFFFF  }
0xc2: {  	[dreg:$0x0] =	wrdreg $0xFFFFFFFF;
	(pc) =	sbr.abs _section_cstart, $3  }
0xc3: {  	[dreg:$0x1] =	wrdreg $0xFFFFFFFF  }
0xc4: {  	_ =	task.clear_ibuf [dreg:s8], $0x2FFFF;
	_ =	strace $0x9FFFFFFF  }
0xc5: {  	(tm) =	ssettm $0x7FFFFFFF  }
tec
execute0_lowered:
.L_overlay_start_1:
0x0: {  	(tag) =	ssettag $0x1  }
0x1: {  	s0 =	rddreg [dreg:$0x0]  }
0x2: {  	s9 =	rddreg [dreg:$0x1]  }
0x3: {  	s7 =	rddreg [dreg:$0x2]  }
0x4: {  	s2 =	rddreg [dreg:$0x3]  }
0x5: {  	s3 =	simm.s32 $0x0;
	s4 =	srdreg.scid;
	s1 =	stileid.u32  }
0x6: {  	s14 =	simm.s32 $0x4200;
	s15 =	simm.s32 $0x8200;
	s17 =	simm.s32 $0x8  }
0x7: {  	s18 =	simm.s32 $0x7;
	s19 =	simm.s32 $0x1;
	s20 =	simm.s32 $0x80  }
0x8: {  	s21 =	simm.s32 $0x2;
	s22 =	simm.s32 $0x4;
	s23 =	simm.s32 $0x3  }
0x9: {  	s24 =	simm.s32 $0x100;
	s25 =	simm.s32 $0x5;
	s28 =	simm.s32 $0x6  }
0xa: {  	s29 =	simm.s32 $0xC200;
	s30 =	simm.s32 $0x0;
	[smem:$0x7FF] =	sst s3  }
0xb: {  	s4 =	sand.u32 $0x1, s4;
	s5 =	sshll.u32 s1, $0x1;
	s26 =	sshll.u32 s1, $0xD  }
0xc: {  	s31 =	sshll.u32 s1, $0xA;
	s13 =	sshll.u32 s1, $0x6;
	s10 =	sor.u32 s4, s5  }
0xd: {  	_ =	strace $0x80000047;
	s4 =	ssub.s32 $0x2, s4;
	s5 =	sshll.u32 s10, $0x4  }
0xe: {  	s6 =	sshrl.u32 s4, $0x1;
	s8 =	sshll.u32 s10, $0xD;
	s10 =	sshll.u32 s10, $0x6  }
0xf: {  	s11 =	sadd.s32 s5, s7;
	s12 =	ssub.s32 s4, s6;
	s4 =	sadd.s32 s0, s8  }
0x10: {  	s0 =	sadd.s32 s26, s2;
	s7 =	sadd.s32 s7, s31;
	s8 =	sor.u32 $0x1C07, s13  }
0x11: {  	s9 =	sadd.s32 s9, s10;
	s13 =	simm.s32 $0x200;
	s26 =	simm.s32 $0x180  }
0x12: {  	s5 =	sadd.s32 $0x800, s4;
	s6 =	sadd.s32 $0x1000, s4;
	s10 =	sadd.s32 $0x1800, s4  }
0x13: {  	s11 =	sadd.s32 $0x4000, s11;
	s12 =	smax.u32 s12, $0x1;
	s16 =	sshrl.u32 s0, $0x3  }
.LBB2_1:
0x14: {  	[tilespmem:s13], [sflag:$0x1] =	stream.linear.gather [hbm4b:s4+s3], $0x4000, $0x38;
	[tilespmem:$0xE280] =	vst v63  }
0x15: {  	_ = 	snop  }
0x16: {  	[tilespmem:s14], [sflag:$0x2] =	stream.linear.gather [hbm4b:s5+s3], $0x4000, $0x38;
	[tilespmem:$0xE280] =	vst v63  }
0x17: {  	_ = 	snop  }
0x18: {  	[tilespmem:s15], [sflag:$0x3] =	stream.linear.gather [hbm4b:s6+s3], $0x4000, $0x38;
	[tilespmem:$0xE280] =	vst v63  }
0x19: {  	[spmem:s16], [sflag:s8] =	dma.local [hbm:s7], $0x400  }
0x1a: {  	[tilespmem:s3], [sflag:$0x8] =	stream.linear.gather [hbm4b:s9+s3], $0x200, $0x38;
	[tilespmem:$0xE280] =	vst v63  }
0x1b: {  	_ =	swait.ge [sflag:s17], $0x200  }
0x1c: {  	[sflag:s17] =	ssyncset.done $0x0  }
0x1d: {  	[sflag:s17] =	ssyncadd.s32 $0xFFFFFE00  }
0x1e: {  	_ =	swait.ge [sflag:s18], $0x400  }
0x1f: {  	[sflag:s18] =	ssyncset.done $0x0  }
0x20: {  	[sflag:s18] =	ssyncadd.s32 $0xFFFFFC00  }
0x21: {  	[bflag:$0x0] =	sbarrier.arrive $0xFFFF  }
0x22: {  	_ =	swait.ge [sflag:s19], $0x4000  }
0x23: {  	[sflag:s19] =	ssyncset.done $0x0  }
0x24: {  	[sflag:s19] =	ssyncadd.s32 $0xFFFFC000  }
0x25: {  	[tilespmem:s13], [sflag:$0x4] =	stream.indirect.gather.add.f32 [spmem:s2], $0x80, s3, s20, $0xb8;
	[tilespmem:$0xE280] =	vst v63  }
0x26: {  	_ =	swait.ge [sflag:s21], $0x4000  }
0x27: {  	[sflag:s21] =	ssyncset.done $0x0  }
0x28: {  	[sflag:s21] =	ssyncadd.s32 $0xFFFFC000  }
0x29: {  	[tilespmem:s14], [sflag:$0x5] =	stream.indirect.gather.add.f32 [spmem:s2], $0x80, s20, s20, $0xb8;
	[tilespmem:$0xE280] =	vst v63  }
0x2a: {  	_ =	swait.ge [sflag:s22], $0x4000  }
0x2b: {  	[sflag:s22] =	ssyncset.done $0x0  }
0x2c: {  	s31 =	simm.s32 $0x0;
	[sflag:s22] =	ssyncadd.s32 $0xFFFFC000  }
0x2d: {  	v0 =	vld [tilespmem:s31+$0x580]  }
0x2e: {  	v1 =	vld [tilespmem:s31+$0x590]  }
0x2f: {  	v2 =	vld [tilespmem:s31+$0x5A0]  }
0x30: {  	v3 =	vld [tilespmem:s31+$0x5B0]  }
0x31: {  	v4 =	vld [tilespmem:s31+$0x5C0]  }
0x32: {  	v5 =	vld [tilespmem:s31+$0x5D0]  }
0x33: {  	v6 =	vld [tilespmem:s31+$0x500]  }
0x34: {  	v7 =	vld [tilespmem:s31+$0x510]  }
0x35: {  	v8 =	vld [tilespmem:s31+$0x520]  }
0x36: {  	v13 =	vld [tilespmem:s31+$0x530]  }
0x37: {  	v14 =	vld [tilespmem:s31+$0x540]  }
0x38: {  	v15 =	vld [tilespmem:s31+$0x550]  }
0x39: {  	v20 =	vld [tilespmem:s31+$0x480]  }
0x3a: {  	v21 =	vld [tilespmem:s31+$0x490]  }
0x3b: {  	v22 =	vld [tilespmem:s31+$0x4A0]  }
0x3c: {  	v24 =	vld [tilespmem:s31+$0x4B0]  }
0x3d: {  	v25 =	vld [tilespmem:s31+$0x4C0]  }
0x3e: {  	v26 =	vld [tilespmem:s31+$0x4D0]  }
0x3f: {  	v27 =	vld [tilespmem:s31+$0x400]  }
0x40: {  	v28 =	vld [tilespmem:s31+$0x410]  }
0x41: {  	v29 =	vld [tilespmem:s31+$0x420]  }
0x42: {  	v30 =	vld [tilespmem:s31+$0x430]  }
0x43: {  	v31 =	vld [tilespmem:s31+$0x440];
	v12 =	vmul.f32 v0, v0;
	v11 =	vmul.f32 v1, v1  }
0x44: {  	v32 =	vld [tilespmem:s31+$0x380];
	v10 =	vmul.f32 v2, v2;
	v9 =	vmul.f32 v3, v3  }
0x45: {  	v33 =	vld [tilespmem:s31+$0x300];
	v3 =	vmul.f32 v4, v4;
	v2 =	vmul.f32 v5, v5  }
0x46: {  	v59 =	vld [tilespmem:s31+$0x2B0];
	v19 =	vmul.f32 v6, v6;
	v17 =	vmul.f32 v7, v7  }
0x47: {  	v40 =	vld [tilespmem:s31+$0x3B0];
	v18 =	vmul.f32 v8, v8;
	v16 =	vmul.f32 v13, v13  }
0x48: {  	v5 =	vld [tilespmem:s31+$0x390];
	v7 =	vmul.f32 v14, v14;
	v6 =	vmul.f32 v15, v15  }
0x49: {  	v13 =	vld [tilespmem:s31+$0x310];
	v23 =	vmul.f32 v20, v20;
	v21 =	vmul.f32 v21, v21  }
0x4a: {  	v14 =	vld [tilespmem:s31+$0x280];
	v22 =	vmul.f32 v22, v22;
	v20 =	vmul.f32 v24, v24  }
0x4b: {  	v24 =	vld [tilespmem:s31+$0x200];
	v4 =	vmul.f32 v25, v25;
	v8 =	vmul.f32 v26, v26  }
0x4c: {  	v25 =	vld [tilespmem:s31+$0x210];
	v27 =	vmul.f32 v27, v27;
	v35 =	vmul.f32 v28, v28  }
0x4d: {  	v26 =	vld [tilespmem:s31+$0x220];
	v36 =	vmul.f32 v29, v29;
	v37 =	vmul.f32 v30, v30  }
0x4e: {  	v28 =	vld [tilespmem:s31+$0x230];
	v1 =	vmul.f32 v31, v31;
	v30 =	vmul.f32 v32, v32  }
0x4f: {  	v15 =	vld [tilespmem:s31+$0x290];
	v33 =	vmul.f32 v33, v33;
	v32 =	vmul.f32 v59, v59  }
0x50: {  	v29 =	vld [tilespmem:s31+$0x2A0];
	v63 =	vmul.f32 v40, v40;
	v31 =	vmul.f32 v5, v5  }
0x51: {  	v34 =	vld [tilespmem:s31+$0x320];
	v13 =	vmul.f32 v13, v13;
	v14 =	vmul.f32 v14, v14  }
0x52: {  	v38 =	vld [tilespmem:s31+$0x330];
	v24 =	vmul.f32 v24, v24;
	v25 =	vmul.f32 v25, v25  }
0x53: {  	v0 =	vld [tilespmem:s31+$0x450];
	v5 =	vimm.f32 $0.0e+00;
	v26 =	vmul.f32 v26, v26;
	v28 =	vmul.f32 v28, v28  }
0x54: {  	v39 =	vld [tilespmem:s31+$0x3A0];
	v15 =	vmul.f32 v15, v15;
	v24 =	vadd.f32 v24, v5;
	v25 =	vadd.f32 v25, v5  }
0x55: {  	v41 =	vld [tilespmem:s31+$0x3C0];
	v29 =	vmul.f32 v29, v29;
	v26 =	vadd.f32 v26, v5;
	v28 =	vadd.f32 v28, v5  }
0x56: {  	v60 =	vld [tilespmem:s31+$0x3D0];
	v14 =	vadd.f32 v14, v24;
	v15 =	vadd.f32 v15, v25;
	v24 =	vmul.f32 v34, v34  }
0x57: {  	v61 =	vld [tilespmem:s31+$0x340];
	v25 =	vadd.f32 v29, v26;
	v26 =	vadd.f32 v32, v28;
	v28 =	vmul.f32 v38, v38  }
0x58: {  	v0 =	vmul.f32 v0, v0;
	v14 =	vadd.f32 v33, v14;
	v13 =	vadd.f32 v13, v15  }
0x59: {  	v29 =	vmul.f32 v39, v39;
	v15 =	vld [tilespmem:s31+$0x350];
	v62 =	vadd.f32 v24, v25;
	v26 =	vadd.f32 v28, v26  }
0x5a: {  	v24 =	vld [tilespmem:s31+$0x2C0];
	v28 =	vmul.f32 v41, v41;
	v14 =	vadd.f32 v30, v14;
	v13 =	vadd.f32 v31, v13  }
0x5b: {  	v25 =	vld [tilespmem:s31+$0x2D0];
	v39 =	vadd.f32 v29, v62;
	v38 =	vadd.f32 v63, v26;
	v29 =	vmul.f32 v60, v60  }
0x5c: {  	v26 =	vld [tilespmem:s31+$0x240];
	v30 =	vmul.f32 v61, v61;
	v34 =	vadd.f32 v27, v14;
	v33 =	vadd.f32 v35, v13  }
0x5d: {  	v27 =	vld [tilespmem:s31+$0x250];
	v36 =	vadd.f32 v36, v39;
	v35 =	vadd.f32 v37, v38;
	v14 =	vimm.f32 $0.0e+00  }
0x5e: {  	s0 =	simm.s32 $0x1000;
	v32 =	vld [tilespmem:s31+$0x260];
	v13 =	vimm.f32 $0.0e+00;
	v31 =	vmul.f32 v15, v15;
	v15 =	vimm.f32 $0.0e+00  }
.LBB2_2:
0x5f: {  	p0 =	sne.s32 s0, $0xF000;
	v37 =	vld [tilespmem:s31+$0x270];
	v38 =	vmul.f32 v24, v24;
	v23 =	vadd.f32 v23, v34;
	v21 =	vadd.f32 v21, v33  }
0x60: {  	v33 =	vmul.f32 v25, v25;
	v34 =	vld [tilespmem:s31+$0x2E0];
	v22 =	vadd.f32 v22, v36;
	v20 =	vadd.f32 v20, v35  }
0x61: {  	v35 =	vmul.f32 v26, v26;
	v36 =	vld [tilespmem:s31+$0x2F0];
	v19 =	vadd.f32 v19, v23;
	v17 =	vadd.f32 v17, v21  }
0x62: {  	v21 =	vmul.f32 v27, v27;
	v23 =	vld [tilespmem:s31+$0x360];
	v18 =	vadd.f32 v18, v22;
	v16 =	vadd.f32 v16, v20  }
0x63: {  	v20 =	vmul.f32 v32, v32;
	v22 =	vld [tilespmem:s31+$0x370];
	v24 =	vadd.f32 v12, v19;
	v25 =	vadd.f32 v11, v17  }
0x64: {  	v11 =	vmul.f32 v37, v37;
	v12 =	vld [tilespmem:s31+$0x3E0];
	v26 =	vadd.f32 v10, v18;
	v27 =	vadd.f32 v9, v16  }
0x65: {  	v5 =	vadd.f32 v35, v5;
	v9 =	vadd.f32 v21, v15;
	v10 =	vmul.f32 v34, v34;
	v15 =	vld [tilespmem:s31+$0x3F0]  }
0x66: {  	v14 =	vadd.f32 v20, v14;
	v11 =	vadd.f32 v11, v13;
	v13 =	vmul.f32 v36, v36;
	v16 =	vld [tilespmem:s31+$0x460]  }
0x67: {  	v5 =	vadd.f32 v38, v5;
	v9 =	vadd.f32 v33, v9;
	v17 =	vmul.f32 v23, v23;
	v18 =	vld [tilespmem:s31+$0x470]  }
0x68: {  	v10 =	vadd.f32 v10, v14;
	v11 =	vadd.f32 v13, v11;
	v13 =	vmul.f32 v22, v22;
	v14 =	vld [tilespmem:s31+$0x4E0]  }
0x69: {  	v5 =	vadd.f32 v30, v5;
	v9 =	vadd.f32 v31, v9;
	v12 =	vmul.f32 v12, v12;
	v19 =	vld [tilespmem:s31+$0x4F0]  }
0x6a: {  	v10 =	vadd.f32 v17, v10;
	v11 =	vadd.f32 v13, v11;
	v13 =	vmul.f32 v15, v15;
	v15 =	vld [tilespmem:s31+$0x560]  }
0x6b: {  	v5 =	vadd.f32 v28, v5;
	v9 =	vadd.f32 v29, v9;
	v16 =	vmul.f32 v16, v16;
	v17 =	vld [tilespmem:s31+$0x570]  }
0x6c: {  	v10 =	vadd.f32 v12, v10;
	v11 =	vadd.f32 v13, v11;
	v12 =	vmul.f32 v18, v18;
	v13 =	vld [tilespmem:s31+$0x5E0]  }
0x6d: {  	v1 =	vadd.f32 v1, v5;
	v0 =	vadd.f32 v0, v9;
	v5 =	vmul.f32 v14, v14;
	v9 =	vld [tilespmem:s31+$0x5F0];
	s31 =	sshra.s32 s0, $0x2  }
0x6e: {  	v10 =	vadd.f32 v16, v10;
	v18 =	vld [tilespmem:s31+$0x580];
	v11 =	vadd.f32 v12, v11;
	v12 =	vmul.f32 v19, v19  }
0x6f: {  	v1 =	vadd.f32 v4, v1;
	v0 =	vadd.f32 v8, v0;
	v16 =	vld [tilespmem:s31+$0x590];
	v4 =	vmul.f32 v15, v15  }
0x70: {  	v5 =	vadd.f32 v5, v10;
	v8 =	vld [tilespmem:s31+$0x5A0];
	v10 =	vadd.f32 v12, v11;
	v11 =	vmul.f32 v17, v17  }
0x71: {  	v1 =	vadd.f32 v7, v1;
	v0 =	vadd.f32 v6, v0;
	v17 =	vld [tilespmem:s31+$0x5B0];
	v6 =	vmul.f32 v13, v13  }
0x72: {  	v4 =	vadd.f32 v4, v5;
	v7 =	vld [tilespmem:s31+$0x5C0];
	v10 =	vadd.f32 v11, v10;
	v9 =	vmul.f32 v9, v9  }
0x73: {  	v5 =	vadd.f32 v3, v1;
	v15 =	vadd.f32 v2, v0;
	v19 =	vld [tilespmem:s31+$0x5D0]  }
0x74: {  	v14 =	vadd.f32 v6, v4;
	v0 =	vld [tilespmem:s31+$0x500];
	v13 =	vadd.f32 v9, v10  }
0x75: {  	v1 =	vld [tilespmem:s31+$0x510]  }
0x76: {  	v4 =	vld [tilespmem:s31+$0x520]  }
0x77: {  	v6 =	vld [tilespmem:s31+$0x530]  }
0x78: {  	v20 =	vld [tilespmem:s31+$0x540]  }
0x79: {  	v21 =	vld [tilespmem:s31+$0x550]  }
0x7a: {  	v22 =	vld [tilespmem:s31+$0x480]  }
0x7b: {  	v28 =	vld [tilespmem:s31+$0x490]  }
0x7c: {  	v29 =	vld [tilespmem:s31+$0x4A0]  }
0x7d: {  	v30 =	vld [tilespmem:s31+$0x4B0]  }
0x7e: {  	v31 =	vld [tilespmem:s31+$0x4C0]  }
0x7f: {  	v32 =	vld [tilespmem:s31+$0x4D0]  }
0x80: {  	v33 =	vld [tilespmem:s31+$0x400]  }
0x81: {  	v34 =	vld [tilespmem:s31+$0x410]  }
0x82: {  	v35 =	vld [tilespmem:s31+$0x420]  }
0x83: {  	v36 =	vld [tilespmem:s31+$0x430]  }
0x84: {  	v12 =	vmul.f32 v18, v18;
	v11 =	vmul.f32 v16, v16;
	v37 =	vld [tilespmem:s31+$0x440]  }
0x85: {  	v10 =	vmul.f32 v8, v8;
	v9 =	vmul.f32 v17, v17;
	v38 =	vld [tilespmem:s31+$0x450]  }
0x86: {  	v3 =	vmul.f32 v7, v7;
	v2 =	vmul.f32 v19, v19;
	v39 =	vld [tilespmem:s31+$0x380]  }
0x87: {  	v19 =	vmul.f32 v0, v0;
	v17 =	vmul.f32 v1, v1;
	v40 =	vld [tilespmem:s31+$0x390]  }
0x88: {  	v18 =	vmul.f32 v4, v4;
	v16 =	vmul.f32 v6, v6;
	v41 =	vld [tilespmem:s31+$0x300]  }
0x89: {  	v7 =	vmul.f32 v20, v20;
	v6 =	vmul.f32 v21, v21;
	v42 =	vld [tilespmem:s31+$0x310]  }
0x8a: {  	v23 =	vmul.f32 v22, v22;
	v21 =	vmul.f32 v28, v28;
	v43 =	vld [tilespmem:s31+$0x280]  }
0x8b: {  	v22 =	vmul.f32 v29, v29;
	v20 =	vmul.f32 v30, v30;
	v28 =	vld [tilespmem:s31+$0x290]  }
0x8c: {  	v4 =	vmul.f32 v31, v31;
	v8 =	vmul.f32 v32, v32;
	v29 =	vld [tilespmem:s31+$0x200]  }
0x8d: {  	v31 =	vmul.f32 v33, v33;
	v32 =	vmul.f32 v34, v34;
	v30 =	vld [tilespmem:s31+$0x210]  }
0x8e: {  	v35 =	vmul.f32 v35, v35;
	v44 =	vmul.f32 v36, v36;
	v33 =	vld [tilespmem:s31+$0x220]  }
0x8f: {  	v1 =	vmul.f32 v37, v37;
	v0 =	vmul.f32 v38, v38;
	v34 =	vld [tilespmem:s31+$0x230]  }
0x90: {  	v37 =	vmul.f32 v39, v39;
	v38 =	vmul.f32 v40, v40;
	v36 =	vld [tilespmem:s31+$0x2A0]  }
0x91: {  	v40 =	vmul.f32 v41, v41;
	v41 =	vmul.f32 v42, v42;
	v39 =	vld [tilespmem:s31+$0x2B0]  }
0x92: {  	v42 =	vmul.f32 v43, v43;
	v28 =	vmul.f32 v28, v28;
	v43 =	vld [tilespmem:s31+$0x320]  }
0x93: {  	v29 =	vmul.f32 v29, v29;
	v30 =	vmul.f32 v30, v30;
	v45 =	vld [tilespmem:s31+$0x330]  }
0x94: {  	v33 =	vmul.f32 v33, v33;
	v34 =	vmul.f32 v34, v34;
	v46 =	vld [tilespmem:s31+$0x3A0]  }
0x95: {  	v24 =	vadd.f32 v29, v24;
	v25 =	vadd.f32 v30, v25;
	v29 =	vmul.f32 v36, v36;
	v30 =	vld [tilespmem:s31+$0x3B0]  }
0x96: {  	v26 =	vadd.f32 v33, v26;
	v27 =	vadd.f32 v34, v27;
	v33 =	vmul.f32 v39, v39;
	v34 =	vld [tilespmem:s31+$0x3C0]  }
0x97: {  	v24 =	vadd.f32 v42, v24;
	v25 =	vadd.f32 v28, v25;
	v28 =	vmul.f32 v43, v43;
	v36 =	vld [tilespmem:s31+$0x3D0]  }
0x98: {  	v26 =	vadd.f32 v29, v26;
	v27 =	vadd.f32 v33, v27;
	v29 =	vmul.f32 v45, v45;
	v33 =	vld [tilespmem:s31+$0x340]  }
0x99: {  	v39 =	vadd.f32 v40, v24;
	v40 =	vadd.f32 v41, v25;
	v41 =	vld [tilespmem:s31+$0x350];
	v42 =	vmul.f32 v46, v46  }
.Ltmp0:
0x9a: {  	v43 =	vadd.f32 v28, v26;
	v24 =	vld [tilespmem:s31+$0x2C0];
	v27 =	vadd.f32 v29, v27;
	v29 =	vmul.f32 v30, v30;
	(pc) =	sbr.rel @p0 .LBB2_2-.Ltmp0, $4  }
0x9b: {  	v37 =	vadd.f32 v37, v39;
	v38 =	vadd.f32 v38, v40;
	v25 =	vld [tilespmem:s31+$0x2D0];
	v28 =	vmul.f32 v34, v34  }
0x9c: {  	v39 =	vadd.f32 v42, v43;
	v26 =	vld [tilespmem:s31+$0x240];
	v40 =	vadd.f32 v29, v27;
	v29 =	vmul.f32 v36, v36  }
0x9d: {  	v34 =	vadd.f32 v31, v37;
	v27 =	vld [tilespmem:s31+$0x250];
	v30 =	vmul.f32 v33, v33;
	v33 =	vadd.f32 v32, v38  }
0x9e: {  	s0 =	sadd.s32 $0x1000, s0;
	v36 =	vadd.f32 v35, v39;
	v32 =	vld [tilespmem:s31+$0x260];
	v31 =	vmul.f32 v41, v41;
	v35 =	vadd.f32 v44, v40  }
0x9f: {  	v37 =	vld [tilespmem:s31+$0x270]  }
0xa0: {  	v38 =	vld [tilespmem:s31+$0x2E0]  }
0xa1: {  	v39 =	vld [tilespmem:s31+$0x2F0]  }
0xa2: {  	v40 =	vld [tilespmem:s31+$0x360]  }
0xa3: {  	v41 =	vld [tilespmem:s31+$0x370]  }
0xa4: {  	v42 =	vld [tilespmem:s31+$0x3E0]  }
0xa5: {  	v43 =	vld [tilespmem:s31+$0x3F0]  }
0xa6: {  	v44 =	vld [tilespmem:s31+$0x460]  }
0xa7: {  	v45 =	vld [tilespmem:s31+$0x470]  }
0xa8: {  	v46 =	vld [tilespmem:s31+$0x4E0]  }
0xa9: {  	v47 =	vld [tilespmem:s31+$0x4F0]  }
0xaa: {  	v48 =	vld [tilespmem:s31+$0x560]  }
0xab: {  	v49 =	vld [tilespmem:s31+$0x570]  }
0xac: {  	v50 =	vld [tilespmem:s31+$0x5E0];
	s0 =	simm.s32 $0x0  }
0xad: {  	v51 =	vld [tilespmem:s31+$0x5F0];
	[tilespmem:s13], [sflag:$0x1] =	stream.linear.gather [hbm4b:s10+s0], $0x4000, $0x38  }
0xae: {  	_ =	swait.ge [sflag:s23], $0x4000  }
0xaf: {  	[sflag:s23] =	ssyncset.done $0x0  }
0xb0: {  	[sflag:s23] =	ssyncadd.s32 $0xFFFFC000  }
0xb1: {  	[tilespmem:s15], [sflag:$0x6] =	stream.indirect.gather.add.f32 [spmem:s2], $0x80, s24, s20, $0xb8;
	[tilespmem:$0xE280] =	vst v63  }
0xb2: {  	_ =	swait.ge [sflag:s25], $0x4000  }
0xb3: {  	[sflag:s25] =	ssyncset.done $0x0  }
0xb4: {  	s31 =	simm.s32 $0x0;
	[sflag:s25] =	ssyncadd.s32 $0xFFFFC000  }
0xb5: {  	v52 =	vld [tilespmem:s31+$0x4580]  }
0xb6: {  	v53 =	vld [tilespmem:s31+$0x4590]  }
0xb7: {  	v54 =	vld [tilespmem:s31+$0x45A0]  }
0xb8: {  	v55 =	vld [tilespmem:s31+$0x45B0]  }
0xb9: {  	v23 =	vadd.f32 v23, v34;
	v21 =	vadd.f32 v21, v33;
	v63 =	vld [tilespmem:s31+$0x45C0]  }
0xba: {  	v22 =	vadd.f32 v22, v36;
	v20 =	vadd.f32 v20, v35;
	v56 =	vld [tilespmem:s31+$0x45D0]  }
0xbb: {  	v19 =	vadd.f32 v19, v23;
	v17 =	vadd.f32 v17, v21;
	v23 =	vld [tilespmem:s31+$0x4500]  }
0xbc: {  	v18 =	vadd.f32 v18, v22;
	v16 =	vadd.f32 v16, v20;
	v21 =	vld [tilespmem:s31+$0x4510]  }
0xbd: {  	v20 =	vmul.f32 v27, v27;
	v35 =	vadd.f32 v12, v19;
	v19 =	vmul.f32 v26, v26;
	v12 =	vld [tilespmem:s31+$0x4520]  }
0xbe: {  	v26 =	vadd.f32 v11, v17;
	v17 =	vmul.f32 v24, v24;
	v27 =	vadd.f32 v10, v18;
	v11 =	vld [tilespmem:s31+$0x4530]  }
0xbf: {  	v10 =	vmul.f32 v32, v32;
	v32 =	vadd.f32 v9, v16;
	v16 =	vmul.f32 v37, v37;
	v9 =	vld [tilespmem:s31+$0x4540]  }
0xc0: {  	v15 =	vadd.f32 v20, v15;
	v18 =	vmul.f32 v25, v25;
	v57 =	vmul.f32 v47, v47;
	v20 =	vld [tilespmem:s31+$0x4550]  }
0xc1: {  	v5 =	vadd.f32 v19, v5;
	v19 =	vmul.f32 v45, v45;
	v10 =	vadd.f32 v10, v14;
	v22 =	vld [tilespmem:s31+$0x4480]  }
0xc2: {  	v14 =	vmul.f32 v38, v38;
	v13 =	vadd.f32 v16, v13;
	v16 =	vmul.f32 v39, v39;
	v24 =	vld [tilespmem:s31+$0x4490]  }
0xc3: {  	v15 =	vadd.f32 v18, v15;
	v5 =	vadd.f32 v17, v5;
	v17 =	vmul.f32 v42, v42;
	v25 =	vld [tilespmem:s31+$0x44A0]  }
0xc4: {  	v42 =	vmul.f32 v50, v50;
	v10 =	vadd.f32 v14, v10;
	v14 =	vmul.f32 v40, v40;
	v36 =	vld [tilespmem:s31+$0x44B0]  }
0xc5: {  	v13 =	vadd.f32 v16, v13;
	v16 =	vmul.f32 v41, v41;
	v15 =	vadd.f32 v31, v15;
	v31 =	vld [tilespmem:s31+$0x44D0]  }
0xc6: {  	v37 =	vld [tilespmem:s31+$0x4400];
	v40 =	vmul.f32 v49, v49;
	v5 =	vadd.f32 v30, v5;
	v10 =	vadd.f32 v14, v10  }
0xc7: {  	v58 =	vld [tilespmem:s31+$0x4410];
	v14 =	vmul.f32 v43, v43;
	v13 =	vadd.f32 v16, v13;
	v16 =	vmul.f32 v44, v44  }
0xc8: {  	v41 =	vld [tilespmem:s31+$0x4420];
	v18 =	vadd.f32 v29, v15;
	v29 =	vmul.f32 v48, v48;
	v43 =	vmul.f32 v51, v51  }
0xc9: {  	v60 =	vld [tilespmem:s31+$0x4450];
	v5 =	vadd.f32 v28, v5;
	v28 =	vmul.f32 v46, v46;
	v17 =	vadd.f32 v17, v10  }
0xca: {  	v62 =	vld [tilespmem:s31+$0x4380];
	v59 =	vadd.f32 v14, v13;
	v15 =	vmul.f32 v52, v52;
	v13 =	vmul.f32 v53, v53  }
0xcb: {  	v30 =	vld [tilespmem:s31+$0x44C0];
	v61 =	vadd.f32 v0, v18;
	v14 =	vmul.f32 v54, v54;
	v10 =	vmul.f32 v55, v55  }
0xcc: {  	v44 =	vld [tilespmem:s31+$0x4430];
	v5 =	vadd.f32 v1, v5;
	v1 =	vmul.f32 v63, v63;
	v0 =	vmul.f32 v56, v56  }
0xcd: {  	v46 =	vld [tilespmem:s31+$0x4440];
	v18 =	vmul.f32 v23, v23;
	v22 =	vmul.f32 v22, v22  }
0xce: {  	v54 =	vld [tilespmem:s31+$0x4390];
	v23 =	vmul.f32 v25, v25;
	v39 =	vmul.f32 v41, v41;
	v63 =	vadd.f32 v16, v17  }
0xcf: {  	v55 =	vld [tilespmem:s31+$0x4300];
	v16 =	vmul.f32 v21, v21;
	v45 =	vadd.f32 v19, v59;
	v19 =	vmul.f32 v12, v12  }
0xd0: {  	v56 =	vld [tilespmem:s31+$0x4280];
	v17 =	vmul.f32 v11, v11;
	v21 =	vmul.f32 v36, v36  }
0xd1: {  	v12 =	vld [tilespmem:s31+$0x4310];
	v48 =	vadd.f32 v8, v61;
	v8 =	vmul.f32 v31, v31;
	v31 =	vmul.f32 v37, v37  }
0xd2: {  	v36 =	vmul.f32 v58, v58;
	v59 =	vld [tilespmem:s31+$0x4220];
	v11 =	vadd.f32 v4, v5;
	v5 =	vmul.f32 v9, v9  }
0xd3: {  	v4 =	vmul.f32 v20, v20;
	v9 =	vmul.f32 v30, v30;
	v30 =	vld [tilespmem:s31+$0x4210]  }
0xd4: {  	v20 =	vmul.f32 v24, v24;
	v41 =	vmul.f32 v44, v44;
	v24 =	vadd.f32 v28, v63;
	v28 =	vld [tilespmem:s31+$0x4290]  }
0xd5: {  	v44 =	vmul.f32 v62, v62;
	v25 =	vadd.f32 v57, v45;
	v57 =	vld [tilespmem:s31+$0x4200];
	v58 =	vadd.f32 v6, v48  }
0xd6: {  	v6 =	vmul.f32 v60, v60;
	v11 =	vadd.f32 v7, v11;
	v24 =	vadd.f32 v29, v24;
	v29 =	vld [tilespmem:s31+$0x4230]  }
0xd7: {  	v60 =	vld [tilespmem:s31+$0x42A0];
	v25 =	vadd.f32 v40, v25;
	v34 =	vmul.f32 v54, v54;
	v62 =	vmul.f32 v55, v55  }
0xd8: {  	v61 =	vld [tilespmem:s31+$0x42B0];
	v52 =	vmul.f32 v56, v56;
	v3 =	vadd.f32 v3, v11;
	v63 =	vmul.f32 v12, v12  }
0xd9: {  	v53 =	vld [tilespmem:s31+$0x4320];
	v11 =	vadd.f32 v2, v58;
	v2 =	vadd.f32 v42, v24;
	v30 =	vmul.f32 v30, v30  }
0xda: {  	v54 =	vld [tilespmem:s31+$0x4330];
	v12 =	vadd.f32 v43, v25;
	v25 =	vmul.f32 v59, v59;
	v24 =	vmul.f32 v57, v57  }
0xdb: {  	v55 =	vld [tilespmem:s31+$0x43A0];
	v28 =	vmul.f32 v28, v28;
	v26 =	vadd.f32 v30, v26;
	v29 =	vmul.f32 v29, v29  }
0xdc: {  	v56 =	vld [tilespmem:s31+$0x43B0];
	v30 =	vmul.f32 v60, v60;
	v25 =	vadd.f32 v25, v27;
	v24 =	vadd.f32 v24, v35  }
0xdd: {  	v57 =	vld [tilespmem:s31+$0x43C0];
	v26 =	vadd.f32 v28, v26;
	v27 =	vadd.f32 v29, v32;
	v29 =	vmul.f32 v61, v61  }
0xde: {  	v7 =	vmul.f32 v46, v46;
	v25 =	vadd.f32 v30, v25;
	v30 =	vld [tilespmem:s31+$0x4340];
	v24 =	vadd.f32 v52, v24  }
0xdf: {  	v58 =	vld [tilespmem:s31+$0x43D0];
	v28 =	vmul.f32 v53, v53;
	v27 =	vadd.f32 v29, v27;
	v29 =	vmul.f32 v54, v54  }
0xe0: {  	v60 =	vld [tilespmem:s31+$0x4350];
	v38 =	vmul.f32 v55, v55;
	v26 =	vadd.f32 v63, v26;
	v59 =	vadd.f32 v62, v24  }
0xe1: {  	v61 =	vadd.f32 v28, v25;
	v24 =	vld [tilespmem:s31+$0x42C0];
	v27 =	vadd.f32 v29, v27;
	v29 =	vmul.f32 v56, v56  }
0xe2: {  	v25 =	vld [tilespmem:s31+$0x42D0];
	v28 =	vmul.f32 v57, v57;
	v62 =	vadd.f32 v34, v26;
	v33 =	vadd.f32 v44, v59  }
0xe3: {  	v26 =	vld [tilespmem:s31+$0x4240];
	v38 =	vadd.f32 v38, v61;
	v30 =	vmul.f32 v30, v30;
	v63 =	vadd.f32 v29, v27  }
0xe4: {  	v29 =	vmul.f32 v58, v58;
	v27 =	vld [tilespmem:s31+$0x4250];
	v34 =	vadd.f32 v31, v33;
	v33 =	vadd.f32 v36, v62  }
0xe5: {  	s0 =	simm.s32 $0x1000;
	v32 =	vld [tilespmem:s31+$0x4260];
	v31 =	vmul.f32 v60, v60;
	v36 =	vadd.f32 v39, v38;
	v35 =	vadd.f32 v41, v63  }
.LBB2_4:
0xe6: {  	p0 =	sne.s32 s0, $0xF000;
	v37 =	vld [tilespmem:s31+$0x4270];
	v38 =	vmul.f32 v24, v24;
	v22 =	vadd.f32 v22, v34;
	v20 =	vadd.f32 v20, v33  }
0xe7: {  	v33 =	vmul.f32 v25, v25;
	v34 =	vld [tilespmem:s31+$0x42E0];
	v23 =	vadd.f32 v23, v36;
	v21 =	vadd.f32 v21, v35  }
0xe8: {  	v35 =	vmul.f32 v26, v26;
	v36 =	vld [tilespmem:s31+$0x42F0];
	v18 =	vadd.f32 v18, v22;
	v16 =	vadd.f32 v16, v20  }
0xe9: {  	v20 =	vmul.f32 v27, v27;
	v22 =	vld [tilespmem:s31+$0x4360];
	v19 =	vadd.f32 v19, v23;
	v17 =	vadd.f32 v17, v21  }
0xea: {  	v21 =	vmul.f32 v32, v32;
	v23 =	vld [tilespmem:s31+$0x4370];
	v24 =	vadd.f32 v15, v18;
	v25 =	vadd.f32 v13, v16  }
0xeb: {  	v13 =	vmul.f32 v37, v37;
	v15 =	vld [tilespmem:s31+$0x43E0];
	v26 =	vadd.f32 v14, v19;
	v27 =	vadd.f32 v10, v17  }
0xec: {  	v3 =	vadd.f32 v35, v3;
	v10 =	vadd.f32 v20, v11;
	v11 =	vmul.f32 v34, v34;
	v14 =	vld [tilespmem:s31+$0x43F0]  }
0xed: {  	v2 =	vadd.f32 v21, v2;
	v12 =	vadd.f32 v13, v12;
	v13 =	vmul.f32 v36, v36;
	v16 =	vld [tilespmem:s31+$0x4460]  }
0xee: {  	v3 =	vadd.f32 v38, v3;
	v10 =	vadd.f32 v33, v10;
	v17 =	vmul.f32 v22, v22;
	v18 =	vld [tilespmem:s31+$0x4470]  }
0xef: {  	v2 =	vadd.f32 v11, v2;
	v11 =	vadd.f32 v13, v12;
	v12 =	vmul.f32 v23, v23;
	v13 =	vld [tilespmem:s31+$0x44E0]  }
0xf0: {  	v3 =	vadd.f32 v30, v3;
	v10 =	vadd.f32 v31, v10;
	v15 =	vmul.f32 v15, v15;
	v19 =	vld [tilespmem:s31+$0x44F0]  }
0xf1: {  	v2 =	vadd.f32 v17, v2;
	v11 =	vadd.f32 v12, v11;
	v12 =	vmul.f32 v14, v14;
	v14 =	vld [tilespmem:s31+$0x4560]  }
0xf2: {  	v3 =	vadd.f32 v28, v3;
	v10 =	vadd.f32 v29, v10;
	v16 =	vmul.f32 v16, v16;
	v17 =	vld [tilespmem:s31+$0x4570]  }
0xf3: {  	v2 =	vadd.f32 v15, v2;
	v11 =	vadd.f32 v12, v11;
	v12 =	vmul.f32 v18, v18;
	v15 =	vld [tilespmem:s31+$0x45E0]  }
0xf4: {  	v3 =	vadd.f32 v7, v3;
	v6 =	vadd.f32 v6, v10;
	v7 =	vmul.f32 v13, v13;
	v10 =	vld [tilespmem:s31+$0x45F0];
	s31 =	sshra.s32 s0, $0x2  }
0xf5: {  	v2 =	vadd.f32 v16, v2;
	v13 =	vld [tilespmem:s31+$0x4580];
	v11 =	vadd.f32 v12, v11;
	v12 =	vmul.f32 v19, v19  }
0xf6: {  	v3 =	vadd.f32 v9, v3;
	v6 =	vadd.f32 v8, v6;
	v16 =	vld [tilespmem:s31+$0x4590];
	v8 =	vmul.f32 v14, v14  }
0xf7: {  	v2 =	vadd.f32 v7, v2;
	v9 =	vld [tilespmem:s31+$0x45A0];
	v7 =	vadd.f32 v12, v11;
	v11 =	vmul.f32 v17, v17  }
0xf8: {  	v3 =	vadd.f32 v5, v3;
	v4 =	vadd.f32 v4, v6;
	v17 =	vld [tilespmem:s31+$0x45B0];
	v5 =	vmul.f32 v15, v15  }
0xf9: {  	v2 =	vadd.f32 v8, v2;
	v6 =	vld [tilespmem:s31+$0x45C0];
	v7 =	vadd.f32 v11, v7;
	v8 =	vmul.f32 v10, v10  }
0xfa: {  	v3 =	vadd.f32 v1, v3;
	v11 =	vadd.f32 v0, v4;
	v18 =	vld [tilespmem:s31+$0x45D0]  }
0xfb: {  	v2 =	vadd.f32 v5, v2;
	v4 =	vld [tilespmem:s31+$0x4500];
	v12 =	vadd.f32 v8, v7  }
0xfc: {  	v5 =	vld [tilespmem:s31+$0x4510]  }
0xfd: {  	v7 =	vld [tilespmem:s31+$0x4520]  }
0xfe: {  	v8 =	vld [tilespmem:s31+$0x4530]  }
0xff: {  	v20 =	vld [tilespmem:s31+$0x4540]  }
0x100: {  	v21 =	vld [tilespmem:s31+$0x4550]  }
0x101: {  	v22 =	vld [tilespmem:s31+$0x4480]  }
0x102: {  	v23 =	vld [tilespmem:s31+$0x4490]  }
0x103: {  	v28 =	vld [tilespmem:s31+$0x44A0]  }
0x104: {  	v29 =	vld [tilespmem:s31+$0x44B0]  }
0x105: {  	v30 =	vld [tilespmem:s31+$0x44C0]  }
0x106: {  	v31 =	vld [tilespmem:s31+$0x44D0]  }
0x107: {  	v32 =	vld [tilespmem:s31+$0x4400]  }
0x108: {  	v33 =	vld [tilespmem:s31+$0x4410]  }
0x109: {  	v34 =	vld [tilespmem:s31+$0x4420]  }
0x10a: {  	v35 =	vld [tilespmem:s31+$0x4430]  }
0x10b: {  	v15 =	vmul.f32 v13, v13;
	v13 =	vmul.f32 v16, v16;
	v36 =	vld [tilespmem:s31+$0x4440]  }
0x10c: {  	v14 =	vmul.f32 v9, v9;
	v10 =	vmul.f32 v17, v17;
	v37 =	vld [tilespmem:s31+$0x4450]  }
0x10d: {  	v1 =	vmul.f32 v6, v6;
	v0 =	vmul.f32 v18, v18;
	v38 =	vld [tilespmem:s31+$0x4380]  }
0x10e: {  	v18 =	vmul.f32 v4, v4;
	v16 =	vmul.f32 v5, v5;
	v39 =	vld [tilespmem:s31+$0x4390]  }
0x10f: {  	v19 =	vmul.f32 v7, v7;
	v17 =	vmul.f32 v8, v8;
	v40 =	vld [tilespmem:s31+$0x4300]  }
0x110: {  	v5 =	vmul.f32 v20, v20;
	v4 =	vmul.f32 v21, v21;
	v41 =	vld [tilespmem:s31+$0x4310]  }
0x111: {  	v22 =	vmul.f32 v22, v22;
	v20 =	vmul.f32 v23, v23;
	v42 =	vld [tilespmem:s31+$0x4280]  }
0x112: {  	v23 =	vmul.f32 v28, v28;
	v21 =	vmul.f32 v29, v29;
	v43 =	vld [tilespmem:s31+$0x4290]  }
0x113: {  	v9 =	vmul.f32 v30, v30;
	v8 =	vmul.f32 v31, v31;
	v28 =	vld [tilespmem:s31+$0x4200]  }
0x114: {  	v31 =	vmul.f32 v32, v32;
	v32 =	vmul.f32 v33, v33;
	v29 =	vld [tilespmem:s31+$0x4210]  }
0x115: {  	v44 =	vmul.f32 v34, v34;
	v35 =	vmul.f32 v35, v35;
	v30 =	vld [tilespmem:s31+$0x4220]  }
0x116: {  	v7 =	vmul.f32 v36, v36;
	v6 =	vmul.f32 v37, v37;
	v33 =	vld [tilespmem:s31+$0x4230]  }
0x117: {  	v36 =	vmul.f32 v38, v38;
	v37 =	vmul.f32 v39, v39;
	v34 =	vld [tilespmem:s31+$0x42A0]  }
0x118: {  	v39 =	vmul.f32 v40, v40;
	v40 =	vmul.f32 v41, v41;
	v38 =	vld [tilespmem:s31+$0x42B0]  }
0x119: {  	v41 =	vmul.f32 v42, v42;
	v42 =	vmul.f32 v43, v43;
	v43 =	vld [tilespmem:s31+$0x4320]  }
0x11a: {  	v28 =	vmul.f32 v28, v28;
	v29 =	vmul.f32 v29, v29;
	v45 =	vld [tilespmem:s31+$0x4330]  }
0x11b: {  	v30 =	vmul.f32 v30, v30;
	v33 =	vmul.f32 v33, v33;
	v46 =	vld [tilespmem:s31+$0x43A0]  }
0x11c: {  	v24 =	vadd.f32 v28, v24;
	v25 =	vadd.f32 v29, v25;
	v28 =	vmul.f32 v34, v34;
	v29 =	vld [tilespmem:s31+$0x43B0]  }
0x11d: {  	v26 =	vadd.f32 v30, v26;
	v27 =	vadd.f32 v33, v27;
	v30 =	vmul.f32 v38, v38;
	v33 =	vld [tilespmem:s31+$0x43C0]  }
0x11e: {  	v24 =	vadd.f32 v41, v24;
	v25 =	vadd.f32 v42, v25;
	v34 =	vmul.f32 v43, v43;
	v38 =	vld [tilespmem:s31+$0x43D0]  }
0x11f: {  	v26 =	vadd.f32 v28, v26;
	v27 =	vadd.f32 v30, v27;
	v28 =	vmul.f32 v45, v45;
	v30 =	vld [tilespmem:s31+$0x4340]  }
0x120: {  	v39 =	vadd.f32 v39, v24;
	v40 =	vadd.f32 v40, v25;
	v41 =	vld [tilespmem:s31+$0x4350];
	v42 =	vmul.f32 v46, v46  }
.Ltmp1:
0x121: {  	v34 =	vadd.f32 v34, v26;
	v24 =	vld [tilespmem:s31+$0x42C0];
	v27 =	vadd.f32 v28, v27;
	v29 =	vmul.f32 v29, v29;
	(pc) =	sbr.rel @p0 .LBB2_4-.Ltmp1, $4  }
0x122: {  	v36 =	vadd.f32 v36, v39;
	v37 =	vadd.f32 v37, v40;
	v25 =	vld [tilespmem:s31+$0x42D0];
	v28 =	vmul.f32 v33, v33  }
0x123: {  	v39 =	vadd.f32 v42, v34;
	v26 =	vld [tilespmem:s31+$0x4240];
	v40 =	vadd.f32 v29, v27;
	v29 =	vmul.f32 v38, v38  }
0x124: {  	v34 =	vadd.f32 v31, v36;
	v33 =	vadd.f32 v32, v37;
	v27 =	vld [tilespmem:s31+$0x4250];
	v30 =	vmul.f32 v30, v30  }
0x125: {  	s0 =	sadd.s32 $0x1000, s0;
	v36 =	vadd.f32 v44, v39;
	v32 =	vld [tilespmem:s31+$0x4260];
	v31 =	vmul.f32 v41, v41;
	v35 =	vadd.f32 v35, v40  }
0x126: {  	v37 =	vld [tilespmem:s31+$0x4270]  }
0x127: {  	v38 =	vld [tilespmem:s31+$0x42E0]  }
0x128: {  	v39 =	vld [tilespmem:s31+$0x42F0]  }
0x129: {  	v40 =	vld [tilespmem:s31+$0x4360]  }
0x12a: {  	v41 =	vld [tilespmem:s31+$0x4370]  }
0x12b: {  	v42 =	vld [tilespmem:s31+$0x43E0]  }
0x12c: {  	v43 =	vld [tilespmem:s31+$0x43F0]  }
0x12d: {  	v44 =	vld [tilespmem:s31+$0x4460]  }
0x12e: {  	v45 =	vld [tilespmem:s31+$0x4470]  }
0x12f: {  	v46 =	vld [tilespmem:s31+$0x44E0]  }
0x130: {  	v47 =	vld [tilespmem:s31+$0x44F0]  }
0x131: {  	v48 =	vld [tilespmem:s31+$0x4560]  }
0x132: {  	v49 =	vld [tilespmem:s31+$0x4570]  }
0x133: {  	v50 =	vld [tilespmem:s31+$0x45E0]  }
0x134: {  	v51 =	vld [tilespmem:s31+$0x45F0];
	_ =	swait.ge [sflag:s19], $0x4000  }
0x135: {  	[sflag:s19] =	ssyncset.done $0x0  }
0x136: {  	[sflag:s19] =	ssyncadd.s32 $0xFFFFC000  }
0x137: {  	[tilespmem:s13], [sflag:$0x4] =	stream.indirect.gather.add.f32 [spmem:s2], $0x80, s26, s20, $0xb8;
	[tilespmem:$0xE280] =	vst v63  }
0x138: {  	_ =	swait.ge [sflag:s28], $0x4000  }
0x139: {  	[sflag:s28] =	ssyncset.done $0x0  }
0x13a: {  	s31 =	simm.s32 $0x0;
	[sflag:s28] =	ssyncadd.s32 $0xFFFFC000  }
0x13b: {  	v52 =	vld [tilespmem:s31+$0x8580]  }
0x13c: {  	v53 =	vld [tilespmem:s31+$0x8590]  }
0x13d: {  	v54 =	vld [tilespmem:s31+$0x85A0]  }
0x13e: {  	v22 =	vadd.f32 v22, v34;
	v20 =	vadd.f32 v20, v33;
	v55 =	vld [tilespmem:s31+$0x85B0]  }
0x13f: {  	v23 =	vadd.f32 v23, v36;
	v21 =	vadd.f32 v21, v35;
	v60 =	vld [tilespmem:s31+$0x85C0]  }
0x140: {  	v18 =	vadd.f32 v18, v22;
	v16 =	vadd.f32 v16, v20;
	v61 =	vld [tilespmem:s31+$0x85D0]  }
0x141: {  	v19 =	vadd.f32 v19, v23;
	v17 =	vadd.f32 v17, v21;
	v22 =	vld [tilespmem:s31+$0x8500]  }
0x142: {  	v35 =	vadd.f32 v15, v18;
	v15 =	vmul.f32 v26, v26;
	v18 =	vmul.f32 v27, v27;
	v20 =	vld [tilespmem:s31+$0x8510]  }
0x143: {  	v26 =	vadd.f32 v13, v16;
	v13 =	vmul.f32 v32, v32;
	v27 =	vadd.f32 v14, v19;
	v21 =	vld [tilespmem:s31+$0x8520]  }
0x144: {  	v32 =	vadd.f32 v10, v17;
	v10 =	vmul.f32 v37, v37;
	v14 =	vmul.f32 v24, v24;
	v23 =	vld [tilespmem:s31+$0x8530]  }
0x145: {  	v16 =	vmul.f32 v44, v44;
	v17 =	vmul.f32 v45, v45;
	v36 =	vld [tilespmem:s31+$0x8540]  }
0x146: {  	v44 =	vmul.f32 v50, v50;
	v45 =	vmul.f32 v51, v51;
	v62 =	vld [tilespmem:s31+$0x8550]  }
0x147: {  	v3 =	vadd.f32 v15, v3;
	v11 =	vadd.f32 v18, v11;
	v15 =	vmul.f32 v25, v25;
	v24 =	vld [tilespmem:s31+$0x8480]  }
0x148: {  	v2 =	vadd.f32 v13, v2;
	v13 =	vmul.f32 v38, v38;
	v10 =	vadd.f32 v10, v12;
	v25 =	vld [tilespmem:s31+$0x8490]  }
0x149: {  	v12 =	vmul.f32 v39, v39;
	v38 =	vld [tilespmem:s31+$0x84A0];
	v3 =	vadd.f32 v14, v3;
	v11 =	vadd.f32 v15, v11  }
0x14a: {  	v39 =	vld [tilespmem:s31+$0x8400];
	v2 =	vadd.f32 v13, v2;
	v13 =	vmul.f32 v40, v40;
	v14 =	vmul.f32 v41, v41  }
0x14b: {  	v63 =	vld [tilespmem:s31+$0x8410];
	v15 =	vmul.f32 v42, v42;
	v40 =	vmul.f32 v47, v47  }
0x14c: {  	v57 =	vld [tilespmem:s31+$0x8390];
	v42 =	vmul.f32 v49, v49;
	v3 =	vadd.f32 v30, v3;
	v11 =	vadd.f32 v31, v11  }
0x14d: {  	v59 =	vld [tilespmem:s31+$0x8300];
	v10 =	vadd.f32 v12, v10;
	v2 =	vadd.f32 v13, v2;
	v13 =	vmul.f32 v43, v43  }
0x14e: {  	v47 =	vld [tilespmem:s31+$0x8440];
	v3 =	vadd.f32 v28, v3;
	v28 =	vmul.f32 v46, v46;
	v11 =	vadd.f32 v29, v11  }
0x14f: {  	v49 =	vld [tilespmem:s31+$0x8380];
	v29 =	vmul.f32 v48, v48;
	v18 =	vadd.f32 v15, v2;
	v15 =	vmul.f32 v52, v52  }
0x150: {  	v12 =	vld [tilespmem:s31+$0x84B0];
	v10 =	vadd.f32 v14, v10;
	v14 =	vmul.f32 v54, v54;
	v2 =	vmul.f32 v61, v61  }
0x151: {  	v30 =	vld [tilespmem:s31+$0x84C0];
	v33 =	vmul.f32 v39, v39;
	v37 =	vmul.f32 v63, v63  }
0x152: {  	v31 =	vld [tilespmem:s31+$0x84D0];
	v34 =	vmul.f32 v57, v57;
	v52 =	vmul.f32 v59, v59  }
0x153: {  	v43 =	vld [tilespmem:s31+$0x8420];
	v19 =	vadd.f32 v13, v10;
	v13 =	vmul.f32 v53, v53;
	v10 =	vmul.f32 v55, v55  }
0x154: {  	v46 =	vld [tilespmem:s31+$0x8430];
	v50 =	vmul.f32 v49, v49;
	v7 =	vadd.f32 v7, v3;
	v3 =	vmul.f32 v60, v60  }
0x155: {  	v48 =	vld [tilespmem:s31+$0x8450];
	v56 =	vadd.f32 v16, v18;
	v18 =	vmul.f32 v22, v22;
	v16 =	vmul.f32 v20, v20  }
0x156: {  	v61 =	vld [tilespmem:s31+$0x8310];
	v11 =	vadd.f32 v6, v11;
	v6 =	vmul.f32 v62, v62;
	v22 =	vmul.f32 v24, v24  }
0x157: {  	v63 =	vld [tilespmem:s31+$0x8220];
	v20 =	vmul.f32 v25, v25;
	v58 =	vadd.f32 v17, v19;
	v19 =	vmul.f32 v21, v21  }
0x158: {  	v62 =	vld [tilespmem:s31+$0x8280];
	v17 =	vmul.f32 v23, v23;
	v23 =	vmul.f32 v38, v38  }
0x159: {  	v25 =	vld [tilespmem:s31+$0x8290];
	v21 =	vmul.f32 v12, v12;
	v39 =	vmul.f32 v43, v43;
	v60 =	vadd.f32 v9, v7  }
0x15a: {  	v7 =	vmul.f32 v36, v36;
	v11 =	vadd.f32 v8, v11;
	v24 =	vadd.f32 v28, v56;
	v28 =	vld [tilespmem:s31+$0x8200]  }
0x15b: {  	v9 =	vmul.f32 v30, v30;
	v8 =	vmul.f32 v31, v31;
	v31 =	vld [tilespmem:s31+$0x8210];
	v12 =	vadd.f32 v40, v58  }
0x15c: {  	v40 =	vmul.f32 v46, v46;
	v30 =	vadd.f32 v5, v60;
	v24 =	vadd.f32 v29, v24;
	v29 =	vld [tilespmem:s31+$0x8230]  }
0x15d: {  	v54 =	vmul.f32 v61, v61;
	v11 =	vadd.f32 v4, v11;
	v4 =	vmul.f32 v48, v48;
	v48 =	vld [tilespmem:s31+$0x82A0]  }
0x15e: {  	v38 =	vmul.f32 v63, v63;
	v5 =	vmul.f32 v47, v47;
	v1 =	vadd.f32 v1, v30;
	v30 =	vld [tilespmem:s31+$0x82B0]  }
0x15f: {  	v55 =	vld [tilespmem:s31+$0x8320];
	v12 =	vadd.f32 v42, v12;
	v36 =	vmul.f32 v62, v62;
	v11 =	vadd.f32 v0, v11  }
0x160: {  	v0 =	vadd.f32 v44, v24;
	v24 =	vmul.f32 v28, v28;
	v28 =	vmul.f32 v31, v31;
	v31 =	vld [tilespmem:s31+$0x8330]  }
0x161: {  	v56 =	vld [tilespmem:s31+$0x83A0];
	v27 =	vadd.f32 v38, v27;
	v12 =	vadd.f32 v45, v12;
	v29 =	vmul.f32 v29, v29  }
0x162: {  	v57 =	vld [tilespmem:s31+$0x83B0];
	v25 =	vmul.f32 v25, v25;
	v24 =	vadd.f32 v24, v35;
	v26 =	vadd.f32 v28, v26  }
0x163: {  	v58 =	vld [tilespmem:s31+$0x83C0];
	v28 =	vmul.f32 v48, v48;
	v29 =	vadd.f32 v29, v32;
	v30 =	vmul.f32 v30, v30  }
0x164: {  	v59 =	vld [tilespmem:s31+$0x83D0];
	v24 =	vadd.f32 v36, v24;
	v25 =	vadd.f32 v25, v26;
	v26 =	vmul.f32 v55, v55  }
0x165: {  	v61 =	vld [tilespmem:s31+$0x8350];
	v27 =	vadd.f32 v28, v27;
	v28 =	vadd.f32 v30, v29;
	v29 =	vmul.f32 v31, v31  }
0x166: {  	v62 =	vmul.f32 v56, v56;
	v30 =	vld [tilespmem:s31+$0x8340];
	v31 =	vadd.f32 v52, v24;
	v60 =	vadd.f32 v54, v25  }
0x167: {  	v35 =	vmul.f32 v57, v57;
	v24 =	vld [tilespmem:s31+$0x82C0];
	v27 =	vadd.f32 v26, v27;
	v29 =	vadd.f32 v29, v28  }
0x168: {  	v25 =	vld [tilespmem:s31+$0x82D0];
	v31 =	vadd.f32 v50, v31;
	v38 =	vadd.f32 v34, v60;
	v28 =	vmul.f32 v58, v58  }
0x169: {  	v26 =	vld [tilespmem:s31+$0x8240];
	v63 =	vadd.f32 v62, v27;
	v35 =	vadd.f32 v35, v29;
	v29 =	vmul.f32 v59, v59  }
0x16a: {  	v27 =	vld [tilespmem:s31+$0x8250];
	v34 =	vadd.f32 v33, v31;
	v33 =	vadd.f32 v37, v38;
	v31 =	vmul.f32 v61, v61  }
0x16b: {  	s0 =	simm.s32 $0x1000;
	v32 =	vld [tilespmem:s31+$0x8260];
	v36 =	vadd.f32 v39, v63;
	v30 =	vmul.f32 v30, v30;
	v35 =	vadd.f32 v40, v35  }
.LBB2_6:
0x16c: {  	p0 =	sne.s32 s0, $0xF000;
	v37 =	vld [tilespmem:s31+$0x8270];
	v38 =	vmul.f32 v24, v24;
	v22 =	vadd.f32 v22, v34;
	v20 =	vadd.f32 v20, v33  }
0x16d: {  	v33 =	vmul.f32 v25, v25;
	v34 =	vld [tilespmem:s31+$0x82E0];
	v23 =	vadd.f32 v23, v36;
	v21 =	vadd.f32 v21, v35  }
0x16e: {  	v35 =	vmul.f32 v26, v26;
	v36 =	vld [tilespmem:s31+$0x82F0];
	v18 =	vadd.f32 v18, v22;
	v16 =	vadd.f32 v16, v20  }
0x16f: {  	v20 =	vmul.f32 v27, v27;
	v22 =	vld [tilespmem:s31+$0x8360];
	v19 =	vadd.f32 v19, v23;
	v17 =	vadd.f32 v17, v21  }
0x170: {  	v21 =	vmul.f32 v32, v32;
	v23 =	vld [tilespmem:s31+$0x8370];
	v24 =	vadd.f32 v15, v18;
	v25 =	vadd.f32 v13, v16  }
0x171: {  	v13 =	vmul.f32 v37, v37;
	v15 =	vld [tilespmem:s31+$0x83E0];
	v26 =	vadd.f32 v14, v19;
	v27 =	vadd.f32 v10, v17  }
0x172: {  	v1 =	vadd.f32 v35, v1;
	v10 =	vadd.f32 v20, v11;
	v11 =	vmul.f32 v34, v34;
	v14 =	vld [tilespmem:s31+$0x83F0]  }
0x173: {  	v0 =	vadd.f32 v21, v0;
	v12 =	vadd.f32 v13, v12;
	v13 =	vmul.f32 v36, v36;
	v16 =	vld [tilespmem:s31+$0x8460]  }
0x174: {  	v1 =	vadd.f32 v38, v1;
	v10 =	vadd.f32 v33, v10;
	v17 =	vmul.f32 v22, v22;
	v18 =	vld [tilespmem:s31+$0x8470]  }
0x175: {  	v0 =	vadd.f32 v11, v0;
	v11 =	vadd.f32 v13, v12;
	v12 =	vmul.f32 v23, v23;
	v13 =	vld [tilespmem:s31+$0x84E0]  }
0x176: {  	v1 =	vadd.f32 v30, v1;
	v10 =	vadd.f32 v31, v10;
	v15 =	vmul.f32 v15, v15;
	v19 =	vld [tilespmem:s31+$0x84F0]  }
0x177: {  	v0 =	vadd.f32 v17, v0;
	v11 =	vadd.f32 v12, v11;
	v12 =	vmul.f32 v14, v14;
	v14 =	vld [tilespmem:s31+$0x8560]  }
0x178: {  	v1 =	vadd.f32 v28, v1;
	v10 =	vadd.f32 v29, v10;
	v16 =	vmul.f32 v16, v16;
	v17 =	vld [tilespmem:s31+$0x8570]  }
0x179: {  	v0 =	vadd.f32 v15, v0;
	v11 =	vadd.f32 v12, v11;
	v12 =	vmul.f32 v18, v18;
	v15 =	vld [tilespmem:s31+$0x85E0]  }
0x17a: {  	v1 =	vadd.f32 v5, v1;
	v4 =	vadd.f32 v4, v10;
	v5 =	vmul.f32 v13, v13;
	v10 =	vld [tilespmem:s31+$0x85F0];
	s31 =	sshra.s32 s0, $0x2  }
0x17b: {  	v0 =	vadd.f32 v16, v0;
	v13 =	vld [tilespmem:s31+$0x8580];
	v11 =	vadd.f32 v12, v11;
	v12 =	vmul.f32 v19, v19  }
0x17c: {  	v1 =	vadd.f32 v9, v1;
	v4 =	vadd.f32 v8, v4;
	v16 =	vld [tilespmem:s31+$0x8590];
	v8 =	vmul.f32 v14, v14  }
0x17d: {  	v0 =	vadd.f32 v5, v0;
	v9 =	vld [tilespmem:s31+$0x85A0];
	v5 =	vadd.f32 v12, v11;
	v11 =	vmul.f32 v17, v17  }
0x17e: {  	v1 =	vadd.f32 v7, v1;
	v4 =	vadd.f32 v6, v4;
	v17 =	vld [tilespmem:s31+$0x85B0];
	v6 =	vmul.f32 v15, v15  }
0x17f: {  	v0 =	vadd.f32 v8, v0;
	v7 =	vld [tilespmem:s31+$0x85C0];
	v5 =	vadd.f32 v11, v5;
	v8 =	vmul.f32 v10, v10  }
0x180: {  	v1 =	vadd.f32 v3, v1;
	v11 =	vadd.f32 v2, v4;
	v18 =	vld [tilespmem:s31+$0x85D0]  }
0x181: {  	v0 =	vadd.f32 v6, v0;
	v4 =	vld [tilespmem:s31+$0x8500];
	v12 =	vadd.f32 v8, v5  }
0x182: {  	v5 =	vld [tilespmem:s31+$0x8510]  }
0x183: {  	v6 =	vld [tilespmem:s31+$0x8520]  }
0x184: {  	v8 =	vld [tilespmem:s31+$0x8530]  }
0x185: {  	v20 =	vld [tilespmem:s31+$0x8540]  }
0x186: {  	v21 =	vld [tilespmem:s31+$0x8550]  }
0x187: {  	v22 =	vld [tilespmem:s31+$0x8480]  }
0x188: {  	v23 =	vld [tilespmem:s31+$0x8490]  }
0x189: {  	v28 =	vld [tilespmem:s31+$0x84A0]  }
0x18a: {  	v29 =	vld [tilespmem:s31+$0x84B0]  }
0x18b: {  	v30 =	vld [tilespmem:s31+$0x84C0]  }
0x18c: {  	v31 =	vld [tilespmem:s31+$0x84D0]  }
0x18d: {  	v32 =	vld [tilespmem:s31+$0x8400]  }
0x18e: {  	v33 =	vld [tilespmem:s31+$0x8410]  }
0x18f: {  	v34 =	vld [tilespmem:s31+$0x8420]  }
0x190: {  	v35 =	vld [tilespmem:s31+$0x8430]  }
0x191: {  	v15 =	vmul.f32 v13, v13;
	v13 =	vmul.f32 v16, v16;
	v36 =	vld [tilespmem:s31+$0x8440]  }
0x192: {  	v14 =	vmul.f32 v9, v9;
	v10 =	vmul.f32 v17, v17;
	v37 =	vld [tilespmem:s31+$0x8450]  }
0x193: {  	v3 =	vmul.f32 v7, v7;
	v2 =	vmul.f32 v18, v18;
	v38 =	vld [tilespmem:s31+$0x8380]  }
0x194: {  	v18 =	vmul.f32 v4, v4;
	v16 =	vmul.f32 v5, v5;
	v39 =	vld [tilespmem:s31+$0x8390]  }
0x195: {  	v19 =	vmul.f32 v6, v6;
	v17 =	vmul.f32 v8, v8;
	v40 =	vld [tilespmem:s31+$0x8300]  }
0x196: {  	v7 =	vmul.f32 v20, v20;
	v6 =	vmul.f32 v21, v21;
	v41 =	vld [tilespmem:s31+$0x8310]  }
0x197: {  	v22 =	vmul.f32 v22, v22;
	v20 =	vmul.f32 v23, v23;
	v42 =	vld [tilespmem:s31+$0x8280]  }
0x198: {  	v23 =	vmul.f32 v28, v28;
	v21 =	vmul.f32 v29, v29;
	v43 =	vld [tilespmem:s31+$0x8290]  }
0x199: {  	v9 =	vmul.f32 v30, v30;
	v8 =	vmul.f32 v31, v31;
	v28 =	vld [tilespmem:s31+$0x8200]  }
0x19a: {  	v31 =	vmul.f32 v32, v32;
	v32 =	vmul.f32 v33, v33;
	v29 =	vld [tilespmem:s31+$0x8210]  }
0x19b: {  	v44 =	vmul.f32 v34, v34;
	v35 =	vmul.f32 v35, v35;
	v30 =	vld [tilespmem:s31+$0x8220]  }
0x19c: {  	v5 =	vmul.f32 v36, v36;
	v4 =	vmul.f32 v37, v37;
	v33 =	vld [tilespmem:s31+$0x8230]  }
0x19d: {  	v36 =	vmul.f32 v38, v38;
	v37 =	vmul.f32 v39, v39;
	v34 =	vld [tilespmem:s31+$0x82A0]  }
0x19e: {  	v39 =	vmul.f32 v40, v40;
	v40 =	vmul.f32 v41, v41;
	v38 =	vld [tilespmem:s31+$0x82B0]  }
0x19f: {  	v41 =	vmul.f32 v42, v42;
	v42 =	vmul.f32 v43, v43;
	v43 =	vld [tilespmem:s31+$0x8320]  }
0x1a0: {  	v28 =	vmul.f32 v28, v28;
	v29 =	vmul.f32 v29, v29;
	v45 =	vld [tilespmem:s31+$0x8330]  }
0x1a1: {  	v30 =	vmul.f32 v30, v30;
	v33 =	vmul.f32 v33, v33;
	v46 =	vld [tilespmem:s31+$0x83A0]  }
0x1a2: {  	v24 =	vadd.f32 v28, v24;
	v25 =	vadd.f32 v29, v25;
	v28 =	vmul.f32 v34, v34;
	v29 =	vld [tilespmem:s31+$0x83B0]  }
0x1a3: {  	v26 =	vadd.f32 v30, v26;
	v27 =	vadd.f32 v33, v27;
	v30 =	vmul.f32 v38, v38;
	v33 =	vld [tilespmem:s31+$0x83C0]  }
0x1a4: {  	v24 =	vadd.f32 v41, v24;
	v25 =	vadd.f32 v42, v25;
	v34 =	vmul.f32 v43, v43;
	v38 =	vld [tilespmem:s31+$0x83D0]  }
0x1a5: {  	v26 =	vadd.f32 v28, v26;
	v27 =	vadd.f32 v30, v27;
	v28 =	vmul.f32 v45, v45;
	v30 =	vld [tilespmem:s31+$0x8340]  }
0x1a6: {  	v39 =	vadd.f32 v39, v24;
	v40 =	vadd.f32 v40, v25;
	v41 =	vld [tilespmem:s31+$0x8350];
	v42 =	vmul.f32 v46, v46  }
.Ltmp2:
0x1a7: {  	v34 =	vadd.f32 v34, v26;
	v24 =	vld [tilespmem:s31+$0x82C0];
	v27 =	vadd.f32 v28, v27;
	v29 =	vmul.f32 v29, v29;
	(pc) =	sbr.rel @p0 .LBB2_6-.Ltmp2, $4  }
0x1a8: {  	v36 =	vadd.f32 v36, v39;
	v37 =	vadd.f32 v37, v40;
	v25 =	vld [tilespmem:s31+$0x82D0];
	v28 =	vmul.f32 v33, v33  }
0x1a9: {  	v39 =	vadd.f32 v42, v34;
	v26 =	vld [tilespmem:s31+$0x8240];
	v40 =	vadd.f32 v29, v27;
	v29 =	vmul.f32 v38, v38  }
0x1aa: {  	v34 =	vadd.f32 v31, v36;
	v33 =	vadd.f32 v32, v37;
	v27 =	vld [tilespmem:s31+$0x8250];
	v30 =	vmul.f32 v30, v30  }
0x1ab: {  	s0 =	sadd.s32 $0x1000, s0;
	v36 =	vadd.f32 v44, v39;
	v32 =	vld [tilespmem:s31+$0x8260];
	v31 =	vmul.f32 v41, v41;
	v35 =	vadd.f32 v35, v40  }
0x1ac: {  	v37 =	vld [tilespmem:s31+$0x8270]  }
0x1ad: {  	v38 =	vld [tilespmem:s31+$0x82E0]  }
0x1ae: {  	v39 =	vld [tilespmem:s31+$0x82F0]  }
0x1af: {  	v40 =	vld [tilespmem:s31+$0x8360]  }
0x1b0: {  	v41 =	vld [tilespmem:s31+$0x8370]  }
0x1b1: {  	v42 =	vld [tilespmem:s31+$0x83E0]  }
0x1b2: {  	v43 =	vld [tilespmem:s31+$0x83F0]  }
0x1b3: {  	v44 =	vld [tilespmem:s31+$0x8460]  }
0x1b4: {  	v45 =	vld [tilespmem:s31+$0x8470]  }
0x1b5: {  	v46 =	vld [tilespmem:s31+$0x84E0]  }
0x1b6: {  	v47 =	vld [tilespmem:s31+$0x84F0]  }
0x1b7: {  	v48 =	vld [tilespmem:s31+$0x8560]  }
0x1b8: {  	v49 =	vld [tilespmem:s31+$0x8570]  }
0x1b9: {  	v50 =	vld [tilespmem:s31+$0x85E0]  }
0x1ba: {  	v51 =	vld [tilespmem:s31+$0x85F0];
	_ =	swait.ge [sflag:s22], $0x4000  }
0x1bb: {  	[sflag:s22] =	ssyncset.done $0x0  }
0x1bc: {  	s31 =	simm.s32 $0x0;
	[sflag:s22] =	ssyncadd.s32 $0xFFFFC000  }
0x1bd: {  	v52 =	vld [tilespmem:s31+$0x580]  }
0x1be: {  	v53 =	vld [tilespmem:s31+$0x590]  }
0x1bf: {  	v54 =	vld [tilespmem:s31+$0x5A0]  }
0x1c0: {  	v55 =	vld [tilespmem:s31+$0x5B0]  }
0x1c1: {  	v22 =	vadd.f32 v22, v34;
	v56 =	vld [tilespmem:s31+$0x5C0]  }
0x1c2: {  	v20 =	vadd.f32 v20, v33;
	v23 =	vadd.f32 v23, v36;
	v57 =	vld [tilespmem:s31+$0x5D0]  }
0x1c3: {  	v21 =	vadd.f32 v21, v35;
	v18 =	vadd.f32 v18, v22;
	v22 =	vld [tilespmem:s31+$0x500]  }
0x1c4: {  	v16 =	vadd.f32 v16, v20;
	v20 =	vld [tilespmem:s31+$0x510]  }
0x1c5: {  	v19 =	vadd.f32 v19, v23;
	v17 =	vadd.f32 v17, v21;
	v21 =	vmul.f32 v27, v27;
	v59 =	vld [tilespmem:s31+$0x440]  }
0x1c6: {  	v60 =	vld [tilespmem:s31+$0x450];
	v23 =	vadd.f32 v15, v18;
	v18 =	vmul.f32 v26, v26;
	v35 =	vadd.f32 v13, v16  }
0x1c7: {  	v62 =	vld [tilespmem:s31+$0x380];
	v13 =	vmul.f32 v32, v32;
	v36 =	vadd.f32 v14, v19;
	v32 =	vadd.f32 v10, v17  }
0x1c8: {  	v15 =	vld [tilespmem:s31+$0x520];
	v10 =	vmul.f32 v37, v37;
	v11 =	vadd.f32 v21, v11;
	v17 =	vmul.f32 v24, v24  }
0x1c9: {  	v16 =	vld [tilespmem:s31+$0x530];
	v27 =	vmul.f32 v45, v45;
	v1 =	vadd.f32 v18, v1;
	v18 =	vmul.f32 v25, v25  }
0x1ca: {  	v26 =	vld [tilespmem:s31+$0x4A0];
	v0 =	vadd.f32 v13, v0;
	v13 =	vmul.f32 v38, v38;
	v10 =	vadd.f32 v10, v12  }
0x1cb: {  	v14 =	vld [tilespmem:s31+$0x540];
	v12 =	vmul.f32 v39, v39;
	v39 =	vmul.f32 v47, v47;
	v1 =	vadd.f32 v17, v1  }
0x1cc: {  	v21 =	vld [tilespmem:s31+$0x550];
	v0 =	vadd.f32 v13, v0;
	v13 =	vmul.f32 v40, v40;
	v17 =	vmul.f32 v42, v42  }
0x1cd: {  	v24 =	vld [tilespmem:s31+$0x480];
	v11 =	vadd.f32 v18, v11;
	v18 =	vmul.f32 v44, v44;
	v44 =	vmul.f32 v51, v51  }
0x1ce: {  	v37 =	vld [tilespmem:s31+$0x4B0];
	v10 =	vadd.f32 v12, v10;
	v12 =	vmul.f32 v41, v41;
	v41 =	vmul.f32 v49, v49  }
0x1cf: {  	v45 =	vld [tilespmem:s31+$0x430];
	v16 =	vmul.f32 v16, v16;
	v26 =	vmul.f32 v26, v26;
	v1 =	vadd.f32 v30, v1  }
0x1d0: {  	v40 =	vld [tilespmem:s31+$0x410];
	v11 =	vadd.f32 v31, v11;
	v0 =	vadd.f32 v13, v0;
	v13 =	vmul.f32 v43, v43  }
0x1d1: {  	v25 =	vld [tilespmem:s31+$0x490];
	v43 =	vmul.f32 v50, v50;
	v10 =	vadd.f32 v12, v10;
	v12 =	vmul.f32 v54, v54  }
0x1d2: {  	v38 =	vld [tilespmem:s31+$0x400];
	v1 =	vadd.f32 v28, v1;
	v28 =	vmul.f32 v46, v46;
	v19 =	vadd.f32 v29, v11  }
0x1d3: {  	v42 =	vld [tilespmem:s31+$0x420];
	v29 =	vmul.f32 v48, v48;
	v17 =	vadd.f32 v17, v0;
	v11 =	vmul.f32 v53, v53  }
0x1d4: {  	v30 =	vld [tilespmem:s31+$0x4C0];
	v0 =	vmul.f32 v57, v57;
	v58 =	vadd.f32 v13, v10;
	v13 =	vmul.f32 v52, v52  }
0x1d5: {  	v31 =	vld [tilespmem:s31+$0x4D0];
	v10 =	vmul.f32 v55, v55;
	v33 =	vmul.f32 v40, v40;
	v5 =	vadd.f32 v5, v1  }
0x1d6: {  	v54 =	vld [tilespmem:s31+$0x390];
	v61 =	vadd.f32 v4, v19;
	v1 =	vmul.f32 v56, v56;
	v19 =	vmul.f32 v22, v22  }
0x1d7: {  	v57 =	vld [tilespmem:s31+$0x280];
	v63 =	vadd.f32 v18, v17;
	v17 =	vmul.f32 v20, v20;
	v18 =	vmul.f32 v15, v15  }
0x1d8: {  	v55 =	vld [tilespmem:s31+$0x300];
	v4 =	vmul.f32 v21, v21;
	v21 =	vmul.f32 v25, v25  }
0x1d9: {  	v56 =	vld [tilespmem:s31+$0x310];
	v20 =	vmul.f32 v37, v37;
	v22 =	vadd.f32 v27, v58;
	v27 =	vmul.f32 v24, v24  }
0x1da: {  	v25 =	vld [tilespmem:s31+$0x290];
	v15 =	vadd.f32 v9, v5;
	v5 =	vmul.f32 v14, v14;
	v9 =	vmul.f32 v30, v30  }
0x1db: {  	v58 =	vld [tilespmem:s31+$0x220];
	v14 =	vadd.f32 v8, v61;
	v8 =	vmul.f32 v31, v31;
	v31 =	vmul.f32 v38, v38  }
0x1dc: {  	v24 =	vadd.f32 v28, v63;
	v28 =	vld [tilespmem:s31+$0x200];
	v38 =	vmul.f32 v42, v42;
	v34 =	vmul.f32 v54, v54  }
0x1dd: {  	v30 =	vld [tilespmem:s31+$0x210];
	v22 =	vadd.f32 v39, v22;
	v39 =	vmul.f32 v45, v45;
	v63 =	vmul.f32 v57, v57  }
0x1de: {  	v7 =	vadd.f32 v7, v15;
	v24 =	vadd.f32 v29, v24;
	v29 =	vld [tilespmem:s31+$0x230];
	v15 =	vmul.f32 v59, v59  }
0x1df: {  	v6 =	vadd.f32 v6, v14;
	v14 =	vmul.f32 v60, v60;
	v59 =	vld [tilespmem:s31+$0x2A0];
	v61 =	vmul.f32 v55, v55  }
0x1e0: {  	v60 =	vld [tilespmem:s31+$0x2B0];
	v22 =	vadd.f32 v41, v22;
	v41 =	vmul.f32 v62, v62;
	v62 =	vmul.f32 v56, v56  }
0x1e1: {  	v52 =	vld [tilespmem:s31+$0x320];
	v25 =	vmul.f32 v25, v25;
	v3 =	vadd.f32 v3, v7;
	v2 =	vadd.f32 v2, v6  }
0x1e2: {  	v6 =	vadd.f32 v43, v24;
	v24 =	vmul.f32 v28, v28;
	v28 =	vmul.f32 v30, v30;
	v30 =	vld [tilespmem:s31+$0x330]  }
0x1e3: {  	v53 =	vld [tilespmem:s31+$0x3A0];
	v7 =	vadd.f32 v44, v22;
	v22 =	vmul.f32 v58, v58;
	v29 =	vmul.f32 v29, v29  }
0x1e4: {  	v54 =	vld [tilespmem:s31+$0x3B0];
	v23 =	vadd.f32 v24, v23;
	v24 =	vadd.f32 v28, v35;
	v28 =	vmul.f32 v59, v59  }
0x1e5: {  	v56 =	vld [tilespmem:s31+$0x3C0];
	v22 =	vadd.f32 v22, v36;
	v55 =	vmul.f32 v60, v60;
	v29 =	vadd.f32 v29, v32  }
0x1e6: {  	v57 =	vld [tilespmem:s31+$0x3D0];
	v23 =	vadd.f32 v63, v23;
	v24 =	vadd.f32 v25, v24;
	v25 =	vmul.f32 v52, v52  }
0x1e7: {  	v58 =	vld [tilespmem:s31+$0x340];
	v28 =	vadd.f32 v28, v22;
	v30 =	vmul.f32 v30, v30;
	v29 =	vadd.f32 v55, v29  }
0x1e8: {  	v37 =	vmul.f32 v53, v53;
	v60 =	vld [tilespmem:s31+$0x350];
	v59 =	vadd.f32 v61, v23;
	v24 =	vadd.f32 v62, v24  }
0x1e9: {  	v22 =	vld [tilespmem:s31+$0x2C0];
	v25 =	vadd.f32 v25, v28;
	v29 =	vadd.f32 v30, v29;
	v30 =	vmul.f32 v54, v54  }
0x1ea: {  	v23 =	vld [tilespmem:s31+$0x2D0];
	v28 =	vmul.f32 v56, v56;
	v61 =	vadd.f32 v41, v59;
	v34 =	vadd.f32 v34, v24  }
0x1eb: {  	v24 =	vld [tilespmem:s31+$0x240];
	v62 =	vadd.f32 v37, v25;
	v63 =	vadd.f32 v30, v29;
	v29 =	vmul.f32 v57, v57  }
0x1ec: {  	v25 =	vld [tilespmem:s31+$0x250];
	v30 =	vmul.f32 v58, v58;
	v35 =	vadd.f32 v31, v61;
	v33 =	vadd.f32 v33, v34  }
0x1ed: {  	s0 =	simm.s32 $0x1000;
	v32 =	vld [tilespmem:s31+$0x260];
	v31 =	vmul.f32 v60, v60;
	v36 =	vadd.f32 v38, v62;
	v34 =	vadd.f32 v39, v63  }
.LBB2_8:
0x1ee: {  	p0 =	sne.s32 s0, $0xF000;
	v37 =	vld [tilespmem:s31+$0x270];
	v38 =	vmul.f32 v22, v22;
	v22 =	vadd.f32 v27, v35;
	v21 =	vadd.f32 v21, v33  }
0x1ef: {  	v27 =	vmul.f32 v23, v23;
	v33 =	vld [tilespmem:s31+$0x2E0];
	v23 =	vadd.f32 v26, v36;
	v20 =	vadd.f32 v20, v34  }
0x1f0: {  	v26 =	vmul.f32 v24, v24;
	v34 =	vld [tilespmem:s31+$0x2F0];
	v19 =	vadd.f32 v19, v22;
	v17 =	vadd.f32 v17, v21  }
0x1f1: {  	v21 =	vmul.f32 v25, v25;
	v35 =	vld [tilespmem:s31+$0x360];
	v18 =	vadd.f32 v18, v23;
	v16 =	vadd.f32 v16, v20  }
0x1f2: {  	v20 =	vmul.f32 v32, v32;
	v32 =	vld [tilespmem:s31+$0x370];
	v22 =	vadd.f32 v13, v19;
	v23 =	vadd.f32 v11, v17  }
0x1f3: {  	v11 =	vmul.f32 v37, v37;
	v13 =	vld [tilespmem:s31+$0x3E0];
	v24 =	vadd.f32 v12, v18;
	v25 =	vadd.f32 v10, v16  }
0x1f4: {  	v3 =	vadd.f32 v26, v3;
	v2 =	vadd.f32 v21, v2;
	v10 =	vmul.f32 v33, v33;
	v12 =	vld [tilespmem:s31+$0x3F0]  }
0x1f5: {  	v6 =	vadd.f32 v20, v6;
	v7 =	vadd.f32 v11, v7;
	v11 =	vmul.f32 v34, v34;
	v16 =	vld [tilespmem:s31+$0x460]  }
0x1f6: {  	v3 =	vadd.f32 v38, v3;
	v2 =	vadd.f32 v27, v2;
	v17 =	vmul.f32 v35, v35;
	v18 =	vld [tilespmem:s31+$0x470]  }
0x1f7: {  	v6 =	vadd.f32 v10, v6;
	v7 =	vadd.f32 v11, v7;
	v10 =	vmul.f32 v32, v32;
	v11 =	vld [tilespmem:s31+$0x4E0]  }
0x1f8: {  	v3 =	vadd.f32 v30, v3;
	v2 =	vadd.f32 v31, v2;
	v13 =	vmul.f32 v13, v13;
	v19 =	vld [tilespmem:s31+$0x4F0]  }
0x1f9: {  	v6 =	vadd.f32 v17, v6;
	v7 =	vadd.f32 v10, v7;
	v10 =	vmul.f32 v12, v12;
	v12 =	vld [tilespmem:s31+$0x560]  }
0x1fa: {  	v3 =	vadd.f32 v28, v3;
	v2 =	vadd.f32 v29, v2;
	v16 =	vmul.f32 v16, v16;
	v17 =	vld [tilespmem:s31+$0x570]  }
0x1fb: {  	v6 =	vadd.f32 v13, v6;
	v7 =	vadd.f32 v10, v7;
	v10 =	vmul.f32 v18, v18;
	v13 =	vld [tilespmem:s31+$0x5E0]  }
0x1fc: {  	v3 =	vadd.f32 v15, v3;
	v2 =	vadd.f32 v14, v2;
	v11 =	vmul.f32 v11, v11;
	v14 =	vld [tilespmem:s31+$0x5F0];
	s31 =	sshra.s32 s0, $0x2  }
0x1fd: {  	v6 =	vadd.f32 v16, v6;
	v15 =	vld [tilespmem:s31+$0x580];
	v7 =	vadd.f32 v10, v7;
	v10 =	vmul.f32 v19, v19  }
0x1fe: {  	v3 =	vadd.f32 v9, v3;
	v2 =	vadd.f32 v8, v2;
	v16 =	vld [tilespmem:s31+$0x590];
	v8 =	vmul.f32 v12, v12  }
0x1ff: {  	v6 =	vadd.f32 v11, v6;
	v9 =	vld [tilespmem:s31+$0x5A0];
	v7 =	vadd.f32 v10, v7;
	v10 =	vmul.f32 v17, v17  }
0x200: {  	v3 =	vadd.f32 v5, v3;
	v2 =	vadd.f32 v4, v2;
	v17 =	vld [tilespmem:s31+$0x5B0];
	v4 =	vmul.f32 v13, v13  }
0x201: {  	v6 =	vadd.f32 v8, v6;
	v5 =	vld [tilespmem:s31+$0x5C0];
	v7 =	vadd.f32 v10, v7;
	v8 =	vmul.f32 v14, v14  }
0x202: {  	v3 =	vadd.f32 v1, v3;
	v2 =	vadd.f32 v0, v2;
	v14 =	vld [tilespmem:s31+$0x5D0]  }
0x203: {  	v6 =	vadd.f32 v4, v6;
	v18 =	vld [tilespmem:s31+$0x500];
	v7 =	vadd.f32 v8, v7  }
0x204: {  	v4 =	vld [tilespmem:s31+$0x510]  }
0x205: {  	v8 =	vld [tilespmem:s31+$0x520]  }
0x206: {  	v20 =	vld [tilespmem:s31+$0x530]  }
0x207: {  	v21 =	vld [tilespmem:s31+$0x540]  }
0x208: {  	v26 =	vld [tilespmem:s31+$0x550]  }
0x209: {  	v27 =	vld [tilespmem:s31+$0x480]  }
0x20a: {  	v28 =	vld [tilespmem:s31+$0x490]  }
0x20b: {  	v29 =	vld [tilespmem:s31+$0x4A0]  }
0x20c: {  	v30 =	vld [tilespmem:s31+$0x4B0]  }
0x20d: {  	v31 =	vld [tilespmem:s31+$0x4C0]  }
0x20e: {  	v32 =	vld [tilespmem:s31+$0x4D0]  }
0x20f: {  	v33 =	vld [tilespmem:s31+$0x400]  }
0x210: {  	v34 =	vld [tilespmem:s31+$0x410]  }
0x211: {  	v35 =	vld [tilespmem:s31+$0x420]  }
0x212: {  	v36 =	vld [tilespmem:s31+$0x430]  }
0x213: {  	v13 =	vmul.f32 v15, v15;
	v11 =	vmul.f32 v16, v16;
	v37 =	vld [tilespmem:s31+$0x440]  }
0x214: {  	v12 =	vmul.f32 v9, v9;
	v10 =	vmul.f32 v17, v17;
	v38 =	vld [tilespmem:s31+$0x450]  }
0x215: {  	v1 =	vmul.f32 v5, v5;
	v0 =	vmul.f32 v14, v14;
	v39 =	vld [tilespmem:s31+$0x380]  }
0x216: {  	v19 =	vmul.f32 v18, v18;
	v17 =	vmul.f32 v4, v4;
	v40 =	vld [tilespmem:s31+$0x390]  }
0x217: {  	v18 =	vmul.f32 v8, v8;
	v16 =	vmul.f32 v20, v20;
	v41 =	vld [tilespmem:s31+$0x300]  }
0x218: {  	v5 =	vmul.f32 v21, v21;
	v4 =	vmul.f32 v26, v26;
	v42 =	vld [tilespmem:s31+$0x310]  }
0x219: {  	v27 =	vmul.f32 v27, v27;
	v21 =	vmul.f32 v28, v28;
	v43 =	vld [tilespmem:s31+$0x280]  }
0x21a: {  	v26 =	vmul.f32 v29, v29;
	v20 =	vmul.f32 v30, v30;
	v28 =	vld [tilespmem:s31+$0x290]  }
0x21b: {  	v9 =	vmul.f32 v31, v31;
	v8 =	vmul.f32 v32, v32;
	v29 =	vld [tilespmem:s31+$0x200]  }
0x21c: {  	v31 =	vmul.f32 v33, v33;
	v32 =	vmul.f32 v34, v34;
	v30 =	vld [tilespmem:s31+$0x210]  }
0x21d: {  	v34 =	vmul.f32 v35, v35;
	v44 =	vmul.f32 v36, v36;
	v33 =	vld [tilespmem:s31+$0x220]  }
0x21e: {  	v15 =	vmul.f32 v37, v37;
	v14 =	vmul.f32 v38, v38;
	v35 =	vld [tilespmem:s31+$0x230]  }
0x21f: {  	v37 =	vmul.f32 v39, v39;
	v38 =	vmul.f32 v40, v40;
	v36 =	vld [tilespmem:s31+$0x2A0]  }
0x220: {  	v40 =	vmul.f32 v41, v41;
	v41 =	vmul.f32 v42, v42;
	v39 =	vld [tilespmem:s31+$0x2B0]  }
0x221: {  	v42 =	vmul.f32 v43, v43;
	v28 =	vmul.f32 v28, v28;
	v43 =	vld [tilespmem:s31+$0x320]  }
0x222: {  	v29 =	vmul.f32 v29, v29;
	v30 =	vmul.f32 v30, v30;
	v45 =	vld [tilespmem:s31+$0x330]  }
0x223: {  	v33 =	vmul.f32 v33, v33;
	v35 =	vmul.f32 v35, v35;
	v46 =	vld [tilespmem:s31+$0x3A0]  }
0x224: {  	v22 =	vadd.f32 v29, v22;
	v23 =	vadd.f32 v30, v23;
	v29 =	vmul.f32 v36, v36;
	v30 =	vld [tilespmem:s31+$0x3B0]  }
0x225: {  	v24 =	vadd.f32 v33, v24;
	v25 =	vadd.f32 v35, v25;
	v33 =	vmul.f32 v39, v39;
	v35 =	vld [tilespmem:s31+$0x3C0]  }
0x226: {  	v22 =	vadd.f32 v42, v22;
	v23 =	vadd.f32 v28, v23;
	v28 =	vmul.f32 v43, v43;
	v36 =	vld [tilespmem:s31+$0x3D0]  }
0x227: {  	v24 =	vadd.f32 v29, v24;
	v25 =	vadd.f32 v33, v25;
	v29 =	vmul.f32 v45, v45;
	v33 =	vld [tilespmem:s31+$0x340]  }
0x228: {  	v39 =	vadd.f32 v40, v22;
	v40 =	vadd.f32 v41, v23;
	v41 =	vld [tilespmem:s31+$0x350];
	v42 =	vmul.f32 v46, v46  }
.Ltmp3:
0x229: {  	v43 =	vadd.f32 v28, v24;
	v22 =	vld [tilespmem:s31+$0x2C0];
	v25 =	vadd.f32 v29, v25;
	v29 =	vmul.f32 v30, v30;
	(pc) =	sbr.rel @p0 .LBB2_8-.Ltmp3, $4  }
0x22a: {  	v37 =	vadd.f32 v37, v39;
	v38 =	vadd.f32 v38, v40;
	v23 =	vld [tilespmem:s31+$0x2D0];
	v28 =	vmul.f32 v35, v35  }
0x22b: {  	v39 =	vadd.f32 v42, v43;
	v24 =	vld [tilespmem:s31+$0x240];
	v40 =	vadd.f32 v29, v25;
	v29 =	vmul.f32 v36, v36  }
0x22c: {  	v35 =	vadd.f32 v31, v37;
	v25 =	vld [tilespmem:s31+$0x250];
	v30 =	vmul.f32 v33, v33;
	v33 =	vadd.f32 v32, v38  }
0x22d: {  	s0 =	sadd.s32 $0x1000, s0;
	v36 =	vadd.f32 v34, v39;
	v32 =	vld [tilespmem:s31+$0x260];
	v31 =	vmul.f32 v41, v41;
	v34 =	vadd.f32 v44, v40  }
0x22e: {  	v27 =	vadd.f32 v27, v35  }
0x22f: {  	v21 =	vadd.f32 v21, v33;
	v26 =	vadd.f32 v26, v36  }
0x230: {  	v59 =	vld [tilespmem:s31+$0x270];
	v22 =	vmul.f32 v22, v22;
	v20 =	vadd.f32 v20, v34;
	v19 =	vadd.f32 v19, v27  }
0x231: {  	v60 =	vld [tilespmem:s31+$0x2E0];
	v24 =	vmul.f32 v24, v24;
	v17 =	vadd.f32 v17, v21;
	v18 =	vadd.f32 v18, v26  }
0x232: {  	v61 =	vld [tilespmem:s31+$0x2F0];
	v62 =	vmul.f32 v25, v25;
	v16 =	vadd.f32 v16, v20;
	v13 =	vadd.f32 v13, v19  }
0x233: {  	v26 =	vmul.f32 v32, v32;
	v11 =	vadd.f32 v11, v17;
	v3 =	vadd.f32 v24, v3  }
0x234: {  	v63 =	vld [tilespmem:s31+$0x360];
	v23 =	vmul.f32 v23, v23;
	v12 =	vadd.f32 v12, v18;
	v10 =	vadd.f32 v10, v16  }
0x235: {  	v35 =	vld [tilespmem:s31+$0x3E0];
	v34 =	vmul.f32 v59, v59;
	v2 =	vadd.f32 v62, v2;
	v6 =	vadd.f32 v26, v6  }
0x236: {  	v32 =	vld [tilespmem:s31+$0x370];
	v36 =	vmul.f32 v60, v60;
	v3 =	vadd.f32 v22, v3;
	v49 =	vadd.f32 v11, v13  }
0x237: {  	v37 =	vld [tilespmem:s31+$0x3F0];
	v38 =	vmul.f32 v61, v61;
	v7 =	vadd.f32 v34, v7;
	v2 =	vadd.f32 v23, v2  }
0x238: {  	v39 =	vld [tilespmem:s31+$0x460];
	v6 =	vadd.f32 v36, v6;
	v3 =	vadd.f32 v30, v3  }
0x239: {  	v41 =	vld [tilespmem:s31+$0x470];
	v40 =	vmul.f32 v63, v63;
	v53 =	vadd.f32 v12, v49;
	v7 =	vadd.f32 v38, v7  }
0x23a: {  	v43 =	vld [tilespmem:s31+$0x4E0];
	v18 =	vmul.f32 v35, v35;
	v2 =	vadd.f32 v31, v2;
	v3 =	vadd.f32 v28, v3  }
0x23b: {  	v45 =	vld [tilespmem:s31+$0x4F0];
	v42 =	vmul.f32 v32, v32;
	v6 =	vadd.f32 v40, v6;
	v56 =	vadd.f32 v10, v53  }
0x23c: {  	v46 =	vld [tilespmem:s31+$0x560];
	v44 =	vmul.f32 v37, v37;
	v2 =	vadd.f32 v29, v2;
	v3 =	vadd.f32 v15, v3  }
0x23d: {  	v19 =	vmul.f32 v39, v39;
	v7 =	vadd.f32 v42, v7;
	v6 =	vadd.f32 v18, v6  }
0x23e: {  	v48 =	vld [tilespmem:s31+$0x570];
	v47 =	vmul.f32 v41, v41;
	v2 =	vadd.f32 v14, v2;
	v3 =	vadd.f32 v9, v3  }
0x23f: {  	v50 =	vld [tilespmem:s31+$0x5E0];
	v51 =	vmul.f32 v43, v43;
	v7 =	vadd.f32 v44, v7;
	v6 =	vadd.f32 v19, v6  }
0x240: {  	v52 =	vmul.f32 v45, v45;
	v2 =	vadd.f32 v8, v2;
	v3 =	vadd.f32 v5, v3  }
0x241: {  	v54 =	vld [tilespmem:s31+$0x5F0];
	v55 =	vmul.f32 v46, v46;
	v7 =	vadd.f32 v47, v7;
	v6 =	vadd.f32 v51, v6  }
0x242: {  	v2 =	vadd.f32 v4, v2;
	v1 =	vadd.f32 v1, v3  }
0x243: {  	v58 =	vmul.f32 v48, v48;
	v57 =	vadd.f32 v52, v7;
	v6 =	vadd.f32 v55, v6  }
0x244: {  	v59 =	vmul.f32 v50, v50;
	v0 =	vadd.f32 v0, v2;
	v1 =	vadd.f32 v1, v56  }
0x245: {  	v60 =	vadd.f32 v58, v57  }
0x246: {  	v61 =	vmul.f32 v54, v54;
	v62 =	vadd.f32 v59, v6;
	v0 =	vadd.f32 v0, v1;
	_ =	sdelay $0x1  }
0x247: {  	v63 =	vadd.f32 v61, v60;
	v0 =	vadd.f32 v62, v0;
	_ =	sdelay $0x1  }
0x248: {  	s30 =	sadd.s32 $0x1, s30;
	v0 =	vadd.f32 v63, v0  }
0x249: {  	p0 =	sne.s32 s30, s12  }
.Ltmp4:
0x24a: {  	[tilespmem:$0xC200] =	vst v0;
	(pc) =	sbr.rel @p0 .LBB2_1-.Ltmp4, $4  }
0x24b: {  	[hbm4b:s11+s3] =	stream.linear.scatter [tilespmem:s29], [sflag:$0x8], $0x80, $0x38;
	[tilespmem:$0xE280] =	vst v63  }
0x24c: {  	_ =	swait.ge [sflag:s17], $0x80  }
0x24d: {  	[sflag:s17] =	ssyncset.done $0x0  }
0x24e: {  	[sflag:s17] =	ssyncadd.s32 $0xFFFFFF80  }
0x24f: {  	_ =	sfence.sel $0x180000  }
0x250: {  	[bflag:$0x0] =	sbarrier.arrive $0xFFFF  }
0x251: {  	_ =	strace $0x90000047  }
0x252: {  	[bflag:$0x2] =	sbarrier.arrive $0xFFFF  }
0x253: {  	p0 =	sne.s32 s1, $0x0;
	s0 =	rddreg [dreg:$0x4]  }
0x254: {  	s0 =	sadd.s32 @!p0 $0x100000, s0  }
0x255: {  	[sflag:s0] =	ssyncadd.tile.s32 @!p0 $0x1;
	_ =	shalt  }
.Lfunc_end2:
_tile_overlayer_lowered:
.L_overlay_start_2:
0x256: {  	(tag) =	ssettag $0x2  }
0x257: {  	s0 =	rddreg [dreg:$0x0];
	s2 =	stileid.u32  }
0x258: {  	s1 =	rddreg [dreg:$0x1];
	p0 =	sne.s32 s2, $0x0  }
0x259: {  	s3 =	rddreg [dreg:$0x2];
	[bflag:$0x3] =	sbarrier.arrive $0xFFFF;
	s2 =	simm.s32 @!p0 $0x1C08  }
0x25a: {  	[timem:s3], [sflag:s2] =	dma.local @!p0 [hbm:s0], s1  }
0x25b: {  	s0 =	simm.s32 @!p0 $0x8  }
0x25c: {  	_ =	swait.ge @!p0 [sflag:s0], s1  }
0x25d: {  	s1 =	ssub.s32 @!p0 $0x0, s1;
	[sflag:s0] =	ssyncset.done @!p0 $0x0  }
0x25e: {  	[sflag:s0] =	ssyncadd.s32 @!p0 s1  }
0x25f: {  	[bflag:$0x3] =	sbarrier.arrive $0xFFFF  }
0x260: {  	_ =	shalt  }

</sc_bundles>
